<compile_context>
chip_gen: v7x
topology: tpu7x:2x2x1
jax: 0.10.2.dev20260603
libtpu: 0.0.44.dev20260713+nightly
codegen_flags: <defaults>
</compile_context>

<pallas_src>
import functools

import jax
import jax.numpy as jnp
from jax import lax
from jax.experimental import pallas as pl
from jax.experimental.pallas import tpu as pltpu
from jax.experimental.pallas import tpu_sc as plsc

M = 100000
D = 512
B = 16384
L = 16
NC = 2
NS = 16
NW = NC * NS
RPW = B // NW
R = 8
NCHUNK = RPW // R
NBUF = 4
IC = 2048
NIC = B // IC
SG = 4


@functools.cache
def _build():
    mesh = plsc.VectorSubcoreMesh(core_axis_name="c", subcore_axis_name="s")
    return functools.partial(
        pl.kernel,
        mesh=mesh,
        compiler_params=pltpu.CompilerParams(needs_layout_passes=False),
        out_type=jax.ShapeDtypeStruct((B, D), jnp.float32),
        scratch_types=[
            pltpu.VMEM((M,), jnp.int32),
            pltpu.VMEM((2, IC), jnp.int32),
            pltpu.VMEM((RPW,), jnp.int32),
            pltpu.VMEM((RPW,), jnp.int32),
            pltpu.VMEM((NBUF, R, D), jnp.float32),
            pltpu.SemaphoreType.DMA((2,)),
            pltpu.SemaphoreType.DMA((NBUF,)),
            pltpu.SemaphoreType.DMA((NBUF,)),
        ],
    )(_scatter_read)


def _scatter_read(idx_hbm, val_hbm, out_hbm, win, idxc, own_idx, wbuf, rows,
                  isems, gsems, osems):
    wid = lax.axis_index("s") * NC + lax.axis_index("c")
    obase = wid * RPW

    lane = lax.iota(jnp.int32, L)

    def idx_load(ci, slot):
        return pltpu.make_async_copy(
            idx_hbm.at[pl.ds(ci * IC, IC)], idxc.at[slot], isems.at[slot])

    idx_load(0, 0).start()
    idx_load(1, 1).start()

    for ci in range(NIC):
        slot = ci % 2
        idx_load(ci, slot).wait()

        def scan_body(g, carry, _s=slot, _b=ci * IC):
            ivs = [idxc[_s, pl.ds((g * SG + u) * L, L)] for u in range(SG)]
            for u in range(SG):
                jv = _b + (g * SG + u) * L + lane
                plsc.store_scatter(win, [ivs[u]], jv)
            return carry

        lax.fori_loop(0, IC // L // SG, scan_body, 0, unroll=2)
        if ci + 2 < NIC:
            idx_load(ci + 2, slot).start()

    pltpu.sync_copy(idx_hbm.at[pl.ds(obase, RPW)], own_idx)

    def wloop(g, carry):
        ivs = [own_idx[pl.ds((g * SG + u) * L, L)] for u in range(SG)]
        ws = [plsc.load_gather(win, [ivs[u]]) for u in range(SG)]
        for u in range(SG):
            wbuf[pl.ds((g * SG + u) * L, L)] = ws[u]
        return carry

    lax.fori_loop(0, RPW // L // SG, wloop, 0, unroll=2)

    def gather(k, slot):
        return pltpu.make_async_copy(
            val_hbm.at[wbuf.at[pl.ds(k * R, R)]], rows.at[slot],
            gsems.at[slot])

    def put(k, slot):
        return pltpu.make_async_copy(
            rows.at[slot], out_hbm.at[pl.ds(obase + k * R, R)],
            osems.at[slot])

    for k in range(NBUF - 1):
        gather(k, k).start()

    def chunk_quad(t, carry):
        for u in range(NBUF):
            k = t * NBUF + u
            nxt = k + NBUF - 1
            nslot = (u + NBUF - 1) % NBUF

            @pl.when(nxt < NCHUNK)
            def _():
                @pl.when(nxt >= NBUF)
                def _():
                    put(nxt - NBUF, nslot).wait()

                gather(nxt, nslot).start()

            gather(k, u).wait()
            put(k, u).start()
        return carry

    lax.fori_loop(0, NCHUNK // NBUF, chunk_quad, 0)

    for k in range(NCHUNK - NBUF, NCHUNK):
        put(k, k % NBUF).wait()


def kernel(mem, indices, values):
    del mem
    idx = indices.astype(jnp.int32)
    return _build()(idx, values)

# --- scband reference (transcript-rebuilt; emitter-appended) ---
"""Pipeline reference for scband-memory-network-78924319031446 (READ-ONLY COPY).

The authoritative reference and input builder live on the scoring server;
editing this copy changes nothing except your own understanding.
"""

import jax, jax.numpy as jnp
import numpy as np

M = 100000
D = 512
B = 16384

def setup_inputs(seed: int = 0) -> dict:
    key = jax.random.key(seed)
    k1, k2 = jax.random.split(key)
    mem = jnp.zeros((M, D), dtype=jnp.float32)
    indices = jax.random.randint(k1, (B,), 0, M, dtype=jnp.int64)
    values = jax.random.normal(k2, (B, D), dtype=jnp.float32)
    return {"mem": mem, "indices": indices, "values": values}

def reference(mem, indices, values):
    # write_memory: scatter_update (overwrite semantics, like tf.Variable.scatter_update)
    new_mem = mem.at[indices].set(values)
    # read_memory: gather the just-written rows (tf.gather)
    read_out = jnp.take(new_mem, indices, axis=0)
    return read_out

if __name__ == "__main__":
    import jax
    _d = setup_inputs()
    print(jax.jit(kernel)(*tuple(_d.values())))

</pallas_src>

<mosaic_0001>
#map = affine_map<(d0, d1) -> (0)>
#map1 = affine_map<(d0, d1) -> (0, 0)>
module attributes {stable_mosaic.version = 14 : i64} {
  func.func @_scatter_read(%arg0: i32, %arg1: i32, %arg2: memref<16384xi32, #tpu.memory_space<hbm>>, %arg3: memref<16384x512xf32, #tpu.memory_space<hbm>>, %arg4: memref<16384x512xf32, #tpu.memory_space<hbm>>, %arg5: memref<100000xi32, #tpu.memory_space<vmem>>, %arg6: memref<2x2048xi32, #tpu.memory_space<vmem>>, %arg7: memref<512xi32, #tpu.memory_space<vmem>>, %arg8: memref<512xi32, #tpu.memory_space<vmem>>, %arg9: memref<4x8x512xf32, #tpu.memory_space<vmem>>, %arg10: memref<2x!tpu.dma_semaphore, #tpu.memory_space<semaphore_mem>>, %arg11: memref<4x!tpu.dma_semaphore, #tpu.memory_space<semaphore_mem>>, %arg12: memref<4x!tpu.dma_semaphore, #tpu.memory_space<semaphore_mem>>) attributes {dimension_semantics = [#tpu.dimension_semantics<core_parallel>, #tpu.dimension_semantics<subcore_parallel>], iteration_bounds = array<i64: 2, 16>, scalar_prefetch = 0 : i64, scratch_operands = 8 : i64, tpu.core_type = #tpu.core_type<sc_vector_subcore>, window_params = [{transform_indices = #map}, {transform_indices = #map1}, {transform_indices = #map1}]} {
    %mul3A = arith.constant 2 : i32
    %mul3A_0 = arith.muli %arg1, %mul3A : i32
    %add3A = arith.addi %mul3A_0, %arg0 : i32
    %mul3A_1 = arith.constant 512 : i32
    %mul3A_2 = arith.muli %add3A, %mul3A_1 : i32
    %iota3A = tpu.iota {dimensions = array<i32: 0>} : vector<16xi32>
    %dma_start3A = arith.constant 0 : i32
    %dma_start3A_3 = arith.constant 0 : i32
    %dma_start3A_4 = arith.constant 0 : i32
    %dma_start3A_5 = tpu.memref_slice %arg6[%dma_start3A, %dma_start3A_4] : memref<2x2048xi32, #tpu.memory_space<vmem>> -> memref<1x2048xi32, #tpu.memory_space<vmem>>
    %dma_start3A_6 = tpu.memref_squeeze %dma_start3A_5 : memref<1x2048xi32, #tpu.memory_space<vmem>> -> memref<2048xi32, #tpu.memory_space<vmem>>
    %dma_start3A_7 = arith.constant 0 : i32
    %dma_start3A_8 = tpu.memref_slice %arg2[%dma_start3A_7] : memref<16384xi32, #tpu.memory_space<hbm>> -> memref<2048xi32, #tpu.memory_space<hbm>>
    %dma_start3A_9 = tpu.memref_slice %arg10[%dma_start3A_3] : memref<2x!tpu.dma_semaphore, #tpu.memory_space<semaphore_mem>> -> memref<1x!tpu.dma_semaphore, #tpu.memory_space<semaphore_mem>>
    %dma_start3A_10 = tpu.memref_squeeze %dma_start3A_9 : memref<1x!tpu.dma_semaphore, #tpu.memory_space<semaphore_mem>> -> memref<!tpu.dma_semaphore, #tpu.memory_space<semaphore_mem>>
    %dma_start3A_11 = arith.constant 0 : i32
    %dma_start3A_12 = tpu.memref_slice %arg6[%dma_start3A, %dma_start3A_11] : memref<2x2048xi32, #tpu.memory_space<vmem>> -> memref<1x2048xi32, #tpu.memory_space<vmem>>
    %dma_start3A_13 = tpu.memref_squeeze %dma_start3A_12 : memref<1x2048xi32, #tpu.memory_space<vmem>> -> memref<2048xi32, #tpu.memory_space<vmem>>
    %dma_start3A_14 = arith.constant 0 : i32
    %dma_start3A_15 = tpu.memref_slice %arg2[%dma_start3A_14] : memref<16384xi32, #tpu.memory_space<hbm>> -> memref<2048xi32, #tpu.memory_space<hbm>>
    tpu.enqueue_dma source(%dma_start3A_15 : memref<2048xi32, #tpu.memory_space<hbm>>) target(%dma_start3A_13 : memref<2048xi32, #tpu.memory_space<vmem>>) target_semaphore(%dma_start3A_10 : memref<!tpu.dma_semaphore, #tpu.memory_space<semaphore_mem>>)
    %dma_start3A_16 = arith.constant 1 : i32
    %dma_start3A_17 = arith.constant 1 : i32
    %dma_start3A_18 = arith.constant 0 : i32
    %dma_start3A_19 = tpu.memref_slice %arg6[%dma_start3A_16, %dma_start3A_18] : memref<2x2048xi32, #tpu.memory_space<vmem>> -> memref<1x2048xi32, #tpu.memory_space<vmem>>
    %dma_start3A_20 = tpu.memref_squeeze %dma_start3A_19 : memref<1x2048xi32, #tpu.memory_space<vmem>> -> memref<2048xi32, #tpu.memory_space<vmem>>
    %dma_start3A_21 = arith.constant 2048 : i32
    %dma_start3A_22 = tpu.memref_slice %arg2[%dma_start3A_21] : memref<16384xi32, #tpu.memory_space<hbm>> -> memref<2048xi32, #tpu.memory_space<hbm>>
    %dma_start3A_23 = tpu.memref_slice %arg10[%dma_start3A_17] : memref<2x!tpu.dma_semaphore, #tpu.memory_space<semaphore_mem>> -> memref<1x!tpu.dma_semaphore, #tpu.memory_space<semaphore_mem>>
    %dma_start3A_24 = tpu.memref_squeeze %dma_start3A_23 : memref<1x!tpu.dma_semaphore, #tpu.memory_space<semaphore_mem>> -> memref<!tpu.dma_semaphore, #tpu.memory_space<semaphore_mem>>
    %dma_start3A_25 = arith.constant 0 : i32
    %dma_start3A_26 = tpu.memref_slice %arg6[%dma_start3A_16, %dma_start3A_25] : memref<2x2048xi32, #tpu.memory_space<vmem>> -> memref<1x2048xi32, #tpu.memory_space<vmem>>
    %dma_start3A_27 = tpu.memref_squeeze %dma_start3A_26 : memref<1x2048xi32, #tpu.memory_space<vmem>> -> memref<2048xi32, #tpu.memory_space<vmem>>
    %dma_start3A_28 = arith.constant 2048 : i32
    %dma_start3A_29 = tpu.memref_slice %arg2[%dma_start3A_28] : memref<16384xi32, #tpu.memory_space<hbm>> -> memref<2048xi32, #tpu.memory_space<hbm>>
    tpu.enqueue_dma source(%dma_start3A_29 : memref<2048xi32, #tpu.memory_space<hbm>>) target(%dma_start3A_27 : memref<2048xi32, #tpu.memory_space<vmem>>) target_semaphore(%dma_start3A_24 : memref<!tpu.dma_semaphore, #tpu.memory_space<semaphore_mem>>)
    %dma_wait3A = arith.constant 0 : i32
    %dma_wait3A_30 = arith.constant 0 : i32
    %dma_wait3A_31 = arith.constant 0 : i32
    %dma_wait3A_32 = tpu.memref_slice %arg6[%dma_wait3A, %dma_wait3A_31] : memref<2x2048xi32, #tpu.memory_space<vmem>> -> memref<1x2048xi32, #tpu.memory_space<vmem>>
    %dma_wait3A_33 = tpu.memref_squeeze %dma_wait3A_32 : memref<1x2048xi32, #tpu.memory_space<vmem>> -> memref<2048xi32, #tpu.memory_space<vmem>>
    %dma_wait3A_34 = arith.constant 0 : i32
    %dma_wait3A_35 = tpu.memref_slice %arg2[%dma_wait3A_34] : memref<16384xi32, #tpu.memory_space<hbm>> -> memref<2048xi32, #tpu.memory_space<hbm>>
    %dma_wait3A_36 = tpu.memref_slice %arg10[%dma_wait3A_30] : memref<2x!tpu.dma_semaphore, #tpu.memory_space<semaphore_mem>> -> memref<1x!tpu.dma_semaphore, #tpu.memory_space<semaphore_mem>>
    %dma_wait3A_37 = tpu.memref_squeeze %dma_wait3A_36 : memref<1x!tpu.dma_semaphore, #tpu.memory_space<semaphore_mem>> -> memref<!tpu.dma_semaphore, #tpu.memory_space<semaphore_mem>>
    %dma_wait3A_38 = arith.constant 0 : i32
    %dma_wait3A_39 = tpu.memref_slice %arg6[%dma_wait3A, %dma_wait3A_38] : memref<2x2048xi32, #tpu.memory_space<vmem>> -> memref<1x2048xi32, #tpu.memory_space<vmem>>
    %dma_wait3A_40 = tpu.memref_squeeze %dma_wait3A_39 : memref<1x2048xi32, #tpu.memory_space<vmem>> -> memref<2048xi32, #tpu.memory_space<vmem>>
    %dma_wait3A_41 = arith.constant 0 : i32
    %dma_wait3A_42 = tpu.memref_slice %arg2[%dma_wait3A_41] : memref<16384xi32, #tpu.memory_space<hbm>> -> memref<2048xi32, #tpu.memory_space<hbm>>
    tpu.wait_dma2 semaphore(%dma_wait3A_37 : memref<!tpu.dma_semaphore, #tpu.memory_space<semaphore_mem>>) src(%dma_wait3A_42 : memref<2048xi32, #tpu.memory_space<hbm>>) dst(%dma_wait3A_40 : memref<2048xi32, #tpu.memory_space<vmem>>)
    %scan3A = arith.constant 0 : i32
    %scan3A_43 = arith.constant 0 : i32
    %scan3A_44 = arith.constant 32 : i32
    %scan3A_45 = arith.addi %scan3A_43, %scan3A_44 : i32
    %scan3A_46 = arith.constant 2 : i32
    scf.for %scan3A_395 = %scan3A_43 to %scan3A_45 step %scan3A_46  : i32 {
      %mul3A_396 = arith.constant 4 : i32
      %mul3A_397 = arith.muli %scan3A_395, %mul3A_396 : i32
      %add3A_398 = arith.constant 0 : i32
      %add3A_399 = arith.addi %mul3A_397, %add3A_398 : i32
      %mul3A_400 = arith.constant 16 : i32
      %mul3A_401 = arith.muli %add3A_399, %mul3A_400 : i32
      %get3A = arith.constant 0 : i32
      %get3A_402 = arith.index_cast %get3A : i32 to index
      %get3A_403 = arith.index_cast %mul3A_401 : i32 to index
      %get3A_404 = tpu.vector_load %arg6[%get3A_402, %get3A_403] {strides = array<i32>} : memref<2x2048xi32, #tpu.memory_space<vmem>>, vector<16xi32>,
      %mul3A_405 = arith.constant 4 : i32
      %mul3A_406 = arith.muli %scan3A_395, %mul3A_405 : i32
      %add3A_407 = arith.constant 1 : i32
      %add3A_408 = arith.addi %mul3A_406, %add3A_407 : i32
      %mul3A_409 = arith.constant 16 : i32
      %mul3A_410 = arith.muli %add3A_408, %mul3A_409 : i32
      %get3A_411 = arith.constant 0 : i32
      %get3A_412 = arith.index_cast %get3A_411 : i32 to index
      %get3A_413 = arith.index_cast %mul3A_410 : i32 to index
      %get3A_414 = tpu.vector_load %arg6[%get3A_412, %get3A_413] {strides = array<i32>} : memref<2x2048xi32, #tpu.memory_space<vmem>>, vector<16xi32>,
      %mul3A_415 = arith.constant 4 : i32
      %mul3A_416 = arith.muli %scan3A_395, %mul3A_415 : i32
      %add3A_417 = arith.constant 2 : i32
      %add3A_418 = arith.addi %mul3A_416, %add3A_417 : i32
      %mul3A_419 = arith.constant 16 : i32
      %mul3A_420 = arith.muli %add3A_418, %mul3A_419 : i32
      %get3A_421 = arith.constant 0 : i32
      %get3A_422 = arith.index_cast %get3A_421 : i32 to index
      %get3A_423 = arith.index_cast %mul3A_420 : i32 to index
      %get3A_424 = tpu.vector_load %arg6[%get3A_422, %get3A_423] {strides = array<i32>} : memref<2x2048xi32, #tpu.memory_space<vmem>>, vector<16xi32>,
      %mul3A_425 = arith.constant 4 : i32
      %mul3A_426 = arith.muli %scan3A_395, %mul3A_425 : i32
      %add3A_427 = arith.constant 3 : i32
      %add3A_428 = arith.addi %mul3A_426, %add3A_427 : i32
      %mul3A_429 = arith.constant 16 : i32
      %mul3A_430 = arith.muli %add3A_428, %mul3A_429 : i32
      %get3A_431 = arith.constant 0 : i32
      %get3A_432 = arith.index_cast %get3A_431 : i32 to index
      %get3A_433 = arith.index_cast %mul3A_430 : i32 to index
      %get3A_434 = tpu.vector_load %arg6[%get3A_432, %get3A_433] {strides = array<i32>} : memref<2x2048xi32, #tpu.memory_space<vmem>>, vector<16xi32>,
      %mul3A_435 = arith.constant 4 : i32
      %mul3A_436 = arith.muli %scan3A_395, %mul3A_435 : i32
      %add3A_437 = arith.constant 0 : i32
      %add3A_438 = arith.addi %mul3A_436, %add3A_437 : i32
      %mul3A_439 = arith.constant 16 : i32
      %mul3A_440 = arith.muli %add3A_438, %mul3A_439 : i32
      %add3A_441 = arith.constant 0 : i32
      %add3A_442 = arith.addi %add3A_441, %mul3A_440 : i32
      %add3A_443 = vector.broadcast %add3A_442 : i32 to vector<16xi32>
      %add3A_444 = arith.addi %add3A_443, %iota3A : vector<16xi32>
      tpu.vector_store_idx %arg5[%get3A_404], %add3A_444 : memref<100000xi32, #tpu.memory_space<vmem>>[vector<16xi32>], vector<16xi32>,
      %mul3A_445 = arith.constant 4 : i32
      %mul3A_446 = arith.muli %scan3A_395, %mul3A_445 : i32
      %add3A_447 = arith.constant 1 : i32
      %add3A_448 = arith.addi %mul3A_446, %add3A_447 : i32
      %mul3A_449 = arith.constant 16 : i32
      %mul3A_450 = arith.muli %add3A_448, %mul3A_449 : i32
      %add3A_451 = arith.constant 0 : i32
      %add3A_452 = arith.addi %add3A_451, %mul3A_450 : i32
      %add3A_453 = vector.broadcast %add3A_452 : i32 to vector<16xi32>
      %add3A_454 = arith.addi %add3A_453, %iota3A : vector<16xi32>
      tpu.vector_store_idx %arg5[%get3A_414], %add3A_454 : memref<100000xi32, #tpu.memory_space<vmem>>[vector<16xi32>], vector<16xi32>,
      %mul3A_455 = arith.constant 4 : i32
      %mul3A_456 = arith.muli %scan3A_395, %mul3A_455 : i32
      %add3A_457 = arith.constant 2 : i32
      %add3A_458 = arith.addi %mul3A_456, %add3A_457 : i32
      %mul3A_459 = arith.constant 16 : i32
      %mul3A_460 = arith.muli %add3A_458, %mul3A_459 : i32
      %add3A_461 = arith.constant 0 : i32
      %add3A_462 = arith.addi %add3A_461, %mul3A_460 : i32
      %add3A_463 = vector.broadcast %add3A_462 : i32 to vector<16xi32>
      %add3A_464 = arith.addi %add3A_463, %iota3A : vector<16xi32>
      tpu.vector_store_idx %arg5[%get3A_424], %add3A_464 : memref<100000xi32, #tpu.memory_space<vmem>>[vector<16xi32>], vector<16xi32>,
      %mul3A_465 = arith.constant 4 : i32
      %mul3A_466 = arith.muli %scan3A_395, %mul3A_465 : i32
      %add3A_467 = arith.constant 3 : i32
      %add3A_468 = arith.addi %mul3A_466, %add3A_467 : i32
      %mul3A_469 = arith.constant 16 : i32
      %mul3A_470 = arith.muli %add3A_468, %mul3A_469 : i32
      %add3A_471 = arith.constant 0 : i32
      %add3A_472 = arith.addi %add3A_471, %mul3A_470 : i32
      %add3A_473 = vector.broadcast %add3A_472 : i32 to vector<16xi32>
      %add3A_474 = arith.addi %add3A_473, %iota3A : vector<16xi32>
      tpu.vector_store_idx %arg5[%get3A_434], %add3A_474 : memref<100000xi32, #tpu.memory_space<vmem>>[vector<16xi32>], vector<16xi32>,
      %scan3A_475 = arith.constant 1 : i32
      %scan3A_476 = arith.addi %scan3A_395, %scan3A_475 : i32
      %mul3A_477 = arith.constant 4 : i32
      %mul3A_478 = arith.muli %scan3A_476, %mul3A_477 : i32
      %add3A_479 = arith.constant 0 : i32
      %add3A_480 = arith.addi %mul3A_478, %add3A_479 : i32
      %mul3A_481 = arith.constant 16 : i32
      %mul3A_482 = arith.muli %add3A_480, %mul3A_481 : i32
      %get3A_483 = arith.constant 0 : i32
      %get3A_484 = arith.index_cast %get3A_483 : i32 to index
      %get3A_485 = arith.index_cast %mul3A_482 : i32 to index
      %get3A_486 = tpu.vector_load %arg6[%get3A_484, %get3A_485] {strides = array<i32>} : memref<2x2048xi32, #tpu.memory_space<vmem>>, vector<16xi32>,
      %mul3A_487 = arith.constant 4 : i32
      %mul3A_488 = arith.muli %scan3A_476, %mul3A_487 : i32
      %add3A_489 = arith.constant 1 : i32
      %add3A_490 = arith.addi %mul3A_488, %add3A_489 : i32
      %mul3A_491 = arith.constant 16 : i32
      %mul3A_492 = arith.muli %add3A_490, %mul3A_491 : i32
      %get3A_493 = arith.constant 0 : i32
      %get3A_494 = arith.index_cast %get3A_493 : i32 to index
      %get3A_495 = arith.index_cast %mul3A_492 : i32 to index
      %get3A_496 = tpu.vector_load %arg6[%get3A_494, %get3A_495] {strides = array<i32>} : memref<2x2048xi32, #tpu.memory_space<vmem>>, vector<16xi32>,
      %mul3A_497 = arith.constant 4 : i32
      %mul3A_498 = arith.muli %scan3A_476, %mul3A_497 : i32
      %add3A_499 = arith.constant 2 : i32
      %add3A_500 = arith.addi %mul3A_498, %add3A_499 : i32
      %mul3A_501 = arith.constant 16 : i32
      %mul3A_502 = arith.muli %add3A_500, %mul3A_501 : i32
      %get3A_503 = arith.constant 0 : i32
      %get3A_504 = arith.index_cast %get3A_503 : i32 to index
      %get3A_505 = arith.index_cast %mul3A_502 : i32 to index
      %get3A_506 = tpu.vector_load %arg6[%get3A_504, %get3A_505] {strides = array<i32>} : memref<2x2048xi32, #tpu.memory_space<vmem>>, vector<16xi32>,
      %mul3A_507 = arith.constant 4 : i32
      %mul3A_508 = arith.muli %scan3A_476, %mul3A_507 : i32
      %add3A_509 = arith.constant 3 : i32
      %add3A_510 = arith.addi %mul3A_508, %add3A_509 : i32
      %mul3A_511 = arith.constant 16 : i32
      %mul3A_512 = arith.muli %add3A_510, %mul3A_511 : i32
      %get3A_513 = arith.constant 0 : i32
      %get3A_514 = arith.index_cast %get3A_513 : i32 to index
      %get3A_515 = arith.index_cast %mul3A_512 : i32 to index
      %get3A_516 = tpu.vector_load %arg6[%get3A_514, %get3A_515] {strides = array<i32>} : memref<2x2048xi32, #tpu.memory_space<vmem>>, vector<16xi32>,
      %mul3A_517 = arith.constant 4 : i32
      %mul3A_518 = arith.muli %scan3A_476, %mul3A_517 : i32
      %add3A_519 = arith.constant 0 : i32
      %add3A_520 = arith.addi %mul3A_518, %add3A_519 : i32
      %mul3A_521 = arith.constant 16 : i32
      %mul3A_522 = arith.muli %add3A_520, %mul3A_521 : i32
      %add3A_523 = arith.constant 0 : i32
      %add3A_524 = arith.addi %add3A_523, %mul3A_522 : i32
      %add3A_525 = vector.broadcast %add3A_524 : i32 to vector<16xi32>
      %add3A_526 = arith.addi %add3A_525, %iota3A : vector<16xi32>
      tpu.vector_store_idx %arg5[%get3A_486], %add3A_526 : memref<100000xi32, #tpu.memory_space<vmem>>[vector<16xi32>], vector<16xi32>,
      %mul3A_527 = arith.constant 4 : i32
      %mul3A_528 = arith.muli %scan3A_476, %mul3A_527 : i32
      %add3A_529 = arith.constant 1 : i32
      %add3A_530 = arith.addi %mul3A_528, %add3A_529 : i32
      %mul3A_531 = arith.constant 16 : i32
      %mul3A_532 = arith.muli %add3A_530, %mul3A_531 : i32
      %add3A_533 = arith.constant 0 : i32
      %add3A_534 = arith.addi %add3A_533, %mul3A_532 : i32
      %add3A_535 = vector.broadcast %add3A_534 : i32 to vector<16xi32>
      %add3A_536 = arith.addi %add3A_535, %iota3A : vector<16xi32>
      tpu.vector_store_idx %arg5[%get3A_496], %add3A_536 : memref<100000xi32, #tpu.memory_space<vmem>>[vector<16xi32>], vector<16xi32>,
      %mul3A_537 = arith.constant 4 : i32
      %mul3A_538 = arith.muli %scan3A_476, %mul3A_537 : i32
      %add3A_539 = arith.constant 2 : i32
      %add3A_540 = arith.addi %mul3A_538, %add3A_539 : i32
      %mul3A_541 = arith.constant 16 : i32
      %mul3A_542 = arith.muli %add3A_540, %mul3A_541 : i32
      %add3A_543 = arith.constant 0 : i32
      %add3A_544 = arith.addi %add3A_543, %mul3A_542 : i32
      %add3A_545 = vector.broadcast %add3A_544 : i32 to vector<16xi32>
      %add3A_546 = arith.addi %add3A_545, %iota3A : vector<16xi32>
      tpu.vector_store_idx %arg5[%get3A_506], %add3A_546 : memref<100000xi32, #tpu.memory_space<vmem>>[vector<16xi32>], vector<16xi32>,
      %mul3A_547 = arith.constant 4 : i32
      %mul3A_548 = arith.muli %scan3A_476, %mul3A_547 : i32
      %add3A_549 = arith.constant 3 : i32
      %add3A_550 = arith.addi %mul3A_548, %add3A_549 : i32
      %mul3A_551 = arith.constant 16 : i32
      %mul3A_552 = arith.muli %add3A_550, %mul3A_551 : i32
      %add3A_553 = arith.constant 0 : i32
      %add3A_554 = arith.addi %add3A_553, %mul3A_552 : i32
      %add3A_555 = vector.broadcast %add3A_554 : i32 to vector<16xi32>
      %add3A_556 = arith.addi %add3A_555, %iota3A : vector<16xi32>
      tpu.vector_store_idx %arg5[%get3A_516], %add3A_556 : memref<100000xi32, #tpu.memory_space<vmem>>[vector<16xi32>], vector<16xi32>,
    }
    %scan3A_47 = arith.constant 32 : i32
    %dma_start3A_48 = arith.constant 0 : i32
    %dma_start3A_49 = arith.constant 0 : i32
    %dma_start3A_50 = arith.constant 0 : i32
    %dma_start3A_51 = tpu.memref_slice %arg6[%dma_start3A_48, %dma_start3A_50] : memref<2x2048xi32, #tpu.memory_space<vmem>> -> memref<1x2048xi32, #tpu.memory_space<vmem>>
    %dma_start3A_52 = tpu.memref_squeeze %dma_start3A_51 : memref<1x2048xi32, #tpu.memory_space<vmem>> -> memref<2048xi32, #tpu.memory_space<vmem>>
    %dma_start3A_53 = arith.constant 4096 : i32
    %dma_start3A_54 = tpu.memref_slice %arg2[%dma_start3A_53] : memref<16384xi32, #tpu.memory_space<hbm>> -> memref<2048xi32, #tpu.memory_space<hbm>>
    %dma_start3A_55 = tpu.memref_slice %arg10[%dma_start3A_49] : memref<2x!tpu.dma_semaphore, #tpu.memory_space<semaphore_mem>> -> memref<1x!tpu.dma_semaphore, #tpu.memory_space<semaphore_mem>>
    %dma_start3A_56 = tpu.memref_squeeze %dma_start3A_55 : memref<1x!tpu.dma_semaphore, #tpu.memory_space<semaphore_mem>> -> memref<!tpu.dma_semaphore, #tpu.memory_space<semaphore_mem>>
    %dma_start3A_57 = arith.constant 0 : i32
    %dma_start3A_58 = tpu.memref_slice %arg6[%dma_start3A_48, %dma_start3A_57] : memref<2x2048xi32, #tpu.memory_space<vmem>> -> memref<1x2048xi32, #tpu.memory_space<vmem>>
    %dma_start3A_59 = tpu.memref_squeeze %dma_start3A_58 : memref<1x2048xi32, #tpu.memory_space<vmem>> -> memref<2048xi32, #tpu.memory_space<vmem>>
    %dma_start3A_60 = arith.constant 4096 : i32
    %dma_start3A_61 = tpu.memref_slice %arg2[%dma_start3A_60] : memref<16384xi32, #tpu.memory_space<hbm>> -> memref<2048xi32, #tpu.memory_space<hbm>>
    tpu.enqueue_dma source(%dma_start3A_61 : memref<2048xi32, #tpu.memory_space<hbm>>) target(%dma_start3A_59 : memref<2048xi32, #tpu.memory_space<vmem>>) target_semaphore(%dma_start3A_56 : memref<!tpu.dma_semaphore, #tpu.memory_space<semaphore_mem>>)
    %dma_wait3A_62 = arith.constant 1 : i32
    %dma_wait3A_63 = arith.constant 1 : i32
    %dma_wait3A_64 = arith.constant 0 : i32
    %dma_wait3A_65 = tpu.memref_slice %arg6[%dma_wait3A_62, %dma_wait3A_64] : memref<2x2048xi32, #tpu.memory_space<vmem>> -> memref<1x2048xi32, #tpu.memory_space<vmem>>
    %dma_wait3A_66 = tpu.memref_squeeze %dma_wait3A_65 : memref<1x2048xi32, #tpu.memory_space<vmem>> -> memref<2048xi32, #tpu.memory_space<vmem>>
    %dma_wait3A_67 = arith.constant 2048 : i32
    %dma_wait3A_68 = tpu.memref_slice %arg2[%dma_wait3A_67] : memref<16384xi32, #tpu.memory_space<hbm>> -> memref<2048xi32, #tpu.memory_space<hbm>>
    %dma_wait3A_69 = tpu.memref_slice %arg10[%dma_wait3A_63] : memref<2x!tpu.dma_semaphore, #tpu.memory_space<semaphore_mem>> -> memref<1x!tpu.dma_semaphore, #tpu.memory_space<semaphore_mem>>
    %dma_wait3A_70 = tpu.memref_squeeze %dma_wait3A_69 : memref<1x!tpu.dma_semaphore, #tpu.memory_space<semaphore_mem>> -> memref<!tpu.dma_semaphore, #tpu.memory_space<semaphore_mem>>
    %dma_wait3A_71 = arith.constant 0 : i32
    %dma_wait3A_72 = tpu.memref_slice %arg6[%dma_wait3A_62, %dma_wait3A_71] : memref<2x2048xi32, #tpu.memory_space<vmem>> -> memref<1x2048xi32, #tpu.memory_space<vmem>>
    %dma_wait3A_73 = tpu.memref_squeeze %dma_wait3A_72 : memref<1x2048xi32, #tpu.memory_space<vmem>> -> memref<2048xi32, #tpu.memory_space<vmem>>
    %dma_wait3A_74 = arith.constant 2048 : i32
    %dma_wait3A_75 = tpu.memref_slice %arg2[%dma_wait3A_74] : memref<16384xi32, #tpu.memory_space<hbm>> -> memref<2048xi32, #tpu.memory_space<hbm>>
    tpu.wait_dma2 semaphore(%dma_wait3A_70 : memref<!tpu.dma_semaphore, #tpu.memory_space<semaphore_mem>>) src(%dma_wait3A_75 : memref<2048xi32, #tpu.memory_space<hbm>>) dst(%dma_wait3A_73 : memref<2048xi32, #tpu.memory_space<vmem>>)
    %scan3A_76 = arith.constant 0 : i32
    %scan3A_77 = arith.constant 0 : i32
    %scan3A_78 = arith.constant 32 : i32
    %scan3A_79 = arith.addi %scan3A_77, %scan3A_78 : i32
    %scan3A_80 = arith.constant 2 : i32
    scf.for %scan3A_395 = %scan3A_77 to %scan3A_79 step %scan3A_80  : i32 {
      %mul3A_396 = arith.constant 4 : i32
      %mul3A_397 = arith.muli %scan3A_395, %mul3A_396 : i32
      %add3A_398 = arith.constant 0 : i32
      %add3A_399 = arith.addi %mul3A_397, %add3A_398 : i32
      %mul3A_400 = arith.constant 16 : i32
      %mul3A_401 = arith.muli %add3A_399, %mul3A_400 : i32
      %get3A = arith.constant 1 : i32
      %get3A_402 = arith.index_cast %get3A : i32 to index
      %get3A_403 = arith.index_cast %mul3A_401 : i32 to index
      %get3A_404 = tpu.vector_load %arg6[%get3A_402, %get3A_403] {strides = array<i32>} : memref<2x2048xi32, #tpu.memory_space<vmem>>, vector<16xi32>,
      %mul3A_405 = arith.constant 4 : i32
      %mul3A_406 = arith.muli %scan3A_395, %mul3A_405 : i32
      %add3A_407 = arith.constant 1 : i32
      %add3A_408 = arith.addi %mul3A_406, %add3A_407 : i32
      %mul3A_409 = arith.constant 16 : i32
      %mul3A_410 = arith.muli %add3A_408, %mul3A_409 : i32
      %get3A_411 = arith.constant 1 : i32
      %get3A_412 = arith.index_cast %get3A_411 : i32 to index
      %get3A_413 = arith.index_cast %mul3A_410 : i32 to index
      %get3A_414 = tpu.vector_load %arg6[%get3A_412, %get3A_413] {strides = array<i32>} : memref<2x2048xi32, #tpu.memory_space<vmem>>, vector<16xi32>,
      %mul3A_415 = arith.constant 4 : i32
      %mul3A_416 = arith.muli %scan3A_395, %mul3A_415 : i32
      %add3A_417 = arith.constant 2 : i32
      %add3A_418 = arith.addi %mul3A_416, %add3A_417 : i32
      %mul3A_419 = arith.constant 16 : i32
      %mul3A_420 = arith.muli %add3A_418, %mul3A_419 : i32
      %get3A_421 = arith.constant 1 : i32
      %get3A_422 = arith.index_cast %get3A_421 : i32 to index
      %get3A_423 = arith.index_cast %mul3A_420 : i32 to index
      %get3A_424 = tpu.vector_load %arg6[%get3A_422, %get3A_423] {strides = array<i32>} : memref<2x2048xi32, #tpu.memory_space<vmem>>, vector<16xi32>,
      %mul3A_425 = arith.constant 4 : i32
      %mul3A_426 = arith.muli %scan3A_395, %mul3A_425 : i32
      %add3A_427 = arith.constant 3 : i32
      %add3A_428 = arith.addi %mul3A_426, %add3A_427 : i32
      %mul3A_429 = arith.constant 16 : i32
      %mul3A_430 = arith.muli %add3A_428, %mul3A_429 : i32
      %get3A_431 = arith.constant 1 : i32
      %get3A_432 = arith.index_cast %get3A_431 : i32 to index
      %get3A_433 = arith.index_cast %mul3A_430 : i32 to index
      %get3A_434 = tpu.vector_load %arg6[%get3A_432, %get3A_433] {strides = array<i32>} : memref<2x2048xi32, #tpu.memory_space<vmem>>, vector<16xi32>,
      %mul3A_435 = arith.constant 4 : i32
      %mul3A_436 = arith.muli %scan3A_395, %mul3A_435 : i32
      %add3A_437 = arith.constant 0 : i32
      %add3A_438 = arith.addi %mul3A_436, %add3A_437 : i32
      %mul3A_439 = arith.constant 16 : i32
      %mul3A_440 = arith.muli %add3A_438, %mul3A_439 : i32
      %add3A_441 = arith.constant 2048 : i32
      %add3A_442 = arith.addi %add3A_441, %mul3A_440 : i32
      %add3A_443 = vector.broadcast %add3A_442 : i32 to vector<16xi32>
      %add3A_444 = arith.addi %add3A_443, %iota3A : vector<16xi32>
      tpu.vector_store_idx %arg5[%get3A_404], %add3A_444 : memref<100000xi32, #tpu.memory_space<vmem>>[vector<16xi32>], vector<16xi32>,
      %mul3A_445 = arith.constant 4 : i32
      %mul3A_446 = arith.muli %scan3A_395, %mul3A_445 : i32
      %add3A_447 = arith.constant 1 : i32
      %add3A_448 = arith.addi %mul3A_446, %add3A_447 : i32
      %mul3A_449 = arith.constant 16 : i32
      %mul3A_450 = arith.muli %add3A_448, %mul3A_449 : i32
      %add3A_451 = arith.constant 2048 : i32
      %add3A_452 = arith.addi %add3A_451, %mul3A_450 : i32
      %add3A_453 = vector.broadcast %add3A_452 : i32 to vector<16xi32>
      %add3A_454 = arith.addi %add3A_453, %iota3A : vector<16xi32>
      tpu.vector_store_idx %arg5[%get3A_414], %add3A_454 : memref<100000xi32, #tpu.memory_space<vmem>>[vector<16xi32>], vector<16xi32>,
      %mul3A_455 = arith.constant 4 : i32
      %mul3A_456 = arith.muli %scan3A_395, %mul3A_455 : i32
      %add3A_457 = arith.constant 2 : i32
      %add3A_458 = arith.addi %mul3A_456, %add3A_457 : i32
      %mul3A_459 = arith.constant 16 : i32
      %mul3A_460 = arith.muli %add3A_458, %mul3A_459 : i32
      %add3A_461 = arith.constant 2048 : i32
      %add3A_462 = arith.addi %add3A_461, %mul3A_460 : i32
      %add3A_463 = vector.broadcast %add3A_462 : i32 to vector<16xi32>
      %add3A_464 = arith.addi %add3A_463, %iota3A : vector<16xi32>
      tpu.vector_store_idx %arg5[%get3A_424], %add3A_464 : memref<100000xi32, #tpu.memory_space<vmem>>[vector<16xi32>], vector<16xi32>,
      %mul3A_465 = arith.constant 4 : i32
      %mul3A_466 = arith.muli %scan3A_395, %mul3A_465 : i32
      %add3A_467 = arith.constant 3 : i32
      %add3A_468 = arith.addi %mul3A_466, %add3A_467 : i32
      %mul3A_469 = arith.constant 16 : i32
      %mul3A_470 = arith.muli %add3A_468, %mul3A_469 : i32
      %add3A_471 = arith.constant 2048 : i32
      %add3A_472 = arith.addi %add3A_471, %mul3A_470 : i32
      %add3A_473 = vector.broadcast %add3A_472 : i32 to vector<16xi32>
      %add3A_474 = arith.addi %add3A_473, %iota3A : vector<16xi32>
      tpu.vector_store_idx %arg5[%get3A_434], %add3A_474 : memref<100000xi32, #tpu.memory_space<vmem>>[vector<16xi32>], vector<16xi32>,
      %scan3A_475 = arith.constant 1 : i32
      %scan3A_476 = arith.addi %scan3A_395, %scan3A_475 : i32
      %mul3A_477 = arith.constant 4 : i32
      %mul3A_478 = arith.muli %scan3A_476, %mul3A_477 : i32
      %add3A_479 = arith.constant 0 : i32
      %add3A_480 = arith.addi %mul3A_478, %add3A_479 : i32
      %mul3A_481 = arith.constant 16 : i32
      %mul3A_482 = arith.muli %add3A_480, %mul3A_481 : i32
      %get3A_483 = arith.constant 1 : i32
      %get3A_484 = arith.index_cast %get3A_483 : i32 to index
      %get3A_485 = arith.index_cast %mul3A_482 : i32 to index
      %get3A_486 = tpu.vector_load %arg6[%get3A_484, %get3A_485] {strides = array<i32>} : memref<2x2048xi32, #tpu.memory_space<vmem>>, vector<16xi32>,
      %mul3A_487 = arith.constant 4 : i32
      %mul3A_488 = arith.muli %scan3A_476, %mul3A_487 : i32
      %add3A_489 = arith.constant 1 : i32
      %add3A_490 = arith.addi %mul3A_488, %add3A_489 : i32
      %mul3A_491 = arith.constant 16 : i32
      %mul3A_492 = arith.muli %add3A_490, %mul3A_491 : i32
      %get3A_493 = arith.constant 1 : i32
      %get3A_494 = arith.index_cast %get3A_493 : i32 to index
      %get3A_495 = arith.index_cast %mul3A_492 : i32 to index
      %get3A_496 = tpu.vector_load %arg6[%get3A_494, %get3A_495] {strides = array<i32>} : memref<2x2048xi32, #tpu.memory_space<vmem>>, vector<16xi32>,
      %mul3A_497 = arith.constant 4 : i32
      %mul3A_498 = arith.muli %scan3A_476, %mul3A_497 : i32
      %add3A_499 = arith.constant 2 : i32
      %add3A_500 = arith.addi %mul3A_498, %add3A_499 : i32
      %mul3A_501 = arith.constant 16 : i32
      %mul3A_502 = arith.muli %add3A_500, %mul3A_501 : i32
      %get3A_503 = arith.constant 1 : i32
      %get3A_504 = arith.index_cast %get3A_503 : i32 to index
      %get3A_505 = arith.index_cast %mul3A_502 : i32 to index
      %get3A_506 = tpu.vector_load %arg6[%get3A_504, %get3A_505] {strides = array<i32>} : memref<2x2048xi32, #tpu.memory_space<vmem>>, vector<16xi32>,
      %mul3A_507 = arith.constant 4 : i32
      %mul3A_508 = arith.muli %scan3A_476, %mul3A_507 : i32
      %add3A_509 = arith.constant 3 : i32
      %add3A_510 = arith.addi %mul3A_508, %add3A_509 : i32
      %mul3A_511 = arith.constant 16 : i32
      %mul3A_512 = arith.muli %add3A_510, %mul3A_511 : i32
      %get3A_513 = arith.constant 1 : i32
      %get3A_514 = arith.index_cast %get3A_513 : i32 to index
      %get3A_515 = arith.index_cast %mul3A_512 : i32 to index
      %get3A_516 = tpu.vector_load %arg6[%get3A_514, %get3A_515] {strides = array<i32>} : memref<2x2048xi32, #tpu.memory_space<vmem>>, vector<16xi32>,
      %mul3A_517 = arith.constant 4 : i32
      %mul3A_518 = arith.muli %scan3A_476, %mul3A_517 : i32
      %add3A_519 = arith.constant 0 : i32
      %add3A_520 = arith.addi %mul3A_518, %add3A_519 : i32
      %mul3A_521 = arith.constant 16 : i32
      %mul3A_522 = arith.muli %add3A_520, %mul3A_521 : i32
      %add3A_523 = arith.constant 2048 : i32
      %add3A_524 = arith.addi %add3A_523, %mul3A_522 : i32
      %add3A_525 = vector.broadcast %add3A_524 : i32 to vector<16xi32>
      %add3A_526 = arith.addi %add3A_525, %iota3A : vector<16xi32>
      tpu.vector_store_idx %arg5[%get3A_486], %add3A_526 : memref<100000xi32, #tpu.memory_space<vmem>>[vector<16xi32>], vector<16xi32>,
      %mul3A_527 = arith.constant 4 : i32
      %mul3A_528 = arith.muli %scan3A_476, %mul3A_527 : i32
      %add3A_529 = arith.constant 1 : i32
      %add3A_530 = arith.addi %mul3A_528, %add3A_529 : i32
      %mul3A_531 = arith.constant 16 : i32
      %mul3A_532 = arith.muli %add3A_530, %mul3A_531 : i32
      %add3A_533 = arith.constant 2048 : i32
      %add3A_534 = arith.addi %add3A_533, %mul3A_532 : i32
      %add3A_535 = vector.broadcast %add3A_534 : i32 to vector<16xi32>
      %add3A_536 = arith.addi %add3A_535, %iota3A : vector<16xi32>
      tpu.vector_store_idx %arg5[%get3A_496], %add3A_536 : memref<100000xi32, #tpu.memory_space<vmem>>[vector<16xi32>], vector<16xi32>,
      %mul3A_537 = arith.constant 4 : i32
      %mul3A_538 = arith.muli %scan3A_476, %mul3A_537 : i32
      %add3A_539 = arith.constant 2 : i32
      %add3A_540 = arith.addi %mul3A_538, %add3A_539 : i32
      %mul3A_541 = arith.constant 16 : i32
      %mul3A_542 = arith.muli %add3A_540, %mul3A_541 : i32
      %add3A_543 = arith.constant 2048 : i32
      %add3A_544 = arith.addi %add3A_543, %mul3A_542 : i32
      %add3A_545 = vector.broadcast %add3A_544 : i32 to vector<16xi32>
      %add3A_546 = arith.addi %add3A_545, %iota3A : vector<16xi32>
      tpu.vector_store_idx %arg5[%get3A_506], %add3A_546 : memref<100000xi32, #tpu.memory_space<vmem>>[vector<16xi32>], vector<16xi32>,
      %mul3A_547 = arith.constant 4 : i32
      %mul3A_548 = arith.muli %scan3A_476, %mul3A_547 : i32
      %add3A_549 = arith.constant 3 : i32
      %add3A_550 = arith.addi %mul3A_548, %add3A_549 : i32
      %mul3A_551 = arith.constant 16 : i32
      %mul3A_552 = arith.muli %add3A_550, %mul3A_551 : i32
      %add3A_553 = arith.constant 2048 : i32
      %add3A_554 = arith.addi %add3A_553, %mul3A_552 : i32
      %add3A_555 = vector.broadcast %add3A_554 : i32 to vector<16xi32>
      %add3A_556 = arith.addi %add3A_555, %iota3A : vector<16xi32>
      tpu.vector_store_idx %arg5[%get3A_516], %add3A_556 : memref<100000xi32, #tpu.memory_space<vmem>>[vector<16xi32>], vector<16xi32>,
    }
    %scan3A_81 = arith.constant 32 : i32
    %dma_start3A_82 = arith.constant 1 : i32
    %dma_start3A_83 = arith.constant 1 : i32
    %dma_start3A_84 = arith.constant 0 : i32
    %dma_start3A_85 = tpu.memref_slice %arg6[%dma_start3A_82, %dma_start3A_84] : memref<2x2048xi32, #tpu.memory_space<vmem>> -> memref<1x2048xi32, #tpu.memory_space<vmem>>
    %dma_start3A_86 = tpu.memref_squeeze %dma_start3A_85 : memref<1x2048xi32, #tpu.memory_space<vmem>> -> memref<2048xi32, #tpu.memory_space<vmem>>
    %dma_start3A_87 = arith.constant 6144 : i32
    %dma_start3A_88 = tpu.memref_slice %arg2[%dma_start3A_87] : memref<16384xi32, #tpu.memory_space<hbm>> -> memref<2048xi32, #tpu.memory_space<hbm>>
    %dma_start3A_89 = tpu.memref_slice %arg10[%dma_start3A_83] : memref<2x!tpu.dma_semaphore, #tpu.memory_space<semaphore_mem>> -> memref<1x!tpu.dma_semaphore, #tpu.memory_space<semaphore_mem>>
    %dma_start3A_90 = tpu.memref_squeeze %dma_start3A_89 : memref<1x!tpu.dma_semaphore, #tpu.memory_space<semaphore_mem>> -> memref<!tpu.dma_semaphore, #tpu.memory_space<semaphore_mem>>
    %dma_start3A_91 = arith.constant 0 : i32
    %dma_start3A_92 = tpu.memref_slice %arg6[%dma_start3A_82, %dma_start3A_91] : memref<2x2048xi32, #tpu.memory_space<vmem>> -> memref<1x2048xi32, #tpu.memory_space<vmem>>
    %dma_start3A_93 = tpu.memref_squeeze %dma_start3A_92 : memref<1x2048xi32, #tpu.memory_space<vmem>> -> memref<2048xi32, #tpu.memory_space<vmem>>
    %dma_start3A_94 = arith.constant 6144 : i32
    %dma_start3A_95 = tpu.memref_slice %arg2[%dma_start3A_94] : memref<16384xi32, #tpu.memory_space<hbm>> -> memref<2048xi32, #tpu.memory_space<hbm>>
    tpu.enqueue_dma source(%dma_start3A_95 : memref<2048xi32, #tpu.memory_space<hbm>>) target(%dma_start3A_93 : memref<2048xi32, #tpu.memory_space<vmem>>) target_semaphore(%dma_start3A_90 : memref<!tpu.dma_semaphore, #tpu.memory_space<semaphore_mem>>)
    %dma_wait3A_96 = arith.constant 0 : i32
    %dma_wait3A_97 = arith.constant 0 : i32
    %dma_wait3A_98 = arith.constant 0 : i32
    %dma_wait3A_99 = tpu.memref_slice %arg6[%dma_wait3A_96, %dma_wait3A_98] : memref<2x2048xi32, #tpu.memory_space<vmem>> -> memref<1x2048xi32, #tpu.memory_space<vmem>>
    %dma_wait3A_100 = tpu.memref_squeeze %dma_wait3A_99 : memref<1x2048xi32, #tpu.memory_space<vmem>> -> memref<2048xi32, #tpu.memory_space<vmem>>
    %dma_wait3A_101 = arith.constant 4096 : i32
    %dma_wait3A_102 = tpu.memref_slice %arg2[%dma_wait3A_101] : memref<16384xi32, #tpu.memory_space<hbm>> -> memref<2048xi32, #tpu.memory_space<hbm>>
    %dma_wait3A_103 = tpu.memref_slice %arg10[%dma_wait3A_97] : memref<2x!tpu.dma_semaphore, #tpu.memory_space<semaphore_mem>> -> memref<1x!tpu.dma_semaphore, #tpu.memory_space<semaphore_mem>>
    %dma_wait3A_104 = tpu.memref_squeeze %dma_wait3A_103 : memref<1x!tpu.dma_semaphore, #tpu.memory_space<semaphore_mem>> -> memref<!tpu.dma_semaphore, #tpu.memory_space<semaphore_mem>>
    %dma_wait3A_105 = arith.constant 0 : i32
    %dma_wait3A_106 = tpu.memref_slice %arg6[%dma_wait3A_96, %dma_wait3A_105] : memref<2x2048xi32, #tpu.memory_space<vmem>> -> memref<1x2048xi32, #tpu.memory_space<vmem>>
    %dma_wait3A_107 = tpu.memref_squeeze %dma_wait3A_106 : memref<1x2048xi32, #tpu.memory_space<vmem>> -> memref<2048xi32, #tpu.memory_space<vmem>>
    %dma_wait3A_108 = arith.constant 4096 : i32
    %dma_wait3A_109 = tpu.memref_slice %arg2[%dma_wait3A_108] : memref<16384xi32, #tpu.memory_space<hbm>> -> memref<2048xi32, #tpu.memory_space<hbm>>
    tpu.wait_dma2 semaphore(%dma_wait3A_104 : memref<!tpu.dma_semaphore, #tpu.memory_space<semaphore_mem>>) src(%dma_wait3A_109 : memref<2048xi32, #tpu.memory_space<hbm>>) dst(%dma_wait3A_107 : memref<2048xi32, #tpu.memory_space<vmem>>)
    %scan3A_110 = arith.constant 0 : i32
    %scan3A_111 = arith.constant 0 : i32
    %scan3A_112 = arith.constant 32 : i32
    %scan3A_113 = arith.addi %scan3A_111, %scan3A_112 : i32
    %scan3A_114 = arith.constant 2 : i32
    scf.for %scan3A_395 = %scan3A_111 to %scan3A_113 step %scan3A_114  : i32 {
      %mul3A_396 = arith.constant 4 : i32
      %mul3A_397 = arith.muli %scan3A_395, %mul3A_396 : i32
      %add3A_398 = arith.constant 0 : i32
      %add3A_399 = arith.addi %mul3A_397, %add3A_398 : i32
      %mul3A_400 = arith.constant 16 : i32
      %mul3A_401 = arith.muli %add3A_399, %mul3A_400 : i32
      %get3A = arith.constant 0 : i32
      %get3A_402 = arith.index_cast %get3A : i32 to index
      %get3A_403 = arith.index_cast %mul3A_401 : i32 to index
      %get3A_404 = tpu.vector_load %arg6[%get3A_402, %get3A_403] {strides = array<i32>} : memref<2x2048xi32, #tpu.memory_space<vmem>>, vector<16xi32>,
      %mul3A_405 = arith.constant 4 : i32
      %mul3A_406 = arith.muli %scan3A_395, %mul3A_405 : i32
      %add3A_407 = arith.constant 1 : i32
      %add3A_408 = arith.addi %mul3A_406, %add3A_407 : i32
      %mul3A_409 = arith.constant 16 : i32
      %mul3A_410 = arith.muli %add3A_408, %mul3A_409 : i32
      %get3A_411 = arith.constant 0 : i32
      %get3A_412 = arith.index_cast %get3A_411 : i32 to index
      %get3A_413 = arith.index_cast %mul3A_410 : i32 to index
      %get3A_414 = tpu.vector_load %arg6[%get3A_412, %get3A_413] {strides = array<i32>} : memref<2x2048xi32, #tpu.memory_space<vmem>>, vector<16xi32>,
      %mul3A_415 = arith.constant 4 : i32
      %mul3A_416 = arith.muli %scan3A_395, %mul3A_415 : i32
      %add3A_417 = arith.constant 2 : i32
      %add3A_418 = arith.addi %mul3A_416, %add3A_417 : i32
      %mul3A_419 = arith.constant 16 : i32
      %mul3A_420 = arith.muli %add3A_418, %mul3A_419 : i32
      %get3A_421 = arith.constant 0 : i32
      %get3A_422 = arith.index_cast %get3A_421 : i32 to index
      %get3A_423 = arith.index_cast %mul3A_420 : i32 to index
      %get3A_424 = tpu.vector_load %arg6[%get3A_422, %get3A_423] {strides = array<i32>} : memref<2x2048xi32, #tpu.memory_space<vmem>>, vector<16xi32>,
      %mul3A_425 = arith.constant 4 : i32
      %mul3A_426 = arith.muli %scan3A_395, %mul3A_425 : i32
      %add3A_427 = arith.constant 3 : i32
      %add3A_428 = arith.addi %mul3A_426, %add3A_427 : i32
      %mul3A_429 = arith.constant 16 : i32
      %mul3A_430 = arith.muli %add3A_428, %mul3A_429 : i32
      %get3A_431 = arith.constant 0 : i32
      %get3A_432 = arith.index_cast %get3A_431 : i32 to index
      %get3A_433 = arith.index_cast %mul3A_430 : i32 to index
      %get3A_434 = tpu.vector_load %arg6[%get3A_432, %get3A_433] {strides = array<i32>} : memref<2x2048xi32, #tpu.memory_space<vmem>>, vector<16xi32>,
      %mul3A_435 = arith.constant 4 : i32
      %mul3A_436 = arith.muli %scan3A_395, %mul3A_435 : i32
      %add3A_437 = arith.constant 0 : i32
      %add3A_438 = arith.addi %mul3A_436, %add3A_437 : i32
      %mul3A_439 = arith.constant 16 : i32
      %mul3A_440 = arith.muli %add3A_438, %mul3A_439 : i32
      %add3A_441 = arith.constant 4096 : i32
      %add3A_442 = arith.addi %add3A_441, %mul3A_440 : i32
      %add3A_443 = vector.broadcast %add3A_442 : i32 to vector<16xi32>
      %add3A_444 = arith.addi %add3A_443, %iota3A : vector<16xi32>
      tpu.vector_store_idx %arg5[%get3A_404], %add3A_444 : memref<100000xi32, #tpu.memory_space<vmem>>[vector<16xi32>], vector<16xi32>,
      %mul3A_445 = arith.constant 4 : i32
      %mul3A_446 = arith.muli %scan3A_395, %mul3A_445 : i32
      %add3A_447 = arith.constant 1 : i32
      %add3A_448 = arith.addi %mul3A_446, %add3A_447 : i32
      %mul3A_449 = arith.constant 16 : i32
      %mul3A_450 = arith.muli %add3A_448, %mul3A_449 : i32
      %add3A_451 = arith.constant 4096 : i32
      %add3A_452 = arith.addi %add3A_451, %mul3A_450 : i32
      %add3A_453 = vector.broadcast %add3A_452 : i32 to vector<16xi32>
      %add3A_454 = arith.addi %add3A_453, %iota3A : vector<16xi32>
      tpu.vector_store_idx %arg5[%get3A_414], %add3A_454 : memref<100000xi32, #tpu.memory_space<vmem>>[vector<16xi32>], vector<16xi32>,
      %mul3A_455 = arith.constant 4 : i32
      %mul3A_456 = arith.muli %scan3A_395, %mul3A_455 : i32
      %add3A_457 = arith.constant 2 : i32
      %add3A_458 = arith.addi %mul3A_456, %add3A_457 : i32
      %mul3A_459 = arith.constant 16 : i32
      %mul3A_460 = arith.muli %add3A_458, %mul3A_459 : i32
      %add3A_461 = arith.constant 4096 : i32
      %add3A_462 = arith.addi %add3A_461, %mul3A_460 : i32
      %add3A_463 = vector.broadcast %add3A_462 : i32 to vector<16xi32>
      %add3A_464 = arith.addi %add3A_463, %iota3A : vector<16xi32>
      tpu.vector_store_idx %arg5[%get3A_424], %add3A_464 : memref<100000xi32, #tpu.memory_space<vmem>>[vector<16xi32>], vector<16xi32>,
      %mul3A_465 = arith.constant 4 : i32
      %mul3A_466 = arith.muli %scan3A_395, %mul3A_465 : i32
      %add3A_467 = arith.constant 3 : i32
      %add3A_468 = arith.addi %mul3A_466, %add3A_467 : i32
      %mul3A_469 = arith.constant 16 : i32
      %mul3A_470 = arith.muli %add3A_468, %mul3A_469 : i32
      %add3A_471 = arith.constant 4096 : i32
      %add3A_472 = arith.addi %add3A_471, %mul3A_470 : i32
      %add3A_473 = vector.broadcast %add3A_472 : i32 to vector<16xi32>
      %add3A_474 = arith.addi %add3A_473, %iota3A : vector<16xi32>
      tpu.vector_store_idx %arg5[%get3A_434], %add3A_474 : memref<100000xi32, #tpu.memory_space<vmem>>[vector<16xi32>], vector<16xi32>,
      %scan3A_475 = arith.constant 1 : i32
      %scan3A_476 = arith.addi %scan3A_395, %scan3A_475 : i32
      %mul3A_477 = arith.constant 4 : i32
      %mul3A_478 = arith.muli %scan3A_476, %mul3A_477 : i32
      %add3A_479 = arith.constant 0 : i32
      %add3A_480 = arith.addi %mul3A_478, %add3A_479 : i32
      %mul3A_481 = arith.constant 16 : i32
      %mul3A_482 = arith.muli %add3A_480, %mul3A_481 : i32
      %get3A_483 = arith.constant 0 : i32
      %get3A_484 = arith.index_cast %get3A_483 : i32 to index
      %get3A_485 = arith.index_cast %mul3A_482 : i32 to index
      %get3A_486 = tpu.vector_load %arg6[%get3A_484, %get3A_485] {strides = array<i32>} : memref<2x2048xi32, #tpu.memory_space<vmem>>, vector<16xi32>,
      %mul3A_487 = arith.constant 4 : i32
      %mul3A_488 = arith.muli %scan3A_476, %mul3A_487 : i32
      %add3A_489 = arith.constant 1 : i32
      %add3A_490 = arith.addi %mul3A_488, %add3A_489 : i32
      %mul3A_491 = arith.constant 16 : i32
      %mul3A_492 = arith.muli %add3A_490, %mul3A_491 : i32
      %get3A_493 = arith.constant 0 : i32
      %get3A_494 = arith.index_cast %get3A_493 : i32 to index
      %get3A_495 = arith.index_cast %mul3A_492 : i32 to index
      %get3A_496 = tpu.vector_load %arg6[%get3A_494, %get3A_495] {strides = array<i32>} : memref<2x2048xi32, #tpu.memory_space<vmem>>, vector<16xi32>,
      %mul3A_497 = arith.constant 4 : i32
      %mul3A_498 = arith.muli %scan3A_476, %mul3A_497 : i32
      %add3A_499 = arith.constant 2 : i32
      %add3A_500 = arith.addi %mul3A_498, %add3A_499 : i32
      %mul3A_501 = arith.constant 16 : i32
      %mul3A_502 = arith.muli %add3A_500, %mul3A_501 : i32
      %get3A_503 = arith.constant 0 : i32
      %get3A_504 = arith.index_cast %get3A_503 : i32 to index
      %get3A_505 = arith.index_cast %mul3A_502 : i32 to index
      %get3A_506 = tpu.vector_load %arg6[%get3A_504, %get3A_505] {strides = array<i32>} : memref<2x2048xi32, #tpu.memory_space<vmem>>, vector<16xi32>,
      %mul3A_507 = arith.constant 4 : i32
      %mul3A_508 = arith.muli %scan3A_476, %mul3A_507 : i32
      %add3A_509 = arith.constant 3 : i32
      %add3A_510 = arith.addi %mul3A_508, %add3A_509 : i32
      %mul3A_511 = arith.constant 16 : i32
      %mul3A_512 = arith.muli %add3A_510, %mul3A_511 : i32
      %get3A_513 = arith.constant 0 : i32
      %get3A_514 = arith.index_cast %get3A_513 : i32 to index
      %get3A_515 = arith.index_cast %mul3A_512 : i32 to index
      %get3A_516 = tpu.vector_load %arg6[%get3A_514, %get3A_515] {strides = array<i32>} : memref<2x2048xi32, #tpu.memory_space<vmem>>, vector<16xi32>,
      %mul3A_517 = arith.constant 4 : i32
      %mul3A_518 = arith.muli %scan3A_476, %mul3A_517 : i32
      %add3A_519 = arith.constant 0 : i32
      %add3A_520 = arith.addi %mul3A_518, %add3A_519 : i32
      %mul3A_521 = arith.constant 16 : i32
      %mul3A_522 = arith.muli %add3A_520, %mul3A_521 : i32
      %add3A_523 = arith.constant 4096 : i32
      %add3A_524 = arith.addi %add3A_523, %mul3A_522 : i32
      %add3A_525 = vector.broadcast %add3A_524 : i32 to vector<16xi32>
      %add3A_526 = arith.addi %add3A_525, %iota3A : vector<16xi32>
      tpu.vector_store_idx %arg5[%get3A_486], %add3A_526 : memref<100000xi32, #tpu.memory_space<vmem>>[vector<16xi32>], vector<16xi32>,
      %mul3A_527 = arith.constant 4 : i32
      %mul3A_528 = arith.muli %scan3A_476, %mul3A_527 : i32
      %add3A_529 = arith.constant 1 : i32
      %add3A_530 = arith.addi %mul3A_528, %add3A_529 : i32
      %mul3A_531 = arith.constant 16 : i32
      %mul3A_532 = arith.muli %add3A_530, %mul3A_531 : i32
      %add3A_533 = arith.constant 4096 : i32
      %add3A_534 = arith.addi %add3A_533, %mul3A_532 : i32
      %add3A_535 = vector.broadcast %add3A_534 : i32 to vector<16xi32>
      %add3A_536 = arith.addi %add3A_535, %iota3A : vector<16xi32>
      tpu.vector_store_idx %arg5[%get3A_496], %add3A_536 : memref<100000xi32, #tpu.memory_space<vmem>>[vector<16xi32>], vector<16xi32>,
      %mul3A_537 = arith.constant 4 : i32
      %mul3A_538 = arith.muli %scan3A_476, %mul3A_537 : i32
      %add3A_539 = arith.constant 2 : i32
      %add3A_540 = arith.addi %mul3A_538, %add3A_539 : i32
      %mul3A_541 = arith.constant 16 : i32
      %mul3A_542 = arith.muli %add3A_540, %mul3A_541 : i32
      %add3A_543 = arith.constant 4096 : i32
      %add3A_544 = arith.addi %add3A_543, %mul3A_542 : i32
      %add3A_545 = vector.broadcast %add3A_544 : i32 to vector<16xi32>
      %add3A_546 = arith.addi %add3A_545, %iota3A : vector<16xi32>
      tpu.vector_store_idx %arg5[%get3A_506], %add3A_546 : memref<100000xi32, #tpu.memory_space<vmem>>[vector<16xi32>], vector<16xi32>,
      %mul3A_547 = arith.constant 4 : i32
      %mul3A_548 = arith.muli %scan3A_476, %mul3A_547 : i32
      %add3A_549 = arith.constant 3 : i32
      %add3A_550 = arith.addi %mul3A_548, %add3A_549 : i32
      %mul3A_551 = arith.constant 16 : i32
      %mul3A_552 = arith.muli %add3A_550, %mul3A_551 : i32
      %add3A_553 = arith.constant 4096 : i32
      %add3A_554 = arith.addi %add3A_553, %mul3A_552 : i32
      %add3A_555 = vector.broadcast %add3A_554 : i32 to vector<16xi32>
      %add3A_556 = arith.addi %add3A_555, %iota3A : vector<16xi32>
      tpu.vector_store_idx %arg5[%get3A_516], %add3A_556 : memref<100000xi32, #tpu.memory_space<vmem>>[vector<16xi32>], vector<16xi32>,
    }
    %scan3A_115 = arith.constant 32 : i32
    %dma_start3A_116 = arith.constant 0 : i32
    %dma_start3A_117 = arith.constant 0 : i32
    %dma_start3A_118 = arith.constant 0 : i32
    %dma_start3A_119 = tpu.memref_slice %arg6[%dma_start3A_116, %dma_start3A_118] : memref<2x2048xi32, #tpu.memory_space<vmem>> -> memref<1x2048xi32, #tpu.memory_space<vmem>>
    %dma_start3A_120 = tpu.memref_squeeze %dma_start3A_119 : memref<1x2048xi32, #tpu.memory_space<vmem>> -> memref<2048xi32, #tpu.memory_space<vmem>>
    %dma_start3A_121 = arith.constant 8192 : i32
    %dma_start3A_122 = tpu.memref_slice %arg2[%dma_start3A_121] : memref<16384xi32, #tpu.memory_space<hbm>> -> memref<2048xi32, #tpu.memory_space<hbm>>
    %dma_start3A_123 = tpu.memref_slice %arg10[%dma_start3A_117] : memref<2x!tpu.dma_semaphore, #tpu.memory_space<semaphore_mem>> -> memref<1x!tpu.dma_semaphore, #tpu.memory_space<semaphore_mem>>
    %dma_start3A_124 = tpu.memref_squeeze %dma_start3A_123 : memref<1x!tpu.dma_semaphore, #tpu.memory_space<semaphore_mem>> -> memref<!tpu.dma_semaphore, #tpu.memory_space<semaphore_mem>>
    %dma_start3A_125 = arith.constant 0 : i32
    %dma_start3A_126 = tpu.memref_slice %arg6[%dma_start3A_116, %dma_start3A_125] : memref<2x2048xi32, #tpu.memory_space<vmem>> -> memref<1x2048xi32, #tpu.memory_space<vmem>>
    %dma_start3A_127 = tpu.memref_squeeze %dma_start3A_126 : memref<1x2048xi32, #tpu.memory_space<vmem>> -> memref<2048xi32, #tpu.memory_space<vmem>>
    %dma_start3A_128 = arith.constant 8192 : i32
    %dma_start3A_129 = tpu.memref_slice %arg2[%dma_start3A_128] : memref<16384xi32, #tpu.memory_space<hbm>> -> memref<2048xi32, #tpu.memory_space<hbm>>
    tpu.enqueue_dma source(%dma_start3A_129 : memref<2048xi32, #tpu.memory_space<hbm>>) target(%dma_start3A_127 : memref<2048xi32, #tpu.memory_space<vmem>>) target_semaphore(%dma_start3A_124 : memref<!tpu.dma_semaphore, #tpu.memory_space<semaphore_mem>>)
    %dma_wait3A_130 = arith.constant 1 : i32
    %dma_wait3A_131 = arith.constant 1 : i32
    %dma_wait3A_132 = arith.constant 0 : i32
    %dma_wait3A_133 = tpu.memref_slice %arg6[%dma_wait3A_130, %dma_wait3A_132] : memref<2x2048xi32, #tpu.memory_space<vmem>> -> memref<1x2048xi32, #tpu.memory_space<vmem>>
    %dma_wait3A_134 = tpu.memref_squeeze %dma_wait3A_133 : memref<1x2048xi32, #tpu.memory_space<vmem>> -> memref<2048xi32, #tpu.memory_space<vmem>>
    %dma_wait3A_135 = arith.constant 6144 : i32
    %dma_wait3A_136 = tpu.memref_slice %arg2[%dma_wait3A_135] : memref<16384xi32, #tpu.memory_space<hbm>> -> memref<2048xi32, #tpu.memory_space<hbm>>
    %dma_wait3A_137 = tpu.memref_slice %arg10[%dma_wait3A_131] : memref<2x!tpu.dma_semaphore, #tpu.memory_space<semaphore_mem>> -> memref<1x!tpu.dma_semaphore, #tpu.memory_space<semaphore_mem>>
    %dma_wait3A_138 = tpu.memref_squeeze %dma_wait3A_137 : memref<1x!tpu.dma_semaphore, #tpu.memory_space<semaphore_mem>> -> memref<!tpu.dma_semaphore, #tpu.memory_space<semaphore_mem>>
    %dma_wait3A_139 = arith.constant 0 : i32
    %dma_wait3A_140 = tpu.memref_slice %arg6[%dma_wait3A_130, %dma_wait3A_139] : memref<2x2048xi32, #tpu.memory_space<vmem>> -> memref<1x2048xi32, #tpu.memory_space<vmem>>
    %dma_wait3A_141 = tpu.memref_squeeze %dma_wait3A_140 : memref<1x2048xi32, #tpu.memory_space<vmem>> -> memref<2048xi32, #tpu.memory_space<vmem>>
    %dma_wait3A_142 = arith.constant 6144 : i32
    %dma_wait3A_143 = tpu.memref_slice %arg2[%dma_wait3A_142] : memref<16384xi32, #tpu.memory_space<hbm>> -> memref<2048xi32, #tpu.memory_space<hbm>>
    tpu.wait_dma2 semaphore(%dma_wait3A_138 : memref<!tpu.dma_semaphore, #tpu.memory_space<semaphore_mem>>) src(%dma_wait3A_143 : memref<2048xi32, #tpu.memory_space<hbm>>) dst(%dma_wait3A_141 : memref<2048xi32, #tpu.memory_space<vmem>>)
    %scan3A_144 = arith.constant 0 : i32
    %scan3A_145 = arith.constant 0 : i32
    %scan3A_146 = arith.constant 32 : i32
    %scan3A_147 = arith.addi %scan3A_145, %scan3A_146 : i32
    %scan3A_148 = arith.constant 2 : i32
    scf.for %scan3A_395 = %scan3A_145 to %scan3A_147 step %scan3A_148  : i32 {
      %mul3A_396 = arith.constant 4 : i32
      %mul3A_397 = arith.muli %scan3A_395, %mul3A_396 : i32
      %add3A_398 = arith.constant 0 : i32
      %add3A_399 = arith.addi %mul3A_397, %add3A_398 : i32
      %mul3A_400 = arith.constant 16 : i32
      %mul3A_401 = arith.muli %add3A_399, %mul3A_400 : i32
      %get3A = arith.constant 1 : i32
      %get3A_402 = arith.index_cast %get3A : i32 to index
      %get3A_403 = arith.index_cast %mul3A_401 : i32 to index
      %get3A_404 = tpu.vector_load %arg6[%get3A_402, %get3A_403] {strides = array<i32>} : memref<2x2048xi32, #tpu.memory_space<vmem>>, vector<16xi32>,
      %mul3A_405 = arith.constant 4 : i32
      %mul3A_406 = arith.muli %scan3A_395, %mul3A_405 : i32
      %add3A_407 = arith.constant 1 : i32
      %add3A_408 = arith.addi %mul3A_406, %add3A_407 : i32
      %mul3A_409 = arith.constant 16 : i32
      %mul3A_410 = arith.muli %add3A_408, %mul3A_409 : i32
      %get3A_411 = arith.constant 1 : i32
      %get3A_412 = arith.index_cast %get3A_411 : i32 to index
      %get3A_413 = arith.index_cast %mul3A_410 : i32 to index
      %get3A_414 = tpu.vector_load %arg6[%get3A_412, %get3A_413] {strides = array<i32>} : memref<2x2048xi32, #tpu.memory_space<vmem>>, vector<16xi32>,
      %mul3A_415 = arith.constant 4 : i32
      %mul3A_416 = arith.muli %scan3A_395, %mul3A_415 : i32
      %add3A_417 = arith.constant 2 : i32
      %add3A_418 = arith.addi %mul3A_416, %add3A_417 : i32
      %mul3A_419 = arith.constant 16 : i32
      %mul3A_420 = arith.muli %add3A_418, %mul3A_419 : i32
      %get3A_421 = arith.constant 1 : i32
      %get3A_422 = arith.index_cast %get3A_421 : i32 to index
      %get3A_423 = arith.index_cast %mul3A_420 : i32 to index
      %get3A_424 = tpu.vector_load %arg6[%get3A_422, %get3A_423] {strides = array<i32>} : memref<2x2048xi32, #tpu.memory_space<vmem>>, vector<16xi32>,
      %mul3A_425 = arith.constant 4 : i32
      %mul3A_426 = arith.muli %scan3A_395, %mul3A_425 : i32
      %add3A_427 = arith.constant 3 : i32
      %add3A_428 = arith.addi %mul3A_426, %add3A_427 : i32
      %mul3A_429 = arith.constant 16 : i32
      %mul3A_430 = arith.muli %add3A_428, %mul3A_429 : i32
      %get3A_431 = arith.constant 1 : i32
      %get3A_432 = arith.index_cast %get3A_431 : i32 to index
      %get3A_433 = arith.index_cast %mul3A_430 : i32 to index
      %get3A_434 = tpu.vector_load %arg6[%get3A_432, %get3A_433] {strides = array<i32>} : memref<2x2048xi32, #tpu.memory_space<vmem>>, vector<16xi32>,
      %mul3A_435 = arith.constant 4 : i32
      %mul3A_436 = arith.muli %scan3A_395, %mul3A_435 : i32
      %add3A_437 = arith.constant 0 : i32
      %add3A_438 = arith.addi %mul3A_436, %add3A_437 : i32
      %mul3A_439 = arith.constant 16 : i32
      %mul3A_440 = arith.muli %add3A_438, %mul3A_439 : i32
      %add3A_441 = arith.constant 6144 : i32
      %add3A_442 = arith.addi %add3A_441, %mul3A_440 : i32
      %add3A_443 = vector.broadcast %add3A_442 : i32 to vector<16xi32>
      %add3A_444 = arith.addi %add3A_443, %iota3A : vector<16xi32>
      tpu.vector_store_idx %arg5[%get3A_404], %add3A_444 : memref<100000xi32, #tpu.memory_space<vmem>>[vector<16xi32>], vector<16xi32>,
      %mul3A_445 = arith.constant 4 : i32
      %mul3A_446 = arith.muli %scan3A_395, %mul3A_445 : i32
      %add3A_447 = arith.constant 1 : i32
      %add3A_448 = arith.addi %mul3A_446, %add3A_447 : i32
      %mul3A_449 = arith.constant 16 : i32
      %mul3A_450 = arith.muli %add3A_448, %mul3A_449 : i32
      %add3A_451 = arith.constant 6144 : i32
      %add3A_452 = arith.addi %add3A_451, %mul3A_450 : i32
      %add3A_453 = vector.broadcast %add3A_452 : i32 to vector<16xi32>
      %add3A_454 = arith.addi %add3A_453, %iota3A : vector<16xi32>
      tpu.vector_store_idx %arg5[%get3A_414], %add3A_454 : memref<100000xi32, #tpu.memory_space<vmem>>[vector<16xi32>], vector<16xi32>,
      %mul3A_455 = arith.constant 4 : i32
      %mul3A_456 = arith.muli %scan3A_395, %mul3A_455 : i32
      %add3A_457 = arith.constant 2 : i32
      %add3A_458 = arith.addi %mul3A_456, %add3A_457 : i32
      %mul3A_459 = arith.constant 16 : i32
      %mul3A_460 = arith.muli %add3A_458, %mul3A_459 : i32
      %add3A_461 = arith.constant 6144 : i32
      %add3A_462 = arith.addi %add3A_461, %mul3A_460 : i32
      %add3A_463 = vector.broadcast %add3A_462 : i32 to vector<16xi32>
      %add3A_464 = arith.addi %add3A_463, %iota3A : vector<16xi32>
      tpu.vector_store_idx %arg5[%get3A_424], %add3A_464 : memref<100000xi32, #tpu.memory_space<vmem>>[vector<16xi32>], vector<16xi32>,
      %mul3A_465 = arith.constant 4 : i32
      %mul3A_466 = arith.muli %scan3A_395, %mul3A_465 : i32
      %add3A_467 = arith.constant 3 : i32
      %add3A_468 = arith.addi %mul3A_466, %add3A_467 : i32
      %mul3A_469 = arith.constant 16 : i32
      %mul3A_470 = arith.muli %add3A_468, %mul3A_469 : i32
      %add3A_471 = arith.constant 6144 : i32
      %add3A_472 = arith.addi %add3A_471, %mul3A_470 : i32
      %add3A_473 = vector.broadcast %add3A_472 : i32 to vector<16xi32>
      %add3A_474 = arith.addi %add3A_473, %iota3A : vector<16xi32>
      tpu.vector_store_idx %arg5[%get3A_434], %add3A_474 : memref<100000xi32, #tpu.memory_space<vmem>>[vector<16xi32>], vector<16xi32>,
      %scan3A_475 = arith.constant 1 : i32
      %scan3A_476 = arith.addi %scan3A_395, %scan3A_475 : i32
      %mul3A_477 = arith.constant 4 : i32
      %mul3A_478 = arith.muli %scan3A_476, %mul3A_477 : i32
      %add3A_479 = arith.constant 0 : i32
      %add3A_480 = arith.addi %mul3A_478, %add3A_479 : i32
      %mul3A_481 = arith.constant 16 : i32
      %mul3A_482 = arith.muli %add3A_480, %mul3A_481 : i32
      %get3A_483 = arith.constant 1 : i32
      %get3A_484 = arith.index_cast %get3A_483 : i32 to index
      %get3A_485 = arith.index_cast %mul3A_482 : i32 to index
      %get3A_486 = tpu.vector_load %arg6[%get3A_484, %get3A_485] {strides = array<i32>} : memref<2x2048xi32, #tpu.memory_space<vmem>>, vector<16xi32>,
      %mul3A_487 = arith.constant 4 : i32
      %mul3A_488 = arith.muli %scan3A_476, %mul3A_487 : i32
      %add3A_489 = arith.constant 1 : i32
      %add3A_490 = arith.addi %mul3A_488, %add3A_489 : i32
      %mul3A_491 = arith.constant 16 : i32
      %mul3A_492 = arith.muli %add3A_490, %mul3A_491 : i32
      %get3A_493 = arith.constant 1 : i32
      %get3A_494 = arith.index_cast %get3A_493 : i32 to index
      %get3A_495 = arith.index_cast %mul3A_492 : i32 to index
      %get3A_496 = tpu.vector_load %arg6[%get3A_494, %get3A_495] {strides = array<i32>} : memref<2x2048xi32, #tpu.memory_space<vmem>>, vector<16xi32>,
      %mul3A_497 = arith.constant 4 : i32
      %mul3A_498 = arith.muli %scan3A_476, %mul3A_497 : i32
      %add3A_499 = arith.constant 2 : i32
      %add3A_500 = arith.addi %mul3A_498, %add3A_499 : i32
      %mul3A_501 = arith.constant 16 : i32
      %mul3A_502 = arith.muli %add3A_500, %mul3A_501 : i32
      %get3A_503 = arith.constant 1 : i32
      %get3A_504 = arith.index_cast %get3A_503 : i32 to index
      %get3A_505 = arith.index_cast %mul3A_502 : i32 to index
      %get3A_506 = tpu.vector_load %arg6[%get3A_504, %get3A_505] {strides = array<i32>} : memref<2x2048xi32, #tpu.memory_space<vmem>>, vector<16xi32>,
      %mul3A_507 = arith.constant 4 : i32
      %mul3A_508 = arith.muli %scan3A_476, %mul3A_507 : i32
      %add3A_509 = arith.constant 3 : i32
      %add3A_510 = arith.addi %mul3A_508, %add3A_509 : i32
      %mul3A_511 = arith.constant 16 : i32
      %mul3A_512 = arith.muli %add3A_510, %mul3A_511 : i32
      %get3A_513 = arith.constant 1 : i32
      %get3A_514 = arith.index_cast %get3A_513 : i32 to index
      %get3A_515 = arith.index_cast %mul3A_512 : i32 to index
      %get3A_516 = tpu.vector_load %arg6[%get3A_514, %get3A_515] {strides = array<i32>} : memref<2x2048xi32, #tpu.memory_space<vmem>>, vector<16xi32>,
      %mul3A_517 = arith.constant 4 : i32
      %mul3A_518 = arith.muli %scan3A_476, %mul3A_517 : i32
      %add3A_519 = arith.constant 0 : i32
      %add3A_520 = arith.addi %mul3A_518, %add3A_519 : i32
      %mul3A_521 = arith.constant 16 : i32
      %mul3A_522 = arith.muli %add3A_520, %mul3A_521 : i32
      %add3A_523 = arith.constant 6144 : i32
      %add3A_524 = arith.addi %add3A_523, %mul3A_522 : i32
      %add3A_525 = vector.broadcast %add3A_524 : i32 to vector<16xi32>
      %add3A_526 = arith.addi %add3A_525, %iota3A : vector<16xi32>
      tpu.vector_store_idx %arg5[%get3A_486], %add3A_526 : memref<100000xi32, #tpu.memory_space<vmem>>[vector<16xi32>], vector<16xi32>,
      %mul3A_527 = arith.constant 4 : i32
      %mul3A_528 = arith.muli %scan3A_476, %mul3A_527 : i32
      %add3A_529 = arith.constant 1 : i32
      %add3A_530 = arith.addi %mul3A_528, %add3A_529 : i32
      %mul3A_531 = arith.constant 16 : i32
      %mul3A_532 = arith.muli %add3A_530, %mul3A_531 : i32
      %add3A_533 = arith.constant 6144 : i32
      %add3A_534 = arith.addi %add3A_533, %mul3A_532 : i32
      %add3A_535 = vector.broadcast %add3A_534 : i32 to vector<16xi32>
      %add3A_536 = arith.addi %add3A_535, %iota3A : vector<16xi32>
      tpu.vector_store_idx %arg5[%get3A_496], %add3A_536 : memref<100000xi32, #tpu.memory_space<vmem>>[vector<16xi32>], vector<16xi32>,
      %mul3A_537 = arith.constant 4 : i32
      %mul3A_538 = arith.muli %scan3A_476, %mul3A_537 : i32
      %add3A_539 = arith.constant 2 : i32
      %add3A_540 = arith.addi %mul3A_538, %add3A_539 : i32
      %mul3A_541 = arith.constant 16 : i32
      %mul3A_542 = arith.muli %add3A_540, %mul3A_541 : i32
      %add3A_543 = arith.constant 6144 : i32
      %add3A_544 = arith.addi %add3A_543, %mul3A_542 : i32
      %add3A_545 = vector.broadcast %add3A_544 : i32 to vector<16xi32>
      %add3A_546 = arith.addi %add3A_545, %iota3A : vector<16xi32>
      tpu.vector_store_idx %arg5[%get3A_506], %add3A_546 : memref<100000xi32, #tpu.memory_space<vmem>>[vector<16xi32>], vector<16xi32>,
      %mul3A_547 = arith.constant 4 : i32
      %mul3A_548 = arith.muli %scan3A_476, %mul3A_547 : i32
      %add3A_549 = arith.constant 3 : i32
      %add3A_550 = arith.addi %mul3A_548, %add3A_549 : i32
      %mul3A_551 = arith.constant 16 : i32
      %mul3A_552 = arith.muli %add3A_550, %mul3A_551 : i32
      %add3A_553 = arith.constant 6144 : i32
      %add3A_554 = arith.addi %add3A_553, %mul3A_552 : i32
      %add3A_555 = vector.broadcast %add3A_554 : i32 to vector<16xi32>
      %add3A_556 = arith.addi %add3A_555, %iota3A : vector<16xi32>
      tpu.vector_store_idx %arg5[%get3A_516], %add3A_556 : memref<100000xi32, #tpu.memory_space<vmem>>[vector<16xi32>], vector<16xi32>,
    }
    %scan3A_149 = arith.constant 32 : i32
    %dma_start3A_150 = arith.constant 1 : i32
    %dma_start3A_151 = arith.constant 1 : i32
    %dma_start3A_152 = arith.constant 0 : i32
    %dma_start3A_153 = tpu.memref_slice %arg6[%dma_start3A_150, %dma_start3A_152] : memref<2x2048xi32, #tpu.memory_space<vmem>> -> memref<1x2048xi32, #tpu.memory_space<vmem>>
    %dma_start3A_154 = tpu.memref_squeeze %dma_start3A_153 : memref<1x2048xi32, #tpu.memory_space<vmem>> -> memref<2048xi32, #tpu.memory_space<vmem>>
    %dma_start3A_155 = arith.constant 10240 : i32
    %dma_start3A_156 = tpu.memref_slice %arg2[%dma_start3A_155] : memref<16384xi32, #tpu.memory_space<hbm>> -> memref<2048xi32, #tpu.memory_space<hbm>>
    %dma_start3A_157 = tpu.memref_slice %arg10[%dma_start3A_151] : memref<2x!tpu.dma_semaphore, #tpu.memory_space<semaphore_mem>> -> memref<1x!tpu.dma_semaphore, #tpu.memory_space<semaphore_mem>>
    %dma_start3A_158 = tpu.memref_squeeze %dma_start3A_157 : memref<1x!tpu.dma_semaphore, #tpu.memory_space<semaphore_mem>> -> memref<!tpu.dma_semaphore, #tpu.memory_space<semaphore_mem>>
    %dma_start3A_159 = arith.constant 0 : i32
    %dma_start3A_160 = tpu.memref_slice %arg6[%dma_start3A_150, %dma_start3A_159] : memref<2x2048xi32, #tpu.memory_space<vmem>> -> memref<1x2048xi32, #tpu.memory_space<vmem>>
    %dma_start3A_161 = tpu.memref_squeeze %dma_start3A_160 : memref<1x2048xi32, #tpu.memory_space<vmem>> -> memref<2048xi32, #tpu.memory_space<vmem>>
    %dma_start3A_162 = arith.constant 10240 : i32
    %dma_start3A_163 = tpu.memref_slice %arg2[%dma_start3A_162] : memref<16384xi32, #tpu.memory_space<hbm>> -> memref<2048xi32, #tpu.memory_space<hbm>>
    tpu.enqueue_dma source(%dma_start3A_163 : memref<2048xi32, #tpu.memory_space<hbm>>) target(%dma_start3A_161 : memref<2048xi32, #tpu.memory_space<vmem>>) target_semaphore(%dma_start3A_158 : memref<!tpu.dma_semaphore, #tpu.memory_space<semaphore_mem>>)
    %dma_wait3A_164 = arith.constant 0 : i32
    %dma_wait3A_165 = arith.constant 0 : i32
    %dma_wait3A_166 = arith.constant 0 : i32
    %dma_wait3A_167 = tpu.memref_slice %arg6[%dma_wait3A_164, %dma_wait3A_166] : memref<2x2048xi32, #tpu.memory_space<vmem>> -> memref<1x2048xi32, #tpu.memory_space<vmem>>
    %dma_wait3A_168 = tpu.memref_squeeze %dma_wait3A_167 : memref<1x2048xi32, #tpu.memory_space<vmem>> -> memref<2048xi32, #tpu.memory_space<vmem>>
    %dma_wait3A_169 = arith.constant 8192 : i32
    %dma_wait3A_170 = tpu.memref_slice %arg2[%dma_wait3A_169] : memref<16384xi32, #tpu.memory_space<hbm>> -> memref<2048xi32, #tpu.memory_space<hbm>>
    %dma_wait3A_171 = tpu.memref_slice %arg10[%dma_wait3A_165] : memref<2x!tpu.dma_semaphore, #tpu.memory_space<semaphore_mem>> -> memref<1x!tpu.dma_semaphore, #tpu.memory_space<semaphore_mem>>
    %dma_wait3A_172 = tpu.memref_squeeze %dma_wait3A_171 : memref<1x!tpu.dma_semaphore, #tpu.memory_space<semaphore_mem>> -> memref<!tpu.dma_semaphore, #tpu.memory_space<semaphore_mem>>
    %dma_wait3A_173 = arith.constant 0 : i32
    %dma_wait3A_174 = tpu.memref_slice %arg6[%dma_wait3A_164, %dma_wait3A_173] : memref<2x2048xi32, #tpu.memory_space<vmem>> -> memref<1x2048xi32, #tpu.memory_space<vmem>>
    %dma_wait3A_175 = tpu.memref_squeeze %dma_wait3A_174 : memref<1x2048xi32, #tpu.memory_space<vmem>> -> memref<2048xi32, #tpu.memory_space<vmem>>
    %dma_wait3A_176 = arith.constant 8192 : i32
    %dma_wait3A_177 = tpu.memref_slice %arg2[%dma_wait3A_176] : memref<16384xi32, #tpu.memory_space<hbm>> -> memref<2048xi32, #tpu.memory_space<hbm>>
    tpu.wait_dma2 semaphore(%dma_wait3A_172 : memref<!tpu.dma_semaphore, #tpu.memory_space<semaphore_mem>>) src(%dma_wait3A_177 : memref<2048xi32, #tpu.memory_space<hbm>>) dst(%dma_wait3A_175 : memref<2048xi32, #tpu.memory_space<vmem>>)
    %scan3A_178 = arith.constant 0 : i32
    %scan3A_179 = arith.constant 0 : i32
    %scan3A_180 = arith.constant 32 : i32
    %scan3A_181 = arith.addi %scan3A_179, %scan3A_180 : i32
    %scan3A_182 = arith.constant 2 : i32
    scf.for %scan3A_395 = %scan3A_179 to %scan3A_181 step %scan3A_182  : i32 {
      %mul3A_396 = arith.constant 4 : i32
      %mul3A_397 = arith.muli %scan3A_395, %mul3A_396 : i32
      %add3A_398 = arith.constant 0 : i32
      %add3A_399 = arith.addi %mul3A_397, %add3A_398 : i32
      %mul3A_400 = arith.constant 16 : i32
      %mul3A_401 = arith.muli %add3A_399, %mul3A_400 : i32
      %get3A = arith.constant 0 : i32
      %get3A_402 = arith.index_cast %get3A : i32 to index
      %get3A_403 = arith.index_cast %mul3A_401 : i32 to index
      %get3A_404 = tpu.vector_load %arg6[%get3A_402, %get3A_403] {strides = array<i32>} : memref<2x2048xi32, #tpu.memory_space<vmem>>, vector<16xi32>,
      %mul3A_405 = arith.constant 4 : i32
      %mul3A_406 = arith.muli %scan3A_395, %mul3A_405 : i32
      %add3A_407 = arith.constant 1 : i32
      %add3A_408 = arith.addi %mul3A_406, %add3A_407 : i32
      %mul3A_409 = arith.constant 16 : i32
      %mul3A_410 = arith.muli %add3A_408, %mul3A_409 : i32
      %get3A_411 = arith.constant 0 : i32
      %get3A_412 = arith.index_cast %get3A_411 : i32 to index
      %get3A_413 = arith.index_cast %mul3A_410 : i32 to index
      %get3A_414 = tpu.vector_load %arg6[%get3A_412, %get3A_413] {strides = array<i32>} : memref<2x2048xi32, #tpu.memory_space<vmem>>, vector<16xi32>,
      %mul3A_415 = arith.constant 4 : i32
      %mul3A_416 = arith.muli %scan3A_395, %mul3A_415 : i32
      %add3A_417 = arith.constant 2 : i32
      %add3A_418 = arith.addi %mul3A_416, %add3A_417 : i32
      %mul3A_419 = arith.constant 16 : i32
      %mul3A_420 = arith.muli %add3A_418, %mul3A_419 : i32
      %get3A_421 = arith.constant 0 : i32
      %get3A_422 = arith.index_cast %get3A_421 : i32 to index
      %get3A_423 = arith.index_cast %mul3A_420 : i32 to index
      %get3A_424 = tpu.vector_load %arg6[%get3A_422, %get3A_423] {strides = array<i32>} : memref<2x2048xi32, #tpu.memory_space<vmem>>, vector<16xi32>,
      %mul3A_425 = arith.constant 4 : i32
      %mul3A_426 = arith.muli %scan3A_395, %mul3A_425 : i32
      %add3A_427 = arith.constant 3 : i32
      %add3A_428 = arith.addi %mul3A_426, %add3A_427 : i32
      %mul3A_429 = arith.constant 16 : i32
      %mul3A_430 = arith.muli %add3A_428, %mul3A_429 : i32
      %get3A_431 = arith.constant 0 : i32
      %get3A_432 = arith.index_cast %get3A_431 : i32 to index
      %get3A_433 = arith.index_cast %mul3A_430 : i32 to index
      %get3A_434 = tpu.vector_load %arg6[%get3A_432, %get3A_433] {strides = array<i32>} : memref<2x2048xi32, #tpu.memory_space<vmem>>, vector<16xi32>,
      %mul3A_435 = arith.constant 4 : i32
      %mul3A_436 = arith.muli %scan3A_395, %mul3A_435 : i32
      %add3A_437 = arith.constant 0 : i32
      %add3A_438 = arith.addi %mul3A_436, %add3A_437 : i32
      %mul3A_439 = arith.constant 16 : i32
      %mul3A_440 = arith.muli %add3A_438, %mul3A_439 : i32
      %add3A_441 = arith.constant 8192 : i32
      %add3A_442 = arith.addi %add3A_441, %mul3A_440 : i32
      %add3A_443 = vector.broadcast %add3A_442 : i32 to vector<16xi32>
      %add3A_444 = arith.addi %add3A_443, %iota3A : vector<16xi32>
      tpu.vector_store_idx %arg5[%get3A_404], %add3A_444 : memref<100000xi32, #tpu.memory_space<vmem>>[vector<16xi32>], vector<16xi32>,
      %mul3A_445 = arith.constant 4 : i32
      %mul3A_446 = arith.muli %scan3A_395, %mul3A_445 : i32
      %add3A_447 = arith.constant 1 : i32
      %add3A_448 = arith.addi %mul3A_446, %add3A_447 : i32
      %mul3A_449 = arith.constant 16 : i32
      %mul3A_450 = arith.muli %add3A_448, %mul3A_449 : i32
      %add3A_451 = arith.constant 8192 : i32
      %add3A_452 = arith.addi %add3A_451, %mul3A_450 : i32
      %add3A_453 = vector.broadcast %add3A_452 : i32 to vector<16xi32>
      %add3A_454 = arith.addi %add3A_453, %iota3A : vector<16xi32>
      tpu.vector_store_idx %arg5[%get3A_414], %add3A_454 : memref<100000xi32, #tpu.memory_space<vmem>>[vector<16xi32>], vector<16xi32>,
      %mul3A_455 = arith.constant 4 : i32
      %mul3A_456 = arith.muli %scan3A_395, %mul3A_455 : i32
      %add3A_457 = arith.constant 2 : i32
      %add3A_458 = arith.addi %mul3A_456, %add3A_457 : i32
      %mul3A_459 = arith.constant 16 : i32
      %mul3A_460 = arith.muli %add3A_458, %mul3A_459 : i32
      %add3A_461 = arith.constant 8192 : i32
      %add3A_462 = arith.addi %add3A_461, %mul3A_460 : i32
      %add3A_463 = vector.broadcast %add3A_462 : i32 to vector<16xi32>
      %add3A_464 = arith.addi %add3A_463, %iota3A : vector<16xi32>
      tpu.vector_store_idx %arg5[%get3A_424], %add3A_464 : memref<100000xi32, #tpu.memory_space<vmem>>[vector<16xi32>], vector<16xi32>,
      %mul3A_465 = arith.constant 4 : i32
      %mul3A_466 = arith.muli %scan3A_395, %mul3A_465 : i32
      %add3A_467 = arith.constant 3 : i32
      %add3A_468 = arith.addi %mul3A_466, %add3A_467 : i32
      %mul3A_469 = arith.constant 16 : i32
      %mul3A_470 = arith.muli %add3A_468, %mul3A_469 : i32
      %add3A_471 = arith.constant 8192 : i32
      %add3A_472 = arith.addi %add3A_471, %mul3A_470 : i32
      %add3A_473 = vector.broadcast %add3A_472 : i32 to vector<16xi32>
      %add3A_474 = arith.addi %add3A_473, %iota3A : vector<16xi32>
      tpu.vector_store_idx %arg5[%get3A_434], %add3A_474 : memref<100000xi32, #tpu.memory_space<vmem>>[vector<16xi32>], vector<16xi32>,
      %scan3A_475 = arith.constant 1 : i32
      %scan3A_476 = arith.addi %scan3A_395, %scan3A_475 : i32
      %mul3A_477 = arith.constant 4 : i32
      %mul3A_478 = arith.muli %scan3A_476, %mul3A_477 : i32
      %add3A_479 = arith.constant 0 : i32
      %add3A_480 = arith.addi %mul3A_478, %add3A_479 : i32
      %mul3A_481 = arith.constant 16 : i32
      %mul3A_482 = arith.muli %add3A_480, %mul3A_481 : i32
      %get3A_483 = arith.constant 0 : i32
      %get3A_484 = arith.index_cast %get3A_483 : i32 to index
      %get3A_485 = arith.index_cast %mul3A_482 : i32 to index
      %get3A_486 = tpu.vector_load %arg6[%get3A_484, %get3A_485] {strides = array<i32>} : memref<2x2048xi32, #tpu.memory_space<vmem>>, vector<16xi32>,
      %mul3A_487 = arith.constant 4 : i32
      %mul3A_488 = arith.muli %scan3A_476, %mul3A_487 : i32
      %add3A_489 = arith.constant 1 : i32
      %add3A_490 = arith.addi %mul3A_488, %add3A_489 : i32
      %mul3A_491 = arith.constant 16 : i32
      %mul3A_492 = arith.muli %add3A_490, %mul3A_491 : i32
      %get3A_493 = arith.constant 0 : i32
      %get3A_494 = arith.index_cast %get3A_493 : i32 to index
      %get3A_495 = arith.index_cast %mul3A_492 : i32 to index
      %get3A_496 = tpu.vector_load %arg6[%get3A_494, %get3A_495] {strides = array<i32>} : memref<2x2048xi32, #tpu.memory_space<vmem>>, vector<16xi32>,
      %mul3A_497 = arith.constant 4 : i32
      %mul3A_498 = arith.muli %scan3A_476, %mul3A_497 : i32
      %add3A_499 = arith.constant 2 : i32
      %add3A_500 = arith.addi %mul3A_498, %add3A_499 : i32
      %mul3A_501 = arith.constant 16 : i32
      %mul3A_502 = arith.muli %add3A_500, %mul3A_501 : i32
      %get3A_503 = arith.constant 0 : i32
      %get3A_504 = arith.index_cast %get3A_503 : i32 to index
      %get3A_505 = arith.index_cast %mul3A_502 : i32 to index
      %get3A_506 = tpu.vector_load %arg6[%get3A_504, %get3A_505] {strides = array<i32>} : memref<2x2048xi32, #tpu.memory_space<vmem>>, vector<16xi32>,
      %mul3A_507 = arith.constant 4 : i32
      %mul3A_508 = arith.muli %scan3A_476, %mul3A_507 : i32
      %add3A_509 = arith.constant 3 : i32
      %add3A_510 = arith.addi %mul3A_508, %add3A_509 : i32
      %mul3A_511 = arith.constant 16 : i32
      %mul3A_512 = arith.muli %add3A_510, %mul3A_511 : i32
      %get3A_513 = arith.constant 0 : i32
      %get3A_514 = arith.index_cast %get3A_513 : i32 to index
      %get3A_515 = arith.index_cast %mul3A_512 : i32 to index
      %get3A_516 = tpu.vector_load %arg6[%get3A_514, %get3A_515] {strides = array<i32>} : memref<2x2048xi32, #tpu.memory_space<vmem>>, vector<16xi32>,
      %mul3A_517 = arith.constant 4 : i32
      %mul3A_518 = arith.muli %scan3A_476, %mul3A_517 : i32
      %add3A_519 = arith.constant 0 : i32
      %add3A_520 = arith.addi %mul3A_518, %add3A_519 : i32
      %mul3A_521 = arith.constant 16 : i32
      %mul3A_522 = arith.muli %add3A_520, %mul3A_521 : i32
      %add3A_523 = arith.constant 8192 : i32
      %add3A_524 = arith.addi %add3A_523, %mul3A_522 : i32
      %add3A_525 = vector.broadcast %add3A_524 : i32 to vector<16xi32>
      %add3A_526 = arith.addi %add3A_525, %iota3A : vector<16xi32>
      tpu.vector_store_idx %arg5[%get3A_486], %add3A_526 : memref<100000xi32, #tpu.memory_space<vmem>>[vector<16xi32>], vector<16xi32>,
      %mul3A_527 = arith.constant 4 : i32
      %mul3A_528 = arith.muli %scan3A_476, %mul3A_527 : i32
      %add3A_529 = arith.constant 1 : i32
      %add3A_530 = arith.addi %mul3A_528, %add3A_529 : i32
      %mul3A_531 = arith.constant 16 : i32
      %mul3A_532 = arith.muli %add3A_530, %mul3A_531 : i32
      %add3A_533 = arith.constant 8192 : i32
      %add3A_534 = arith.addi %add3A_533, %mul3A_532 : i32
      %add3A_535 = vector.broadcast %add3A_534 : i32 to vector<16xi32>
      %add3A_536 = arith.addi %add3A_535, %iota3A : vector<16xi32>
      tpu.vector_store_idx %arg5[%get3A_496], %add3A_536 : memref<100000xi32, #tpu.memory_space<vmem>>[vector<16xi32>], vector<16xi32>,
      %mul3A_537 = arith.constant 4 : i32
      %mul3A_538 = arith.muli %scan3A_476, %mul3A_537 : i32
      %add3A_539 = arith.constant 2 : i32
      %add3A_540 = arith.addi %mul3A_538, %add3A_539 : i32
      %mul3A_541 = arith.constant 16 : i32
      %mul3A_542 = arith.muli %add3A_540, %mul3A_541 : i32
      %add3A_543 = arith.constant 8192 : i32
      %add3A_544 = arith.addi %add3A_543, %mul3A_542 : i32
      %add3A_545 = vector.broadcast %add3A_544 : i32 to vector<16xi32>
      %add3A_546 = arith.addi %add3A_545, %iota3A : vector<16xi32>
      tpu.vector_store_idx %arg5[%get3A_506], %add3A_546 : memref<100000xi32, #tpu.memory_space<vmem>>[vector<16xi32>], vector<16xi32>,
      %mul3A_547 = arith.constant 4 : i32
      %mul3A_548 = arith.muli %scan3A_476, %mul3A_547 : i32
      %add3A_549 = arith.constant 3 : i32
      %add3A_550 = arith.addi %mul3A_548, %add3A_549 : i32
      %mul3A_551 = arith.constant 16 : i32
      %mul3A_552 = arith.muli %add3A_550, %mul3A_551 : i32
      %add3A_553 = arith.constant 8192 : i32
      %add3A_554 = arith.addi %add3A_553, %mul3A_552 : i32
      %add3A_555 = vector.broadcast %add3A_554 : i32 to vector<16xi32>
      %add3A_556 = arith.addi %add3A_555, %iota3A : vector<16xi32>
      tpu.vector_store_idx %arg5[%get3A_516], %add3A_556 : memref<100000xi32, #tpu.memory_space<vmem>>[vector<16xi32>], vector<16xi32>,
    }
    %scan3A_183 = arith.constant 32 : i32
    %dma_start3A_184 = arith.constant 0 : i32
    %dma_start3A_185 = arith.constant 0 : i32
    %dma_start3A_186 = arith.constant 0 : i32
    %dma_start3A_187 = tpu.memref_slice %arg6[%dma_start3A_184, %dma_start3A_186] : memref<2x2048xi32, #tpu.memory_space<vmem>> -> memref<1x2048xi32, #tpu.memory_space<vmem>>
    %dma_start3A_188 = tpu.memref_squeeze %dma_start3A_187 : memref<1x2048xi32, #tpu.memory_space<vmem>> -> memref<2048xi32, #tpu.memory_space<vmem>>
    %dma_start3A_189 = arith.constant 12288 : i32
    %dma_start3A_190 = tpu.memref_slice %arg2[%dma_start3A_189] : memref<16384xi32, #tpu.memory_space<hbm>> -> memref<2048xi32, #tpu.memory_space<hbm>>
    %dma_start3A_191 = tpu.memref_slice %arg10[%dma_start3A_185] : memref<2x!tpu.dma_semaphore, #tpu.memory_space<semaphore_mem>> -> memref<1x!tpu.dma_semaphore, #tpu.memory_space<semaphore_mem>>
    %dma_start3A_192 = tpu.memref_squeeze %dma_start3A_191 : memref<1x!tpu.dma_semaphore, #tpu.memory_space<semaphore_mem>> -> memref<!tpu.dma_semaphore, #tpu.memory_space<semaphore_mem>>
    %dma_start3A_193 = arith.constant 0 : i32
    %dma_start3A_194 = tpu.memref_slice %arg6[%dma_start3A_184, %dma_start3A_193] : memref<2x2048xi32, #tpu.memory_space<vmem>> -> memref<1x2048xi32, #tpu.memory_space<vmem>>
    %dma_start3A_195 = tpu.memref_squeeze %dma_start3A_194 : memref<1x2048xi32, #tpu.memory_space<vmem>> -> memref<2048xi32, #tpu.memory_space<vmem>>
    %dma_start3A_196 = arith.constant 12288 : i32
    %dma_start3A_197 = tpu.memref_slice %arg2[%dma_start3A_196] : memref<16384xi32, #tpu.memory_space<hbm>> -> memref<2048xi32, #tpu.memory_space<hbm>>
    tpu.enqueue_dma source(%dma_start3A_197 : memref<2048xi32, #tpu.memory_space<hbm>>) target(%dma_start3A_195 : memref<2048xi32, #tpu.memory_space<vmem>>) target_semaphore(%dma_start3A_192 : memref<!tpu.dma_semaphore, #tpu.memory_space<semaphore_mem>>)
    %dma_wait3A_198 = arith.constant 1 : i32
    %dma_wait3A_199 = arith.constant 1 : i32
    %dma_wait3A_200 = arith.constant 0 : i32
    %dma_wait3A_201 = tpu.memref_slice %arg6[%dma_wait3A_198, %dma_wait3A_200] : memref<2x2048xi32, #tpu.memory_space<vmem>> -> memref<1x2048xi32, #tpu.memory_space<vmem>>
    %dma_wait3A_202 = tpu.memref_squeeze %dma_wait3A_201 : memref<1x2048xi32, #tpu.memory_space<vmem>> -> memref<2048xi32, #tpu.memory_space<vmem>>
    %dma_wait3A_203 = arith.constant 10240 : i32
    %dma_wait3A_204 = tpu.memref_slice %arg2[%dma_wait3A_203] : memref<16384xi32, #tpu.memory_space<hbm>> -> memref<2048xi32, #tpu.memory_space<hbm>>
    %dma_wait3A_205 = tpu.memref_slice %arg10[%dma_wait3A_199] : memref<2x!tpu.dma_semaphore, #tpu.memory_space<semaphore_mem>> -> memref<1x!tpu.dma_semaphore, #tpu.memory_space<semaphore_mem>>
    %dma_wait3A_206 = tpu.memref_squeeze %dma_wait3A_205 : memref<1x!tpu.dma_semaphore, #tpu.memory_space<semaphore_mem>> -> memref<!tpu.dma_semaphore, #tpu.memory_space<semaphore_mem>>
    %dma_wait3A_207 = arith.constant 0 : i32
    %dma_wait3A_208 = tpu.memref_slice %arg6[%dma_wait3A_198, %dma_wait3A_207] : memref<2x2048xi32, #tpu.memory_space<vmem>> -> memref<1x2048xi32, #tpu.memory_space<vmem>>
    %dma_wait3A_209 = tpu.memref_squeeze %dma_wait3A_208 : memref<1x2048xi32, #tpu.memory_space<vmem>> -> memref<2048xi32, #tpu.memory_space<vmem>>
    %dma_wait3A_210 = arith.constant 10240 : i32
    %dma_wait3A_211 = tpu.memref_slice %arg2[%dma_wait3A_210] : memref<16384xi32, #tpu.memory_space<hbm>> -> memref<2048xi32, #tpu.memory_space<hbm>>
    tpu.wait_dma2 semaphore(%dma_wait3A_206 : memref<!tpu.dma_semaphore, #tpu.memory_space<semaphore_mem>>) src(%dma_wait3A_211 : memref<2048xi32, #tpu.memory_space<hbm>>) dst(%dma_wait3A_209 : memref<2048xi32, #tpu.memory_space<vmem>>)
    %scan3A_212 = arith.constant 0 : i32
    %scan3A_213 = arith.constant 0 : i32
    %scan3A_214 = arith.constant 32 : i32
    %scan3A_215 = arith.addi %scan3A_213, %scan3A_214 : i32
    %scan3A_216 = arith.constant 2 : i32
    scf.for %scan3A_395 = %scan3A_213 to %scan3A_215 step %scan3A_216  : i32 {
      %mul3A_396 = arith.constant 4 : i32
      %mul3A_397 = arith.muli %scan3A_395, %mul3A_396 : i32
      %add3A_398 = arith.constant 0 : i32
      %add3A_399 = arith.addi %mul3A_397, %add3A_398 : i32
      %mul3A_400 = arith.constant 16 : i32
      %mul3A_401 = arith.muli %add3A_399, %mul3A_400 : i32
      %get3A = arith.constant 1 : i32
      %get3A_402 = arith.index_cast %get3A : i32 to index
      %get3A_403 = arith.index_cast %mul3A_401 : i32 to index
      %get3A_404 = tpu.vector_load %arg6[%get3A_402, %get3A_403] {strides = array<i32>} : memref<2x2048xi32, #tpu.memory_space<vmem>>, vector<16xi32>,
      %mul3A_405 = arith.constant 4 : i32
      %mul3A_406 = arith.muli %scan3A_395, %mul3A_405 : i32
      %add3A_407 = arith.constant 1 : i32
      %add3A_408 = arith.addi %mul3A_406, %add3A_407 : i32
      %mul3A_409 = arith.constant 16 : i32
      %mul3A_410 = arith.muli %add3A_408, %mul3A_409 : i32
      %get3A_411 = arith.constant 1 : i32
      %get3A_412 = arith.index_cast %get3A_411 : i32 to index
      %get3A_413 = arith.index_cast %mul3A_410 : i32 to index
      %get3A_414 = tpu.vector_load %arg6[%get3A_412, %get3A_413] {strides = array<i32>} : memref<2x2048xi32, #tpu.memory_space<vmem>>, vector<16xi32>,
      %mul3A_415 = arith.constant 4 : i32
      %mul3A_416 = arith.muli %scan3A_395, %mul3A_415 : i32
      %add3A_417 = arith.constant 2 : i32
      %add3A_418 = arith.addi %mul3A_416, %add3A_417 : i32
      %mul3A_419 = arith.constant 16 : i32
      %mul3A_420 = arith.muli %add3A_418, %mul3A_419 : i32
      %get3A_421 = arith.constant 1 : i32
      %get3A_422 = arith.index_cast %get3A_421 : i32 to index
      %get3A_423 = arith.index_cast %mul3A_420 : i32 to index
      %get3A_424 = tpu.vector_load %arg6[%get3A_422, %get3A_423] {strides = array<i32>} : memref<2x2048xi32, #tpu.memory_space<vmem>>, vector<16xi32>,
      %mul3A_425 = arith.constant 4 : i32
      %mul3A_426 = arith.muli %scan3A_395, %mul3A_425 : i32
      %add3A_427 = arith.constant 3 : i32
      %add3A_428 = arith.addi %mul3A_426, %add3A_427 : i32
      %mul3A_429 = arith.constant 16 : i32
      %mul3A_430 = arith.muli %add3A_428, %mul3A_429 : i32
      %get3A_431 = arith.constant 1 : i32
      %get3A_432 = arith.index_cast %get3A_431 : i32 to index
      %get3A_433 = arith.index_cast %mul3A_430 : i32 to index
      %get3A_434 = tpu.vector_load %arg6[%get3A_432, %get3A_433] {strides = array<i32>} : memref<2x2048xi32, #tpu.memory_space<vmem>>, vector<16xi32>,
      %mul3A_435 = arith.constant 4 : i32
      %mul3A_436 = arith.muli %scan3A_395, %mul3A_435 : i32
      %add3A_437 = arith.constant 0 : i32
      %add3A_438 = arith.addi %mul3A_436, %add3A_437 : i32
      %mul3A_439 = arith.constant 16 : i32
      %mul3A_440 = arith.muli %add3A_438, %mul3A_439 : i32
      %add3A_441 = arith.constant 10240 : i32
      %add3A_442 = arith.addi %add3A_441, %mul3A_440 : i32
      %add3A_443 = vector.broadcast %add3A_442 : i32 to vector<16xi32>
      %add3A_444 = arith.addi %add3A_443, %iota3A : vector<16xi32>
      tpu.vector_store_idx %arg5[%get3A_404], %add3A_444 : memref<100000xi32, #tpu.memory_space<vmem>>[vector<16xi32>], vector<16xi32>,
      %mul3A_445 = arith.constant 4 : i32
      %mul3A_446 = arith.muli %scan3A_395, %mul3A_445 : i32
      %add3A_447 = arith.constant 1 : i32
      %add3A_448 = arith.addi %mul3A_446, %add3A_447 : i32
      %mul3A_449 = arith.constant 16 : i32
      %mul3A_450 = arith.muli %add3A_448, %mul3A_449 : i32
      %add3A_451 = arith.constant 10240 : i32
      %add3A_452 = arith.addi %add3A_451, %mul3A_450 : i32
      %add3A_453 = vector.broadcast %add3A_452 : i32 to vector<16xi32>
      %add3A_454 = arith.addi %add3A_453, %iota3A : vector<16xi32>
      tpu.vector_store_idx %arg5[%get3A_414], %add3A_454 : memref<100000xi32, #tpu.memory_space<vmem>>[vector<16xi32>], vector<16xi32>,
      %mul3A_455 = arith.constant 4 : i32
      %mul3A_456 = arith.muli %scan3A_395, %mul3A_455 : i32
      %add3A_457 = arith.constant 2 : i32
      %add3A_458 = arith.addi %mul3A_456, %add3A_457 : i32
      %mul3A_459 = arith.constant 16 : i32
      %mul3A_460 = arith.muli %add3A_458, %mul3A_459 : i32
      %add3A_461 = arith.constant 10240 : i32
      %add3A_462 = arith.addi %add3A_461, %mul3A_460 : i32
      %add3A_463 = vector.broadcast %add3A_462 : i32 to vector<16xi32>
      %add3A_464 = arith.addi %add3A_463, %iota3A : vector<16xi32>
      tpu.vector_store_idx %arg5[%get3A_424], %add3A_464 : memref<100000xi32, #tpu.memory_space<vmem>>[vector<16xi32>], vector<16xi32>,
      %mul3A_465 = arith.constant 4 : i32
      %mul3A_466 = arith.muli %scan3A_395, %mul3A_465 : i32
      %add3A_467 = arith.constant 3 : i32
      %add3A_468 = arith.addi %mul3A_466, %add3A_467 : i32
      %mul3A_469 = arith.constant 16 : i32
      %mul3A_470 = arith.muli %add3A_468, %mul3A_469 : i32
      %add3A_471 = arith.constant 10240 : i32
      %add3A_472 = arith.addi %add3A_471, %mul3A_470 : i32
      %add3A_473 = vector.broadcast %add3A_472 : i32 to vector<16xi32>
      %add3A_474 = arith.addi %add3A_473, %iota3A : vector<16xi32>
      tpu.vector_store_idx %arg5[%get3A_434], %add3A_474 : memref<100000xi32, #tpu.memory_space<vmem>>[vector<16xi32>], vector<16xi32>,
      %scan3A_475 = arith.constant 1 : i32
      %scan3A_476 = arith.addi %scan3A_395, %scan3A_475 : i32
      %mul3A_477 = arith.constant 4 : i32
      %mul3A_478 = arith.muli %scan3A_476, %mul3A_477 : i32
      %add3A_479 = arith.constant 0 : i32
      %add3A_480 = arith.addi %mul3A_478, %add3A_479 : i32
      %mul3A_481 = arith.constant 16 : i32
      %mul3A_482 = arith.muli %add3A_480, %mul3A_481 : i32
      %get3A_483 = arith.constant 1 : i32
      %get3A_484 = arith.index_cast %get3A_483 : i32 to index
      %get3A_485 = arith.index_cast %mul3A_482 : i32 to index
      %get3A_486 = tpu.vector_load %arg6[%get3A_484, %get3A_485] {strides = array<i32>} : memref<2x2048xi32, #tpu.memory_space<vmem>>, vector<16xi32>,
      %mul3A_487 = arith.constant 4 : i32
      %mul3A_488 = arith.muli %scan3A_476, %mul3A_487 : i32
      %add3A_489 = arith.constant 1 : i32
      %add3A_490 = arith.addi %mul3A_488, %add3A_489 : i32
      %mul3A_491 = arith.constant 16 : i32
      %mul3A_492 = arith.muli %add3A_490, %mul3A_491 : i32
      %get3A_493 = arith.constant 1 : i32
      %get3A_494 = arith.index_cast %get3A_493 : i32 to index
      %get3A_495 = arith.index_cast %mul3A_492 : i32 to index
      %get3A_496 = tpu.vector_load %arg6[%get3A_494, %get3A_495] {strides = array<i32>} : memref<2x2048xi32, #tpu.memory_space<vmem>>, vector<16xi32>,
      %mul3A_497 = arith.constant 4 : i32
      %mul3A_498 = arith.muli %scan3A_476, %mul3A_497 : i32
      %add3A_499 = arith.constant 2 : i32
      %add3A_500 = arith.addi %mul3A_498, %add3A_499 : i32
      %mul3A_501 = arith.constant 16 : i32
      %mul3A_502 = arith.muli %add3A_500, %mul3A_501 : i32
      %get3A_503 = arith.constant 1 : i32
      %get3A_504 = arith.index_cast %get3A_503 : i32 to index
      %get3A_505 = arith.index_cast %mul3A_502 : i32 to index
      %get3A_506 = tpu.vector_load %arg6[%get3A_504, %get3A_505] {strides = array<i32>} : memref<2x2048xi32, #tpu.memory_space<vmem>>, vector<16xi32>,
      %mul3A_507 = arith.constant 4 : i32
      %mul3A_508 = arith.muli %scan3A_476, %mul3A_507 : i32
      %add3A_509 = arith.constant 3 : i32
      %add3A_510 = arith.addi %mul3A_508, %add3A_509 : i32
      %mul3A_511 = arith.constant 16 : i32
      %mul3A_512 = arith.muli %add3A_510, %mul3A_511 : i32
      %get3A_513 = arith.constant 1 : i32
      %get3A_514 = arith.index_cast %get3A_513 : i32 to index
      %get3A_515 = arith.index_cast %mul3A_512 : i32 to index
      %get3A_516 = tpu.vector_load %arg6[%get3A_514, %get3A_515] {strides = array<i32>} : memref<2x2048xi32, #tpu.memory_space<vmem>>, vector<16xi32>,
      %mul3A_517 = arith.constant 4 : i32
      %mul3A_518 = arith.muli %scan3A_476, %mul3A_517 : i32
      %add3A_519 = arith.constant 0 : i32
      %add3A_520 = arith.addi %mul3A_518, %add3A_519 : i32
      %mul3A_521 = arith.constant 16 : i32
      %mul3A_522 = arith.muli %add3A_520, %mul3A_521 : i32
      %add3A_523 = arith.constant 10240 : i32
      %add3A_524 = arith.addi %add3A_523, %mul3A_522 : i32
      %add3A_525 = vector.broadcast %add3A_524 : i32 to vector<16xi32>
      %add3A_526 = arith.addi %add3A_525, %iota3A : vector<16xi32>
      tpu.vector_store_idx %arg5[%get3A_486], %add3A_526 : memref<100000xi32, #tpu.memory_space<vmem>>[vector<16xi32>], vector<16xi32>,
      %mul3A_527 = arith.constant 4 : i32
      %mul3A_528 = arith.muli %scan3A_476, %mul3A_527 : i32
      %add3A_529 = arith.constant 1 : i32
      %add3A_530 = arith.addi %mul3A_528, %add3A_529 : i32
      %mul3A_531 = arith.constant 16 : i32
      %mul3A_532 = arith.muli %add3A_530, %mul3A_531 : i32
      %add3A_533 = arith.constant 10240 : i32
      %add3A_534 = arith.addi %add3A_533, %mul3A_532 : i32
      %add3A_535 = vector.broadcast %add3A_534 : i32 to vector<16xi32>
      %add3A_536 = arith.addi %add3A_535, %iota3A : vector<16xi32>
      tpu.vector_store_idx %arg5[%get3A_496], %add3A_536 : memref<100000xi32, #tpu.memory_space<vmem>>[vector<16xi32>], vector<16xi32>,
      %mul3A_537 = arith.constant 4 : i32
      %mul3A_538 = arith.muli %scan3A_476, %mul3A_537 : i32
      %add3A_539 = arith.constant 2 : i32
      %add3A_540 = arith.addi %mul3A_538, %add3A_539 : i32
      %mul3A_541 = arith.constant 16 : i32
      %mul3A_542 = arith.muli %add3A_540, %mul3A_541 : i32
      %add3A_543 = arith.constant 10240 : i32
      %add3A_544 = arith.addi %add3A_543, %mul3A_542 : i32
      %add3A_545 = vector.broadcast %add3A_544 : i32 to vector<16xi32>
      %add3A_546 = arith.addi %add3A_545, %iota3A : vector<16xi32>
      tpu.vector_store_idx %arg5[%get3A_506], %add3A_546 : memref<100000xi32, #tpu.memory_space<vmem>>[vector<16xi32>], vector<16xi32>,
      %mul3A_547 = arith.constant 4 : i32
      %mul3A_548 = arith.muli %scan3A_476, %mul3A_547 : i32
      %add3A_549 = arith.constant 3 : i32
      %add3A_550 = arith.addi %mul3A_548, %add3A_549 : i32
      %mul3A_551 = arith.constant 16 : i32
      %mul3A_552 = arith.muli %add3A_550, %mul3A_551 : i32
      %add3A_553 = arith.constant 10240 : i32
      %add3A_554 = arith.addi %add3A_553, %mul3A_552 : i32
      %add3A_555 = vector.broadcast %add3A_554 : i32 to vector<16xi32>
      %add3A_556 = arith.addi %add3A_555, %iota3A : vector<16xi32>
      tpu.vector_store_idx %arg5[%get3A_516], %add3A_556 : memref<100000xi32, #tpu.memory_space<vmem>>[vector<16xi32>], vector<16xi32>,
    }
    %scan3A_217 = arith.constant 32 : i32
    %dma_start3A_218 = arith.constant 1 : i32
    %dma_start3A_219 = arith.constant 1 : i32
    %dma_start3A_220 = arith.constant 0 : i32
    %dma_start3A_221 = tpu.memref_slice %arg6[%dma_start3A_218, %dma_start3A_220] : memref<2x2048xi32, #tpu.memory_space<vmem>> -> memref<1x2048xi32, #tpu.memory_space<vmem>>
    %dma_start3A_222 = tpu.memref_squeeze %dma_start3A_221 : memref<1x2048xi32, #tpu.memory_space<vmem>> -> memref<2048xi32, #tpu.memory_space<vmem>>
    %dma_start3A_223 = arith.constant 14336 : i32
    %dma_start3A_224 = tpu.memref_slice %arg2[%dma_start3A_223] : memref<16384xi32, #tpu.memory_space<hbm>> -> memref<2048xi32, #tpu.memory_space<hbm>>
    %dma_start3A_225 = tpu.memref_slice %arg10[%dma_start3A_219] : memref<2x!tpu.dma_semaphore, #tpu.memory_space<semaphore_mem>> -> memref<1x!tpu.dma_semaphore, #tpu.memory_space<semaphore_mem>>
    %dma_start3A_226 = tpu.memref_squeeze %dma_start3A_225 : memref<1x!tpu.dma_semaphore, #tpu.memory_space<semaphore_mem>> -> memref<!tpu.dma_semaphore, #tpu.memory_space<semaphore_mem>>
    %dma_start3A_227 = arith.constant 0 : i32
    %dma_start3A_228 = tpu.memref_slice %arg6[%dma_start3A_218, %dma_start3A_227] : memref<2x2048xi32, #tpu.memory_space<vmem>> -> memref<1x2048xi32, #tpu.memory_space<vmem>>
    %dma_start3A_229 = tpu.memref_squeeze %dma_start3A_228 : memref<1x2048xi32, #tpu.memory_space<vmem>> -> memref<2048xi32, #tpu.memory_space<vmem>>
    %dma_start3A_230 = arith.constant 14336 : i32
    %dma_start3A_231 = tpu.memref_slice %arg2[%dma_start3A_230] : memref<16384xi32, #tpu.memory_space<hbm>> -> memref<2048xi32, #tpu.memory_space<hbm>>
    tpu.enqueue_dma source(%dma_start3A_231 : memref<2048xi32, #tpu.memory_space<hbm>>) target(%dma_start3A_229 : memref<2048xi32, #tpu.memory_space<vmem>>) target_semaphore(%dma_start3A_226 : memref<!tpu.dma_semaphore, #tpu.memory_space<semaphore_mem>>)
    %dma_wait3A_232 = arith.constant 0 : i32
    %dma_wait3A_233 = arith.constant 0 : i32
    %dma_wait3A_234 = arith.constant 0 : i32
    %dma_wait3A_235 = tpu.memref_slice %arg6[%dma_wait3A_232, %dma_wait3A_234] : memref<2x2048xi32, #tpu.memory_space<vmem>> -> memref<1x2048xi32, #tpu.memory_space<vmem>>
    %dma_wait3A_236 = tpu.memref_squeeze %dma_wait3A_235 : memref<1x2048xi32, #tpu.memory_space<vmem>> -> memref<2048xi32, #tpu.memory_space<vmem>>
    %dma_wait3A_237 = arith.constant 12288 : i32
    %dma_wait3A_238 = tpu.memref_slice %arg2[%dma_wait3A_237] : memref<16384xi32, #tpu.memory_space<hbm>> -> memref<2048xi32, #tpu.memory_space<hbm>>
    %dma_wait3A_239 = tpu.memref_slice %arg10[%dma_wait3A_233] : memref<2x!tpu.dma_semaphore, #tpu.memory_space<semaphore_mem>> -> memref<1x!tpu.dma_semaphore, #tpu.memory_space<semaphore_mem>>
    %dma_wait3A_240 = tpu.memref_squeeze %dma_wait3A_239 : memref<1x!tpu.dma_semaphore, #tpu.memory_space<semaphore_mem>> -> memref<!tpu.dma_semaphore, #tpu.memory_space<semaphore_mem>>
    %dma_wait3A_241 = arith.constant 0 : i32
    %dma_wait3A_242 = tpu.memref_slice %arg6[%dma_wait3A_232, %dma_wait3A_241] : memref<2x2048xi32, #tpu.memory_space<vmem>> -> memref<1x2048xi32, #tpu.memory_space<vmem>>
    %dma_wait3A_243 = tpu.memref_squeeze %dma_wait3A_242 : memref<1x2048xi32, #tpu.memory_space<vmem>> -> memref<2048xi32, #tpu.memory_space<vmem>>
    %dma_wait3A_244 = arith.constant 12288 : i32
    %dma_wait3A_245 = tpu.memref_slice %arg2[%dma_wait3A_244] : memref<16384xi32, #tpu.memory_space<hbm>> -> memref<2048xi32, #tpu.memory_space<hbm>>
    tpu.wait_dma2 semaphore(%dma_wait3A_240 : memref<!tpu.dma_semaphore, #tpu.memory_space<semaphore_mem>>) src(%dma_wait3A_245 : memref<2048xi32, #tpu.memory_space<hbm>>) dst(%dma_wait3A_243 : memref<2048xi32, #tpu.memory_space<vmem>>)
    %scan3A_246 = arith.constant 0 : i32
    %scan3A_247 = arith.constant 0 : i32
    %scan3A_248 = arith.constant 32 : i32
    %scan3A_249 = arith.addi %scan3A_247, %scan3A_248 : i32
    %scan3A_250 = arith.constant 2 : i32
    scf.for %scan3A_395 = %scan3A_247 to %scan3A_249 step %scan3A_250  : i32 {
      %mul3A_396 = arith.constant 4 : i32
      %mul3A_397 = arith.muli %scan3A_395, %mul3A_396 : i32
      %add3A_398 = arith.constant 0 : i32
      %add3A_399 = arith.addi %mul3A_397, %add3A_398 : i32
      %mul3A_400 = arith.constant 16 : i32
      %mul3A_401 = arith.muli %add3A_399, %mul3A_400 : i32
      %get3A = arith.constant 0 : i32
      %get3A_402 = arith.index_cast %get3A : i32 to index
      %get3A_403 = arith.index_cast %mul3A_401 : i32 to index
      %get3A_404 = tpu.vector_load %arg6[%get3A_402, %get3A_403] {strides = array<i32>} : memref<2x2048xi32, #tpu.memory_space<vmem>>, vector<16xi32>,
      %mul3A_405 = arith.constant 4 : i32
      %mul3A_406 = arith.muli %scan3A_395, %mul3A_405 : i32
      %add3A_407 = arith.constant 1 : i32
      %add3A_408 = arith.addi %mul3A_406, %add3A_407 : i32
      %mul3A_409 = arith.constant 16 : i32
      %mul3A_410 = arith.muli %add3A_408, %mul3A_409 : i32
      %get3A_411 = arith.constant 0 : i32
      %get3A_412 = arith.index_cast %get3A_411 : i32 to index
      %get3A_413 = arith.index_cast %mul3A_410 : i32 to index
      %get3A_414 = tpu.vector_load %arg6[%get3A_412, %get3A_413] {strides = array<i32>} : memref<2x2048xi32, #tpu.memory_space<vmem>>, vector<16xi32>,
      %mul3A_415 = arith.constant 4 : i32
      %mul3A_416 = arith.muli %scan3A_395, %mul3A_415 : i32
      %add3A_417 = arith.constant 2 : i32
      %add3A_418 = arith.addi %mul3A_416, %add3A_417 : i32
      %mul3A_419 = arith.constant 16 : i32
      %mul3A_420 = arith.muli %add3A_418, %mul3A_419 : i32
      %get3A_421 = arith.constant 0 : i32
      %get3A_422 = arith.index_cast %get3A_421 : i32 to index
      %get3A_423 = arith.index_cast %mul3A_420 : i32 to index
      %get3A_424 = tpu.vector_load %arg6[%get3A_422, %get3A_423] {strides = array<i32>} : memref<2x2048xi32, #tpu.memory_space<vmem>>, vector<16xi32>,
      %mul3A_425 = arith.constant 4 : i32
      %mul3A_426 = arith.muli %scan3A_395, %mul3A_425 : i32
      %add3A_427 = arith.constant 3 : i32
      %add3A_428 = arith.addi %mul3A_426, %add3A_427 : i32
      %mul3A_429 = arith.constant 16 : i32
      %mul3A_430 = arith.muli %add3A_428, %mul3A_429 : i32
      %get3A_431 = arith.constant 0 : i32
      %get3A_432 = arith.index_cast %get3A_431 : i32 to index
      %get3A_433 = arith.index_cast %mul3A_430 : i32 to index
      %get3A_434 = tpu.vector_load %arg6[%get3A_432, %get3A_433] {strides = array<i32>} : memref<2x2048xi32, #tpu.memory_space<vmem>>, vector<16xi32>,
      %mul3A_435 = arith.constant 4 : i32
      %mul3A_436 = arith.muli %scan3A_395, %mul3A_435 : i32
      %add3A_437 = arith.constant 0 : i32
      %add3A_438 = arith.addi %mul3A_436, %add3A_437 : i32
      %mul3A_439 = arith.constant 16 : i32
      %mul3A_440 = arith.muli %add3A_438, %mul3A_439 : i32
      %add3A_441 = arith.constant 12288 : i32
      %add3A_442 = arith.addi %add3A_441, %mul3A_440 : i32
      %add3A_443 = vector.broadcast %add3A_442 : i32 to vector<16xi32>
      %add3A_444 = arith.addi %add3A_443, %iota3A : vector<16xi32>
      tpu.vector_store_idx %arg5[%get3A_404], %add3A_444 : memref<100000xi32, #tpu.memory_space<vmem>>[vector<16xi32>], vector<16xi32>,
      %mul3A_445 = arith.constant 4 : i32
      %mul3A_446 = arith.muli %scan3A_395, %mul3A_445 : i32
      %add3A_447 = arith.constant 1 : i32
      %add3A_448 = arith.addi %mul3A_446, %add3A_447 : i32
      %mul3A_449 = arith.constant 16 : i32
      %mul3A_450 = arith.muli %add3A_448, %mul3A_449 : i32
      %add3A_451 = arith.constant 12288 : i32
      %add3A_452 = arith.addi %add3A_451, %mul3A_450 : i32
      %add3A_453 = vector.broadcast %add3A_452 : i32 to vector<16xi32>
      %add3A_454 = arith.addi %add3A_453, %iota3A : vector<16xi32>
      tpu.vector_store_idx %arg5[%get3A_414], %add3A_454 : memref<100000xi32, #tpu.memory_space<vmem>>[vector<16xi32>], vector<16xi32>,
      %mul3A_455 = arith.constant 4 : i32
      %mul3A_456 = arith.muli %scan3A_395, %mul3A_455 : i32
      %add3A_457 = arith.constant 2 : i32
      %add3A_458 = arith.addi %mul3A_456, %add3A_457 : i32
      %mul3A_459 = arith.constant 16 : i32
      %mul3A_460 = arith.muli %add3A_458, %mul3A_459 : i32
      %add3A_461 = arith.constant 12288 : i32
      %add3A_462 = arith.addi %add3A_461, %mul3A_460 : i32
      %add3A_463 = vector.broadcast %add3A_462 : i32 to vector<16xi32>
      %add3A_464 = arith.addi %add3A_463, %iota3A : vector<16xi32>
      tpu.vector_store_idx %arg5[%get3A_424], %add3A_464 : memref<100000xi32, #tpu.memory_space<vmem>>[vector<16xi32>], vector<16xi32>,
      %mul3A_465 = arith.constant 4 : i32
      %mul3A_466 = arith.muli %scan3A_395, %mul3A_465 : i32
      %add3A_467 = arith.constant 3 : i32
      %add3A_468 = arith.addi %mul3A_466, %add3A_467 : i32
      %mul3A_469 = arith.constant 16 : i32
      %mul3A_470 = arith.muli %add3A_468, %mul3A_469 : i32
      %add3A_471 = arith.constant 12288 : i32
      %add3A_472 = arith.addi %add3A_471, %mul3A_470 : i32
      %add3A_473 = vector.broadcast %add3A_472 : i32 to vector<16xi32>
      %add3A_474 = arith.addi %add3A_473, %iota3A : vector<16xi32>
      tpu.vector_store_idx %arg5[%get3A_434], %add3A_474 : memref<100000xi32, #tpu.memory_space<vmem>>[vector<16xi32>], vector<16xi32>,
      %scan3A_475 = arith.constant 1 : i32
      %scan3A_476 = arith.addi %scan3A_395, %scan3A_475 : i32
      %mul3A_477 = arith.constant 4 : i32
      %mul3A_478 = arith.muli %scan3A_476, %mul3A_477 : i32
      %add3A_479 = arith.constant 0 : i32
      %add3A_480 = arith.addi %mul3A_478, %add3A_479 : i32
      %mul3A_481 = arith.constant 16 : i32
      %mul3A_482 = arith.muli %add3A_480, %mul3A_481 : i32
      %get3A_483 = arith.constant 0 : i32
      %get3A_484 = arith.index_cast %get3A_483 : i32 to index
      %get3A_485 = arith.index_cast %mul3A_482 : i32 to index
      %get3A_486 = tpu.vector_load %arg6[%get3A_484, %get3A_485] {strides = array<i32>} : memref<2x2048xi32, #tpu.memory_space<vmem>>, vector<16xi32>,
      %mul3A_487 = arith.constant 4 : i32
      %mul3A_488 = arith.muli %scan3A_476, %mul3A_487 : i32
      %add3A_489 = arith.constant 1 : i32
      %add3A_490 = arith.addi %mul3A_488, %add3A_489 : i32
      %mul3A_491 = arith.constant 16 : i32
      %mul3A_492 = arith.muli %add3A_490, %mul3A_491 : i32
      %get3A_493 = arith.constant 0 : i32
      %get3A_494 = arith.index_cast %get3A_493 : i32 to index
      %get3A_495 = arith.index_cast %mul3A_492 : i32 to index
      %get3A_496 = tpu.vector_load %arg6[%get3A_494, %get3A_495] {strides = array<i32>} : memref<2x2048xi32, #tpu.memory_space<vmem>>, vector<16xi32>,
      %mul3A_497 = arith.constant 4 : i32
      %mul3A_498 = arith.muli %scan3A_476, %mul3A_497 : i32
      %add3A_499 = arith.constant 2 : i32
      %add3A_500 = arith.addi %mul3A_498, %add3A_499 : i32
      %mul3A_501 = arith.constant 16 : i32
      %mul3A_502 = arith.muli %add3A_500, %mul3A_501 : i32
      %get3A_503 = arith.constant 0 : i32
      %get3A_504 = arith.index_cast %get3A_503 : i32 to index
      %get3A_505 = arith.index_cast %mul3A_502 : i32 to index
      %get3A_506 = tpu.vector_load %arg6[%get3A_504, %get3A_505] {strides = array<i32>} : memref<2x2048xi32, #tpu.memory_space<vmem>>, vector<16xi32>,
      %mul3A_507 = arith.constant 4 : i32
      %mul3A_508 = arith.muli %scan3A_476, %mul3A_507 : i32
      %add3A_509 = arith.constant 3 : i32
      %add3A_510 = arith.addi %mul3A_508, %add3A_509 : i32
      %mul3A_511 = arith.constant 16 : i32
      %mul3A_512 = arith.muli %add3A_510, %mul3A_511 : i32
      %get3A_513 = arith.constant 0 : i32
      %get3A_514 = arith.index_cast %get3A_513 : i32 to index
      %get3A_515 = arith.index_cast %mul3A_512 : i32 to index
      %get3A_516 = tpu.vector_load %arg6[%get3A_514, %get3A_515] {strides = array<i32>} : memref<2x2048xi32, #tpu.memory_space<vmem>>, vector<16xi32>,
      %mul3A_517 = arith.constant 4 : i32
      %mul3A_518 = arith.muli %scan3A_476, %mul3A_517 : i32
      %add3A_519 = arith.constant 0 : i32
      %add3A_520 = arith.addi %mul3A_518, %add3A_519 : i32
      %mul3A_521 = arith.constant 16 : i32
      %mul3A_522 = arith.muli %add3A_520, %mul3A_521 : i32
      %add3A_523 = arith.constant 12288 : i32
      %add3A_524 = arith.addi %add3A_523, %mul3A_522 : i32
      %add3A_525 = vector.broadcast %add3A_524 : i32 to vector<16xi32>
      %add3A_526 = arith.addi %add3A_525, %iota3A : vector<16xi32>
      tpu.vector_store_idx %arg5[%get3A_486], %add3A_526 : memref<100000xi32, #tpu.memory_space<vmem>>[vector<16xi32>], vector<16xi32>,
      %mul3A_527 = arith.constant 4 : i32
      %mul3A_528 = arith.muli %scan3A_476, %mul3A_527 : i32
      %add3A_529 = arith.constant 1 : i32
      %add3A_530 = arith.addi %mul3A_528, %add3A_529 : i32
      %mul3A_531 = arith.constant 16 : i32
      %mul3A_532 = arith.muli %add3A_530, %mul3A_531 : i32
      %add3A_533 = arith.constant 12288 : i32
      %add3A_534 = arith.addi %add3A_533, %mul3A_532 : i32
      %add3A_535 = vector.broadcast %add3A_534 : i32 to vector<16xi32>
      %add3A_536 = arith.addi %add3A_535, %iota3A : vector<16xi32>
      tpu.vector_store_idx %arg5[%get3A_496], %add3A_536 : memref<100000xi32, #tpu.memory_space<vmem>>[vector<16xi32>], vector<16xi32>,
      %mul3A_537 = arith.constant 4 : i32
      %mul3A_538 = arith.muli %scan3A_476, %mul3A_537 : i32
      %add3A_539 = arith.constant 2 : i32
      %add3A_540 = arith.addi %mul3A_538, %add3A_539 : i32
      %mul3A_541 = arith.constant 16 : i32
      %mul3A_542 = arith.muli %add3A_540, %mul3A_541 : i32
      %add3A_543 = arith.constant 12288 : i32
      %add3A_544 = arith.addi %add3A_543, %mul3A_542 : i32
      %add3A_545 = vector.broadcast %add3A_544 : i32 to vector<16xi32>
      %add3A_546 = arith.addi %add3A_545, %iota3A : vector<16xi32>
      tpu.vector_store_idx %arg5[%get3A_506], %add3A_546 : memref<100000xi32, #tpu.memory_space<vmem>>[vector<16xi32>], vector<16xi32>,
      %mul3A_547 = arith.constant 4 : i32
      %mul3A_548 = arith.muli %scan3A_476, %mul3A_547 : i32
      %add3A_549 = arith.constant 3 : i32
      %add3A_550 = arith.addi %mul3A_548, %add3A_549 : i32
      %mul3A_551 = arith.constant 16 : i32
      %mul3A_552 = arith.muli %add3A_550, %mul3A_551 : i32
      %add3A_553 = arith.constant 12288 : i32
      %add3A_554 = arith.addi %add3A_553, %mul3A_552 : i32
      %add3A_555 = vector.broadcast %add3A_554 : i32 to vector<16xi32>
      %add3A_556 = arith.addi %add3A_555, %iota3A : vector<16xi32>
      tpu.vector_store_idx %arg5[%get3A_516], %add3A_556 : memref<100000xi32, #tpu.memory_space<vmem>>[vector<16xi32>], vector<16xi32>,
    }
    %scan3A_251 = arith.constant 32 : i32
    %dma_wait3A_252 = arith.constant 1 : i32
    %dma_wait3A_253 = arith.constant 1 : i32
    %dma_wait3A_254 = arith.constant 0 : i32
    %dma_wait3A_255 = tpu.memref_slice %arg6[%dma_wait3A_252, %dma_wait3A_254] : memref<2x2048xi32, #tpu.memory_space<vmem>> -> memref<1x2048xi32, #tpu.memory_space<vmem>>
    %dma_wait3A_256 = tpu.memref_squeeze %dma_wait3A_255 : memref<1x2048xi32, #tpu.memory_space<vmem>> -> memref<2048xi32, #tpu.memory_space<vmem>>
    %dma_wait3A_257 = arith.constant 14336 : i32
    %dma_wait3A_258 = tpu.memref_slice %arg2[%dma_wait3A_257] : memref<16384xi32, #tpu.memory_space<hbm>> -> memref<2048xi32, #tpu.memory_space<hbm>>
    %dma_wait3A_259 = tpu.memref_slice %arg10[%dma_wait3A_253] : memref<2x!tpu.dma_semaphore, #tpu.memory_space<semaphore_mem>> -> memref<1x!tpu.dma_semaphore, #tpu.memory_space<semaphore_mem>>
    %dma_wait3A_260 = tpu.memref_squeeze %dma_wait3A_259 : memref<1x!tpu.dma_semaphore, #tpu.memory_space<semaphore_mem>> -> memref<!tpu.dma_semaphore, #tpu.memory_space<semaphore_mem>>
    %dma_wait3A_261 = arith.constant 0 : i32
    %dma_wait3A_262 = tpu.memref_slice %arg6[%dma_wait3A_252, %dma_wait3A_261] : memref<2x2048xi32, #tpu.memory_space<vmem>> -> memref<1x2048xi32, #tpu.memory_space<vmem>>
    %dma_wait3A_263 = tpu.memref_squeeze %dma_wait3A_262 : memref<1x2048xi32, #tpu.memory_space<vmem>> -> memref<2048xi32, #tpu.memory_space<vmem>>
    %dma_wait3A_264 = arith.constant 14336 : i32
    %dma_wait3A_265 = tpu.memref_slice %arg2[%dma_wait3A_264] : memref<16384xi32, #tpu.memory_space<hbm>> -> memref<2048xi32, #tpu.memory_space<hbm>>
    tpu.wait_dma2 semaphore(%dma_wait3A_260 : memref<!tpu.dma_semaphore, #tpu.memory_space<semaphore_mem>>) src(%dma_wait3A_265 : memref<2048xi32, #tpu.memory_space<hbm>>) dst(%dma_wait3A_263 : memref<2048xi32, #tpu.memory_space<vmem>>)
    %scan3A_266 = arith.constant 0 : i32
    %scan3A_267 = arith.constant 0 : i32
    %scan3A_268 = arith.constant 32 : i32
    %scan3A_269 = arith.addi %scan3A_267, %scan3A_268 : i32
    %scan3A_270 = arith.constant 2 : i32
    scf.for %scan3A_395 = %scan3A_267 to %scan3A_269 step %scan3A_270  : i32 {
      %mul3A_396 = arith.constant 4 : i32
      %mul3A_397 = arith.muli %scan3A_395, %mul3A_396 : i32
      %add3A_398 = arith.constant 0 : i32
      %add3A_399 = arith.addi %mul3A_397, %add3A_398 : i32
      %mul3A_400 = arith.constant 16 : i32
      %mul3A_401 = arith.muli %add3A_399, %mul3A_400 : i32
      %get3A = arith.constant 1 : i32
      %get3A_402 = arith.index_cast %get3A : i32 to index
      %get3A_403 = arith.index_cast %mul3A_401 : i32 to index
      %get3A_404 = tpu.vector_load %arg6[%get3A_402, %get3A_403] {strides = array<i32>} : memref<2x2048xi32, #tpu.memory_space<vmem>>, vector<16xi32>,
      %mul3A_405 = arith.constant 4 : i32
      %mul3A_406 = arith.muli %scan3A_395, %mul3A_405 : i32
      %add3A_407 = arith.constant 1 : i32
      %add3A_408 = arith.addi %mul3A_406, %add3A_407 : i32
      %mul3A_409 = arith.constant 16 : i32
      %mul3A_410 = arith.muli %add3A_408, %mul3A_409 : i32
      %get3A_411 = arith.constant 1 : i32
      %get3A_412 = arith.index_cast %get3A_411 : i32 to index
      %get3A_413 = arith.index_cast %mul3A_410 : i32 to index
      %get3A_414 = tpu.vector_load %arg6[%get3A_412, %get3A_413] {strides = array<i32>} : memref<2x2048xi32, #tpu.memory_space<vmem>>, vector<16xi32>,
      %mul3A_415 = arith.constant 4 : i32
      %mul3A_416 = arith.muli %scan3A_395, %mul3A_415 : i32
      %add3A_417 = arith.constant 2 : i32
      %add3A_418 = arith.addi %mul3A_416, %add3A_417 : i32
      %mul3A_419 = arith.constant 16 : i32
      %mul3A_420 = arith.muli %add3A_418, %mul3A_419 : i32
      %get3A_421 = arith.constant 1 : i32
      %get3A_422 = arith.index_cast %get3A_421 : i32 to index
      %get3A_423 = arith.index_cast %mul3A_420 : i32 to index
      %get3A_424 = tpu.vector_load %arg6[%get3A_422, %get3A_423] {strides = array<i32>} : memref<2x2048xi32, #tpu.memory_space<vmem>>, vector<16xi32>,
      %mul3A_425 = arith.constant 4 : i32
      %mul3A_426 = arith.muli %scan3A_395, %mul3A_425 : i32
      %add3A_427 = arith.constant 3 : i32
      %add3A_428 = arith.addi %mul3A_426, %add3A_427 : i32
      %mul3A_429 = arith.constant 16 : i32
      %mul3A_430 = arith.muli %add3A_428, %mul3A_429 : i32
      %get3A_431 = arith.constant 1 : i32
      %get3A_432 = arith.index_cast %get3A_431 : i32 to index
      %get3A_433 = arith.index_cast %mul3A_430 : i32 to index
      %get3A_434 = tpu.vector_load %arg6[%get3A_432, %get3A_433] {strides = array<i32>} : memref<2x2048xi32, #tpu.memory_space<vmem>>, vector<16xi32>,
      %mul3A_435 = arith.constant 4 : i32
      %mul3A_436 = arith.muli %scan3A_395, %mul3A_435 : i32
      %add3A_437 = arith.constant 0 : i32
      %add3A_438 = arith.addi %mul3A_436, %add3A_437 : i32
      %mul3A_439 = arith.constant 16 : i32
      %mul3A_440 = arith.muli %add3A_438, %mul3A_439 : i32
      %add3A_441 = arith.constant 14336 : i32
      %add3A_442 = arith.addi %add3A_441, %mul3A_440 : i32
      %add3A_443 = vector.broadcast %add3A_442 : i32 to vector<16xi32>
      %add3A_444 = arith.addi %add3A_443, %iota3A : vector<16xi32>
      tpu.vector_store_idx %arg5[%get3A_404], %add3A_444 : memref<100000xi32, #tpu.memory_space<vmem>>[vector<16xi32>], vector<16xi32>,
      %mul3A_445 = arith.constant 4 : i32
      %mul3A_446 = arith.muli %scan3A_395, %mul3A_445 : i32
      %add3A_447 = arith.constant 1 : i32
      %add3A_448 = arith.addi %mul3A_446, %add3A_447 : i32
      %mul3A_449 = arith.constant 16 : i32
      %mul3A_450 = arith.muli %add3A_448, %mul3A_449 : i32
      %add3A_451 = arith.constant 14336 : i32
      %add3A_452 = arith.addi %add3A_451, %mul3A_450 : i32
      %add3A_453 = vector.broadcast %add3A_452 : i32 to vector<16xi32>
      %add3A_454 = arith.addi %add3A_453, %iota3A : vector<16xi32>
      tpu.vector_store_idx %arg5[%get3A_414], %add3A_454 : memref<100000xi32, #tpu.memory_space<vmem>>[vector<16xi32>], vector<16xi32>,
      %mul3A_455 = arith.constant 4 : i32
      %mul3A_456 = arith.muli %scan3A_395, %mul3A_455 : i32
      %add3A_457 = arith.constant 2 : i32
      %add3A_458 = arith.addi %mul3A_456, %add3A_457 : i32
      %mul3A_459 = arith.constant 16 : i32
      %mul3A_460 = arith.muli %add3A_458, %mul3A_459 : i32
      %add3A_461 = arith.constant 14336 : i32
      %add3A_462 = arith.addi %add3A_461, %mul3A_460 : i32
      %add3A_463 = vector.broadcast %add3A_462 : i32 to vector<16xi32>
      %add3A_464 = arith.addi %add3A_463, %iota3A : vector<16xi32>
      tpu.vector_store_idx %arg5[%get3A_424], %add3A_464 : memref<100000xi32, #tpu.memory_space<vmem>>[vector<16xi32>], vector<16xi32>,
      %mul3A_465 = arith.constant 4 : i32
      %mul3A_466 = arith.muli %scan3A_395, %mul3A_465 : i32
      %add3A_467 = arith.constant 3 : i32
      %add3A_468 = arith.addi %mul3A_466, %add3A_467 : i32
      %mul3A_469 = arith.constant 16 : i32
      %mul3A_470 = arith.muli %add3A_468, %mul3A_469 : i32
      %add3A_471 = arith.constant 14336 : i32
      %add3A_472 = arith.addi %add3A_471, %mul3A_470 : i32
      %add3A_473 = vector.broadcast %add3A_472 : i32 to vector<16xi32>
      %add3A_474 = arith.addi %add3A_473, %iota3A : vector<16xi32>
      tpu.vector_store_idx %arg5[%get3A_434], %add3A_474 : memref<100000xi32, #tpu.memory_space<vmem>>[vector<16xi32>], vector<16xi32>,
      %scan3A_475 = arith.constant 1 : i32
      %scan3A_476 = arith.addi %scan3A_395, %scan3A_475 : i32
      %mul3A_477 = arith.constant 4 : i32
      %mul3A_478 = arith.muli %scan3A_476, %mul3A_477 : i32
      %add3A_479 = arith.constant 0 : i32
      %add3A_480 = arith.addi %mul3A_478, %add3A_479 : i32
      %mul3A_481 = arith.constant 16 : i32
      %mul3A_482 = arith.muli %add3A_480, %mul3A_481 : i32
      %get3A_483 = arith.constant 1 : i32
      %get3A_484 = arith.index_cast %get3A_483 : i32 to index
      %get3A_485 = arith.index_cast %mul3A_482 : i32 to index
      %get3A_486 = tpu.vector_load %arg6[%get3A_484, %get3A_485] {strides = array<i32>} : memref<2x2048xi32, #tpu.memory_space<vmem>>, vector<16xi32>,
      %mul3A_487 = arith.constant 4 : i32
      %mul3A_488 = arith.muli %scan3A_476, %mul3A_487 : i32
      %add3A_489 = arith.constant 1 : i32
      %add3A_490 = arith.addi %mul3A_488, %add3A_489 : i32
      %mul3A_491 = arith.constant 16 : i32
      %mul3A_492 = arith.muli %add3A_490, %mul3A_491 : i32
      %get3A_493 = arith.constant 1 : i32
      %get3A_494 = arith.index_cast %get3A_493 : i32 to index
      %get3A_495 = arith.index_cast %mul3A_492 : i32 to index
      %get3A_496 = tpu.vector_load %arg6[%get3A_494, %get3A_495] {strides = array<i32>} : memref<2x2048xi32, #tpu.memory_space<vmem>>, vector<16xi32>,
      %mul3A_497 = arith.constant 4 : i32
      %mul3A_498 = arith.muli %scan3A_476, %mul3A_497 : i32
      %add3A_499 = arith.constant 2 : i32
      %add3A_500 = arith.addi %mul3A_498, %add3A_499 : i32
      %mul3A_501 = arith.constant 16 : i32
      %mul3A_502 = arith.muli %add3A_500, %mul3A_501 : i32
      %get3A_503 = arith.constant 1 : i32
      %get3A_504 = arith.index_cast %get3A_503 : i32 to index
      %get3A_505 = arith.index_cast %mul3A_502 : i32 to index
      %get3A_506 = tpu.vector_load %arg6[%get3A_504, %get3A_505] {strides = array<i32>} : memref<2x2048xi32, #tpu.memory_space<vmem>>, vector<16xi32>,
      %mul3A_507 = arith.constant 4 : i32
      %mul3A_508 = arith.muli %scan3A_476, %mul3A_507 : i32
      %add3A_509 = arith.constant 3 : i32
      %add3A_510 = arith.addi %mul3A_508, %add3A_509 : i32
      %mul3A_511 = arith.constant 16 : i32
      %mul3A_512 = arith.muli %add3A_510, %mul3A_511 : i32
      %get3A_513 = arith.constant 1 : i32
      %get3A_514 = arith.index_cast %get3A_513 : i32 to index
      %get3A_515 = arith.index_cast %mul3A_512 : i32 to index
      %get3A_516 = tpu.vector_load %arg6[%get3A_514, %get3A_515] {strides = array<i32>} : memref<2x2048xi32, #tpu.memory_space<vmem>>, vector<16xi32>,
      %mul3A_517 = arith.constant 4 : i32
      %mul3A_518 = arith.muli %scan3A_476, %mul3A_517 : i32
      %add3A_519 = arith.constant 0 : i32
      %add3A_520 = arith.addi %mul3A_518, %add3A_519 : i32
      %mul3A_521 = arith.constant 16 : i32
      %mul3A_522 = arith.muli %add3A_520, %mul3A_521 : i32
      %add3A_523 = arith.constant 14336 : i32
      %add3A_524 = arith.addi %add3A_523, %mul3A_522 : i32
      %add3A_525 = vector.broadcast %add3A_524 : i32 to vector<16xi32>
      %add3A_526 = arith.addi %add3A_525, %iota3A : vector<16xi32>
      tpu.vector_store_idx %arg5[%get3A_486], %add3A_526 : memref<100000xi32, #tpu.memory_space<vmem>>[vector<16xi32>], vector<16xi32>,
      %mul3A_527 = arith.constant 4 : i32
      %mul3A_528 = arith.muli %scan3A_476, %mul3A_527 : i32
      %add3A_529 = arith.constant 1 : i32
      %add3A_530 = arith.addi %mul3A_528, %add3A_529 : i32
      %mul3A_531 = arith.constant 16 : i32
      %mul3A_532 = arith.muli %add3A_530, %mul3A_531 : i32
      %add3A_533 = arith.constant 14336 : i32
      %add3A_534 = arith.addi %add3A_533, %mul3A_532 : i32
      %add3A_535 = vector.broadcast %add3A_534 : i32 to vector<16xi32>
      %add3A_536 = arith.addi %add3A_535, %iota3A : vector<16xi32>
      tpu.vector_store_idx %arg5[%get3A_496], %add3A_536 : memref<100000xi32, #tpu.memory_space<vmem>>[vector<16xi32>], vector<16xi32>,
      %mul3A_537 = arith.constant 4 : i32
      %mul3A_538 = arith.muli %scan3A_476, %mul3A_537 : i32
      %add3A_539 = arith.constant 2 : i32
      %add3A_540 = arith.addi %mul3A_538, %add3A_539 : i32
      %mul3A_541 = arith.constant 16 : i32
      %mul3A_542 = arith.muli %add3A_540, %mul3A_541 : i32
      %add3A_543 = arith.constant 14336 : i32
      %add3A_544 = arith.addi %add3A_543, %mul3A_542 : i32
      %add3A_545 = vector.broadcast %add3A_544 : i32 to vector<16xi32>
      %add3A_546 = arith.addi %add3A_545, %iota3A : vector<16xi32>
      tpu.vector_store_idx %arg5[%get3A_506], %add3A_546 : memref<100000xi32, #tpu.memory_space<vmem>>[vector<16xi32>], vector<16xi32>,
      %mul3A_547 = arith.constant 4 : i32
      %mul3A_548 = arith.muli %scan3A_476, %mul3A_547 : i32
      %add3A_549 = arith.constant 3 : i32
      %add3A_550 = arith.addi %mul3A_548, %add3A_549 : i32
      %mul3A_551 = arith.constant 16 : i32
      %mul3A_552 = arith.muli %add3A_550, %mul3A_551 : i32
      %add3A_553 = arith.constant 14336 : i32
      %add3A_554 = arith.addi %add3A_553, %mul3A_552 : i32
      %add3A_555 = vector.broadcast %add3A_554 : i32 to vector<16xi32>
      %add3A_556 = arith.addi %add3A_555, %iota3A : vector<16xi32>
      tpu.vector_store_idx %arg5[%get3A_516], %add3A_556 : memref<100000xi32, #tpu.memory_space<vmem>>[vector<16xi32>], vector<16xi32>,
    }
    %scan3A_271 = arith.constant 32 : i32
    "tpu.region"() ({
      %run_scoped3A = tpu.sem_alloc : memref<!tpu.dma_semaphore, #tpu.memory_space<semaphore_mem>>
      %dma_start3A_395 = tpu.memref_slice %arg2[%mul3A_2] : memref<16384xi32, #tpu.memory_space<hbm>> -> memref<512xi32, #tpu.memory_space<hbm>>
      %dma_start3A_396 = tpu.memref_slice %arg2[%mul3A_2] : memref<16384xi32, #tpu.memory_space<hbm>> -> memref<512xi32, #tpu.memory_space<hbm>>
      tpu.enqueue_dma source(%dma_start3A_396 : memref<512xi32, #tpu.memory_space<hbm>>) target(%arg7 : memref<512xi32, #tpu.memory_space<vmem>>) target_semaphore(%run_scoped3A : memref<!tpu.dma_semaphore, #tpu.memory_space<semaphore_mem>>)
      %dma_wait3A_397 = tpu.memref_slice %arg2[%mul3A_2] : memref<16384xi32, #tpu.memory_space<hbm>> -> memref<512xi32, #tpu.memory_space<hbm>>
      %dma_wait3A_398 = tpu.memref_slice %arg2[%mul3A_2] : memref<16384xi32, #tpu.memory_space<hbm>> -> memref<512xi32, #tpu.memory_space<hbm>>
      tpu.wait_dma2 semaphore(%run_scoped3A : memref<!tpu.dma_semaphore, #tpu.memory_space<semaphore_mem>>) src(%dma_wait3A_398 : memref<512xi32, #tpu.memory_space<hbm>>) dst(%arg7 : memref<512xi32, #tpu.memory_space<vmem>>)
      tpu.yield
    }) : () -> ()
    %scan3A_272 = arith.constant 0 : i32
    %scan3A_273 = arith.constant 0 : i32
    %scan3A_274 = arith.constant 8 : i32
    %scan3A_275 = arith.addi %scan3A_273, %scan3A_274 : i32
    %scan3A_276 = arith.constant 2 : i32
    scf.for %scan3A_395 = %scan3A_273 to %scan3A_275 step %scan3A_276  : i32 {
      %mul3A_396 = arith.constant 4 : i32
      %mul3A_397 = arith.muli %scan3A_395, %mul3A_396 : i32
      %add3A_398 = arith.constant 0 : i32
      %add3A_399 = arith.addi %mul3A_397, %add3A_398 : i32
      %mul3A_400 = arith.constant 16 : i32
      %mul3A_401 = arith.muli %add3A_399, %mul3A_400 : i32
      %get3A = arith.index_cast %mul3A_401 : i32 to index
      %get3A_402 = tpu.vector_load %arg7[%get3A] {strides = array<i32>} : memref<512xi32, #tpu.memory_space<vmem>>, vector<16xi32>,
      %mul3A_403 = arith.constant 4 : i32
      %mul3A_404 = arith.muli %scan3A_395, %mul3A_403 : i32
      %add3A_405 = arith.constant 1 : i32
      %add3A_406 = arith.addi %mul3A_404, %add3A_405 : i32
      %mul3A_407 = arith.constant 16 : i32
      %mul3A_408 = arith.muli %add3A_406, %mul3A_407 : i32
      %get3A_409 = arith.index_cast %mul3A_408 : i32 to index
      %get3A_410 = tpu.vector_load %arg7[%get3A_409] {strides = array<i32>} : memref<512xi32, #tpu.memory_space<vmem>>, vector<16xi32>,
      %mul3A_411 = arith.constant 4 : i32
      %mul3A_412 = arith.muli %scan3A_395, %mul3A_411 : i32
      %add3A_413 = arith.constant 2 : i32
      %add3A_414 = arith.addi %mul3A_412, %add3A_413 : i32
      %mul3A_415 = arith.constant 16 : i32
      %mul3A_416 = arith.muli %add3A_414, %mul3A_415 : i32
      %get3A_417 = arith.index_cast %mul3A_416 : i32 to index
      %get3A_418 = tpu.vector_load %arg7[%get3A_417] {strides = array<i32>} : memref<512xi32, #tpu.memory_space<vmem>>, vector<16xi32>,
      %mul3A_419 = arith.constant 4 : i32
      %mul3A_420 = arith.muli %scan3A_395, %mul3A_419 : i32
      %add3A_421 = arith.constant 3 : i32
      %add3A_422 = arith.addi %mul3A_420, %add3A_421 : i32
      %mul3A_423 = arith.constant 16 : i32
      %mul3A_424 = arith.muli %add3A_422, %mul3A_423 : i32
      %get3A_425 = arith.index_cast %mul3A_424 : i32 to index
      %get3A_426 = tpu.vector_load %arg7[%get3A_425] {strides = array<i32>} : memref<512xi32, #tpu.memory_space<vmem>>, vector<16xi32>,
      %gather3A = tpu.vector_load_idx %arg5[%get3A_402] : memref<100000xi32, #tpu.memory_space<vmem>>[vector<16xi32>], vector<16xi32>,
      %gather3A_427 = tpu.vector_load_idx %arg5[%get3A_410] : memref<100000xi32, #tpu.memory_space<vmem>>[vector<16xi32>], vector<16xi32>,
      %gather3A_428 = tpu.vector_load_idx %arg5[%get3A_418] : memref<100000xi32, #tpu.memory_space<vmem>>[vector<16xi32>], vector<16xi32>,
      %gather3A_429 = tpu.vector_load_idx %arg5[%get3A_426] : memref<100000xi32, #tpu.memory_space<vmem>>[vector<16xi32>], vector<16xi32>,
      %mul3A_430 = arith.constant 4 : i32
      %mul3A_431 = arith.muli %scan3A_395, %mul3A_430 : i32
      %add3A_432 = arith.constant 0 : i32
      %add3A_433 = arith.addi %mul3A_431, %add3A_432 : i32
      %mul3A_434 = arith.constant 16 : i32
      %mul3A_435 = arith.muli %add3A_433, %mul3A_434 : i32
      %swap3A = arith.index_cast %mul3A_435 : i32 to index
      %swap3A_436 = tpu.vector_load %arg8[%swap3A] {strides = array<i32>} : memref<512xi32, #tpu.memory_space<vmem>>, vector<16xi32>,
      tpu.vector_store %arg8[%swap3A], %gather3A {strides = array<i32>} : memref<512xi32, #tpu.memory_space<vmem>>, vector<16xi32>,
      %mul3A_437 = arith.constant 4 : i32
      %mul3A_438 = arith.muli %scan3A_395, %mul3A_437 : i32
      %add3A_439 = arith.constant 1 : i32
      %add3A_440 = arith.addi %mul3A_438, %add3A_439 : i32
      %mul3A_441 = arith.constant 16 : i32
      %mul3A_442 = arith.muli %add3A_440, %mul3A_441 : i32
      %swap3A_443 = arith.index_cast %mul3A_442 : i32 to index
      %swap3A_444 = tpu.vector_load %arg8[%swap3A_443] {strides = array<i32>} : memref<512xi32, #tpu.memory_space<vmem>>, vector<16xi32>,
      tpu.vector_store %arg8[%swap3A_443], %gather3A_427 {strides = array<i32>} : memref<512xi32, #tpu.memory_space<vmem>>, vector<16xi32>,
      %mul3A_445 = arith.constant 4 : i32
      %mul3A_446 = arith.muli %scan3A_395, %mul3A_445 : i32
      %add3A_447 = arith.constant 2 : i32
      %add3A_448 = arith.addi %mul3A_446, %add3A_447 : i32
      %mul3A_449 = arith.constant 16 : i32
      %mul3A_450 = arith.muli %add3A_448, %mul3A_449 : i32
      %swap3A_451 = arith.index_cast %mul3A_450 : i32 to index
      %swap3A_452 = tpu.vector_load %arg8[%swap3A_451] {strides = array<i32>} : memref<512xi32, #tpu.memory_space<vmem>>, vector<16xi32>,
      tpu.vector_store %arg8[%swap3A_451], %gather3A_428 {strides = array<i32>} : memref<512xi32, #tpu.memory_space<vmem>>, vector<16xi32>,
      %mul3A_453 = arith.constant 4 : i32
      %mul3A_454 = arith.muli %scan3A_395, %mul3A_453 : i32
      %add3A_455 = arith.constant 3 : i32
      %add3A_456 = arith.addi %mul3A_454, %add3A_455 : i32
      %mul3A_457 = arith.constant 16 : i32
      %mul3A_458 = arith.muli %add3A_456, %mul3A_457 : i32
      %swap3A_459 = arith.index_cast %mul3A_458 : i32 to index
      %swap3A_460 = tpu.vector_load %arg8[%swap3A_459] {strides = array<i32>} : memref<512xi32, #tpu.memory_space<vmem>>, vector<16xi32>,
      tpu.vector_store %arg8[%swap3A_459], %gather3A_429 {strides = array<i32>} : memref<512xi32, #tpu.memory_space<vmem>>, vector<16xi32>,
      %scan3A_461 = arith.constant 1 : i32
      %scan3A_462 = arith.addi %scan3A_395, %scan3A_461 : i32
      %mul3A_463 = arith.constant 4 : i32
      %mul3A_464 = arith.muli %scan3A_462, %mul3A_463 : i32
      %add3A_465 = arith.constant 0 : i32
      %add3A_466 = arith.addi %mul3A_464, %add3A_465 : i32
      %mul3A_467 = arith.constant 16 : i32
      %mul3A_468 = arith.muli %add3A_466, %mul3A_467 : i32
      %get3A_469 = arith.index_cast %mul3A_468 : i32 to index
      %get3A_470 = tpu.vector_load %arg7[%get3A_469] {strides = array<i32>} : memref<512xi32, #tpu.memory_space<vmem>>, vector<16xi32>,
      %mul3A_471 = arith.constant 4 : i32
      %mul3A_472 = arith.muli %scan3A_462, %mul3A_471 : i32
      %add3A_473 = arith.constant 1 : i32
      %add3A_474 = arith.addi %mul3A_472, %add3A_473 : i32
      %mul3A_475 = arith.constant 16 : i32
      %mul3A_476 = arith.muli %add3A_474, %mul3A_475 : i32
      %get3A_477 = arith.index_cast %mul3A_476 : i32 to index
      %get3A_478 = tpu.vector_load %arg7[%get3A_477] {strides = array<i32>} : memref<512xi32, #tpu.memory_space<vmem>>, vector<16xi32>,
      %mul3A_479 = arith.constant 4 : i32
      %mul3A_480 = arith.muli %scan3A_462, %mul3A_479 : i32
      %add3A_481 = arith.constant 2 : i32
      %add3A_482 = arith.addi %mul3A_480, %add3A_481 : i32
      %mul3A_483 = arith.constant 16 : i32
      %mul3A_484 = arith.muli %add3A_482, %mul3A_483 : i32
      %get3A_485 = arith.index_cast %mul3A_484 : i32 to index
      %get3A_486 = tpu.vector_load %arg7[%get3A_485] {strides = array<i32>} : memref<512xi32, #tpu.memory_space<vmem>>, vector<16xi32>,
      %mul3A_487 = arith.constant 4 : i32
      %mul3A_488 = arith.muli %scan3A_462, %mul3A_487 : i32
      %add3A_489 = arith.constant 3 : i32
      %add3A_490 = arith.addi %mul3A_488, %add3A_489 : i32
      %mul3A_491 = arith.constant 16 : i32
      %mul3A_492 = arith.muli %add3A_490, %mul3A_491 : i32
      %get3A_493 = arith.index_cast %mul3A_492 : i32 to index
      %get3A_494 = tpu.vector_load %arg7[%get3A_493] {strides = array<i32>} : memref<512xi32, #tpu.memory_space<vmem>>, vector<16xi32>,
      %gather3A_495 = tpu.vector_load_idx %arg5[%get3A_470] : memref<100000xi32, #tpu.memory_space<vmem>>[vector<16xi32>], vector<16xi32>,
      %gather3A_496 = tpu.vector_load_idx %arg5[%get3A_478] : memref<100000xi32, #tpu.memory_space<vmem>>[vector<16xi32>], vector<16xi32>,
      %gather3A_497 = tpu.vector_load_idx %arg5[%get3A_486] : memref<100000xi32, #tpu.memory_space<vmem>>[vector<16xi32>], vector<16xi32>,
      %gather3A_498 = tpu.vector_load_idx %arg5[%get3A_494] : memref<100000xi32, #tpu.memory_space<vmem>>[vector<16xi32>], vector<16xi32>,
      %mul3A_499 = arith.constant 4 : i32
      %mul3A_500 = arith.muli %scan3A_462, %mul3A_499 : i32
      %add3A_501 = arith.constant 0 : i32
      %add3A_502 = arith.addi %mul3A_500, %add3A_501 : i32
      %mul3A_503 = arith.constant 16 : i32
      %mul3A_504 = arith.muli %add3A_502, %mul3A_503 : i32
      %swap3A_505 = arith.index_cast %mul3A_504 : i32 to index
      %swap3A_506 = tpu.vector_load %arg8[%swap3A_505] {strides = array<i32>} : memref<512xi32, #tpu.memory_space<vmem>>, vector<16xi32>,
      tpu.vector_store %arg8[%swap3A_505], %gather3A_495 {strides = array<i32>} : memref<512xi32, #tpu.memory_space<vmem>>, vector<16xi32>,
      %mul3A_507 = arith.constant 4 : i32
      %mul3A_508 = arith.muli %scan3A_462, %mul3A_507 : i32
      %add3A_509 = arith.constant 1 : i32
      %add3A_510 = arith.addi %mul3A_508, %add3A_509 : i32
      %mul3A_511 = arith.constant 16 : i32
      %mul3A_512 = arith.muli %add3A_510, %mul3A_511 : i32
      %swap3A_513 = arith.index_cast %mul3A_512 : i32 to index
      %swap3A_514 = tpu.vector_load %arg8[%swap3A_513] {strides = array<i32>} : memref<512xi32, #tpu.memory_space<vmem>>, vector<16xi32>,
      tpu.vector_store %arg8[%swap3A_513], %gather3A_496 {strides = array<i32>} : memref<512xi32, #tpu.memory_space<vmem>>, vector<16xi32>,
      %mul3A_515 = arith.constant 4 : i32
      %mul3A_516 = arith.muli %scan3A_462, %mul3A_515 : i32
      %add3A_517 = arith.constant 2 : i32
      %add3A_518 = arith.addi %mul3A_516, %add3A_517 : i32
      %mul3A_519 = arith.constant 16 : i32
      %mul3A_520 = arith.muli %add3A_518, %mul3A_519 : i32
      %swap3A_521 = arith.index_cast %mul3A_520 : i32 to index
      %swap3A_522 = tpu.vector_load %arg8[%swap3A_521] {strides = array<i32>} : memref<512xi32, #tpu.memory_space<vmem>>, vector<16xi32>,
      tpu.vector_store %arg8[%swap3A_521], %gather3A_497 {strides = array<i32>} : memref<512xi32, #tpu.memory_space<vmem>>, vector<16xi32>,
      %mul3A_523 = arith.constant 4 : i32
      %mul3A_524 = arith.muli %scan3A_462, %mul3A_523 : i32
      %add3A_525 = arith.constant 3 : i32
      %add3A_526 = arith.addi %mul3A_524, %add3A_525 : i32
      %mul3A_527 = arith.constant 16 : i32
      %mul3A_528 = arith.muli %add3A_526, %mul3A_527 : i32
      %swap3A_529 = arith.index_cast %mul3A_528 : i32 to index
      %swap3A_530 = tpu.vector_load %arg8[%swap3A_529] {strides = array<i32>} : memref<512xi32, #tpu.memory_space<vmem>>, vector<16xi32>,
      tpu.vector_store %arg8[%swap3A_529], %gather3A_498 {strides = array<i32>} : memref<512xi32, #tpu.memory_space<vmem>>, vector<16xi32>,
    }
    %scan3A_277 = arith.constant 8 : i32
    %dma_start3A_278 = arith.constant 0 : i32
    %dma_start3A_279 = arith.constant 0 : i32
    %dma_start3A_280 = arith.constant 0 : i32
    %dma_start3A_281 = arith.constant 0 : i32
    %dma_start3A_282 = tpu.memref_slice %arg9[%dma_start3A_278, %dma_start3A_280, %dma_start3A_281] : memref<4x8x512xf32, #tpu.memory_space<vmem>> -> memref<1x8x512xf32, #tpu.memory_space<vmem>>
    %dma_start3A_283 = tpu.memref_squeeze %dma_start3A_282 : memref<1x8x512xf32, #tpu.memory_space<vmem>> -> memref<8x512xf32, #tpu.memory_space<vmem>>
    %dma_start3A_284 = arith.constant 0 : i32
    %dma_start3A_285 = tpu.memref_slice %arg8[%dma_start3A_284] : memref<512xi32, #tpu.memory_space<vmem>> -> memref<8xi32, #tpu.memory_space<vmem>>
    %dma_start3A_286 = arith.constant 0 : i32
    %dma_start3A_287 = arith.constant 0 : i32
    %dma_start3A_288 = tpu.memref_slice %arg3[%dma_start3A_286, %dma_start3A_287] : memref<16384x512xf32, #tpu.memory_space<hbm>> -> memref<16384x512xf32, #tpu.memory_space<hbm>>
    %dma_start3A_289 = tpu.memref_slice %arg11[%dma_start3A_279] : memref<4x!tpu.dma_semaphore, #tpu.memory_space<semaphore_mem>> -> memref<1x!tpu.dma_semaphore, #tpu.memory_space<semaphore_mem>>
    %dma_start3A_290 = tpu.memref_squeeze %dma_start3A_289 : memref<1x!tpu.dma_semaphore, #tpu.memory_space<semaphore_mem>> -> memref<!tpu.dma_semaphore, #tpu.memory_space<semaphore_mem>>
    tpu.enqueue_indirect_dma source(%dma_start3A_288 : memref<16384x512xf32, #tpu.memory_space<hbm>>) target(%dma_start3A_283 : memref<8x512xf32, #tpu.memory_space<vmem>>) offsets(%dma_start3A_285 : memref<8xi32, #tpu.memory_space<vmem>>) semaphore(%dma_start3A_290 : memref<!tpu.dma_semaphore, #tpu.memory_space<semaphore_mem>>)
    %dma_start3A_291 = arith.constant 1 : i32
    %dma_start3A_292 = arith.constant 1 : i32
    %dma_start3A_293 = arith.constant 0 : i32
    %dma_start3A_294 = arith.constant 0 : i32
    %dma_start3A_295 = tpu.memref_slice %arg9[%dma_start3A_291, %dma_start3A_293, %dma_start3A_294] : memref<4x8x512xf32, #tpu.memory_space<vmem>> -> memref<1x8x512xf32, #tpu.memory_space<vmem>>
    %dma_start3A_296 = tpu.memref_squeeze %dma_start3A_295 : memref<1x8x512xf32, #tpu.memory_space<vmem>> -> memref<8x512xf32, #tpu.memory_space<vmem>>
    %dma_start3A_297 = arith.constant 8 : i32
    %dma_start3A_298 = tpu.memref_slice %arg8[%dma_start3A_297] : memref<512xi32, #tpu.memory_space<vmem>> -> memref<8xi32, #tpu.memory_space<vmem>>
    %dma_start3A_299 = arith.constant 0 : i32
    %dma_start3A_300 = arith.constant 0 : i32
    %dma_start3A_301 = tpu.memref_slice %arg3[%dma_start3A_299, %dma_start3A_300] : memref<16384x512xf32, #tpu.memory_space<hbm>> -> memref<16384x512xf32, #tpu.memory_space<hbm>>
    %dma_start3A_302 = tpu.memref_slice %arg11[%dma_start3A_292] : memref<4x!tpu.dma_semaphore, #tpu.memory_space<semaphore_mem>> -> memref<1x!tpu.dma_semaphore, #tpu.memory_space<semaphore_mem>>
    %dma_start3A_303 = tpu.memref_squeeze %dma_start3A_302 : memref<1x!tpu.dma_semaphore, #tpu.memory_space<semaphore_mem>> -> memref<!tpu.dma_semaphore, #tpu.memory_space<semaphore_mem>>
    tpu.enqueue_indirect_dma source(%dma_start3A_301 : memref<16384x512xf32, #tpu.memory_space<hbm>>) target(%dma_start3A_296 : memref<8x512xf32, #tpu.memory_space<vmem>>) offsets(%dma_start3A_298 : memref<8xi32, #tpu.memory_space<vmem>>) semaphore(%dma_start3A_303 : memref<!tpu.dma_semaphore, #tpu.memory_space<semaphore_mem>>)
    %dma_start3A_304 = arith.constant 2 : i32
    %dma_start3A_305 = arith.constant 2 : i32
    %dma_start3A_306 = arith.constant 0 : i32
    %dma_start3A_307 = arith.constant 0 : i32
    %dma_start3A_308 = tpu.memref_slice %arg9[%dma_start3A_304, %dma_start3A_306, %dma_start3A_307] : memref<4x8x512xf32, #tpu.memory_space<vmem>> -> memref<1x8x512xf32, #tpu.memory_space<vmem>>
    %dma_start3A_309 = tpu.memref_squeeze %dma_start3A_308 : memref<1x8x512xf32, #tpu.memory_space<vmem>> -> memref<8x512xf32, #tpu.memory_space<vmem>>
    %dma_start3A_310 = arith.constant 16 : i32
    %dma_start3A_311 = tpu.memref_slice %arg8[%dma_start3A_310] : memref<512xi32, #tpu.memory_space<vmem>> -> memref<8xi32, #tpu.memory_space<vmem>>
    %dma_start3A_312 = arith.constant 0 : i32
    %dma_start3A_313 = arith.constant 0 : i32
    %dma_start3A_314 = tpu.memref_slice %arg3[%dma_start3A_312, %dma_start3A_313] : memref<16384x512xf32, #tpu.memory_space<hbm>> -> memref<16384x512xf32, #tpu.memory_space<hbm>>
    %dma_start3A_315 = tpu.memref_slice %arg11[%dma_start3A_305] : memref<4x!tpu.dma_semaphore, #tpu.memory_space<semaphore_mem>> -> memref<1x!tpu.dma_semaphore, #tpu.memory_space<semaphore_mem>>
    %dma_start3A_316 = tpu.memref_squeeze %dma_start3A_315 : memref<1x!tpu.dma_semaphore, #tpu.memory_space<semaphore_mem>> -> memref<!tpu.dma_semaphore, #tpu.memory_space<semaphore_mem>>
    tpu.enqueue_indirect_dma source(%dma_start3A_314 : memref<16384x512xf32, #tpu.memory_space<hbm>>) target(%dma_start3A_309 : memref<8x512xf32, #tpu.memory_space<vmem>>) offsets(%dma_start3A_311 : memref<8xi32, #tpu.memory_space<vmem>>) semaphore(%dma_start3A_316 : memref<!tpu.dma_semaphore, #tpu.memory_space<semaphore_mem>>)
    %scan3A_317 = arith.constant 0 : i32
    %scan3A_318 = arith.constant 0 : i32
    %scan3A_319 = arith.constant 16 : i32
    %scan3A_320 = arith.addi %scan3A_318, %scan3A_319 : i32
    %scan3A_321 = arith.constant 1 : i32
    scf.for %scan3A_395 = %scan3A_318 to %scan3A_320 step %scan3A_321  : i32 {
      %mul3A_396 = arith.constant 4 : i32
      %mul3A_397 = arith.muli %scan3A_395, %mul3A_396 : i32
      %add3A_398 = arith.constant 0 : i32
      %add3A_399 = arith.addi %mul3A_397, %add3A_398 : i32
      %add3A_400 = arith.constant 4 : i32
      %add3A_401 = arith.addi %add3A_399, %add3A_400 : i32
      %sub3A = arith.constant 1 : i32
      %sub3A_402 = arith.subi %add3A_401, %sub3A : i32
      %lt3A = arith.constant 64 : i32
      %lt3A_403 = arith.cmpi slt, %sub3A_402, %lt3A : i32
      %convert_element_type3A = arith.extui %lt3A_403 : i1 to i32
      %cond3A = arith.constant 0 : i32
      %cond3A_404 = arith.cmpi ne, %convert_element_type3A, %cond3A : i32
      scf.if %cond3A_404 {
        %ge3A = arith.constant 4 : i32
        %ge3A_576 = arith.cmpi sge, %sub3A_402, %ge3A : i32
        %convert_element_type3A_577 = arith.extui %ge3A_576 : i1 to i32
        %cond3A_578 = arith.constant 0 : i32
        %cond3A_579 = arith.cmpi ne, %convert_element_type3A_577, %cond3A_578 : i32
        scf.if %cond3A_579 {
          %sub3A_594 = arith.constant 4 : i32
          %sub3A_595 = arith.subi %sub3A_402, %sub3A_594 : i32
          %mul3A_596 = arith.constant 8 : i32
          %mul3A_597 = arith.muli %sub3A_595, %mul3A_596 : i32
          %add3A_598 = arith.addi %mul3A_2, %mul3A_597 : i32
          %dma_wait3A_599 = arith.constant 3 : i32
          %dma_wait3A_600 = arith.constant 3 : i32
          %dma_wait3A_601 = arith.constant 0 : i32
          %dma_wait3A_602 = arith.constant 0 : i32
          %dma_wait3A_603 = tpu.memref_slice %arg9[%dma_wait3A_599, %dma_wait3A_601, %dma_wait3A_602] : memref<4x8x512xf32, #tpu.memory_space<vmem>> -> memref<1x8x512xf32, #tpu.memory_space<vmem>>
          %dma_wait3A_604 = tpu.memref_squeeze %dma_wait3A_603 : memref<1x8x512xf32, #tpu.memory_space<vmem>> -> memref<8x512xf32, #tpu.memory_space<vmem>>
          %dma_wait3A_605 = arith.constant 0 : i32
          %dma_wait3A_606 = tpu.memref_slice %arg4[%add3A_598, %dma_wait3A_605] : memref<16384x512xf32, #tpu.memory_space<hbm>> -> memref<8x512xf32, #tpu.memory_space<hbm>>
          %dma_wait3A_607 = tpu.memref_slice %arg12[%dma_wait3A_600] : memref<4x!tpu.dma_semaphore, #tpu.memory_space<semaphore_mem>> -> memref<1x!tpu.dma_semaphore, #tpu.memory_space<semaphore_mem>>
          %dma_wait3A_608 = tpu.memref_squeeze %dma_wait3A_607 : memref<1x!tpu.dma_semaphore, #tpu.memory_space<semaphore_mem>> -> memref<!tpu.dma_semaphore, #tpu.memory_space<semaphore_mem>>
          %dma_wait3A_609 = arith.constant 0 : i32
          %dma_wait3A_610 = tpu.memref_slice %arg4[%add3A_598, %dma_wait3A_609] : memref<16384x512xf32, #tpu.memory_space<hbm>> -> memref<8x512xf32, #tpu.memory_space<hbm>>
          %dma_wait3A_611 = arith.constant 0 : i32
          %dma_wait3A_612 = arith.constant 0 : i32
          %dma_wait3A_613 = tpu.memref_slice %arg9[%dma_wait3A_599, %dma_wait3A_611, %dma_wait3A_612] : memref<4x8x512xf32, #tpu.memory_space<vmem>> -> memref<1x8x512xf32, #tpu.memory_space<vmem>>
          %dma_wait3A_614 = tpu.memref_squeeze %dma_wait3A_613 : memref<1x8x512xf32, #tpu.memory_space<vmem>> -> memref<8x512xf32, #tpu.memory_space<vmem>>
          tpu.wait_dma2 semaphore(%dma_wait3A_608 : memref<!tpu.dma_semaphore, #tpu.memory_space<semaphore_mem>>) src(%dma_wait3A_614 : memref<8x512xf32, #tpu.memory_space<vmem>>) dst(%dma_wait3A_610 : memref<8x512xf32, #tpu.memory_space<hbm>>)
        } else {
        }
        %mul3A_580 = arith.constant 8 : i32
        %mul3A_581 = arith.muli %sub3A_402, %mul3A_580 : i32
        %dma_start3A_582 = arith.constant 3 : i32
        %dma_start3A_583 = arith.constant 3 : i32
        %dma_start3A_584 = arith.constant 0 : i32
        %dma_start3A_585 = arith.constant 0 : i32
        %dma_start3A_586 = tpu.memref_slice %arg9[%dma_start3A_582, %dma_start3A_584, %dma_start3A_585] : memref<4x8x512xf32, #tpu.memory_space<vmem>> -> memref<1x8x512xf32, #tpu.memory_space<vmem>>
        %dma_start3A_587 = tpu.memref_squeeze %dma_start3A_586 : memref<1x8x512xf32, #tpu.memory_space<vmem>> -> memref<8x512xf32, #tpu.memory_space<vmem>>
        %dma_start3A_588 = tpu.memref_slice %arg8[%mul3A_581] : memref<512xi32, #tpu.memory_space<vmem>> -> memref<8xi32, #tpu.memory_space<vmem>>
        %dma_start3A_589 = arith.constant 0 : i32
        %dma_start3A_590 = arith.constant 0 : i32
        %dma_start3A_591 = tpu.memref_slice %arg3[%dma_start3A_589, %dma_start3A_590] : memref<16384x512xf32, #tpu.memory_space<hbm>> -> memref<16384x512xf32, #tpu.memory_space<hbm>>
        %dma_start3A_592 = tpu.memref_slice %arg11[%dma_start3A_583] : memref<4x!tpu.dma_semaphore, #tpu.memory_space<semaphore_mem>> -> memref<1x!tpu.dma_semaphore, #tpu.memory_space<semaphore_mem>>
        %dma_start3A_593 = tpu.memref_squeeze %dma_start3A_592 : memref<1x!tpu.dma_semaphore, #tpu.memory_space<semaphore_mem>> -> memref<!tpu.dma_semaphore, #tpu.memory_space<semaphore_mem>>
        tpu.enqueue_indirect_dma source(%dma_start3A_591 : memref<16384x512xf32, #tpu.memory_space<hbm>>) target(%dma_start3A_587 : memref<8x512xf32, #tpu.memory_space<vmem>>) offsets(%dma_start3A_588 : memref<8xi32, #tpu.memory_space<vmem>>) semaphore(%dma_start3A_593 : memref<!tpu.dma_semaphore, #tpu.memory_space<semaphore_mem>>)
      } else {
      }
      %mul3A_405 = arith.constant 8 : i32
      %mul3A_406 = arith.muli %add3A_399, %mul3A_405 : i32
      %dma_wait3A_407 = arith.constant 0 : i32
      %dma_wait3A_408 = arith.constant 0 : i32
      %dma_wait3A_409 = arith.constant 0 : i32
      %dma_wait3A_410 = arith.constant 0 : i32
      %dma_wait3A_411 = tpu.memref_slice %arg9[%dma_wait3A_407, %dma_wait3A_409, %dma_wait3A_410] : memref<4x8x512xf32, #tpu.memory_space<vmem>> -> memref<1x8x512xf32, #tpu.memory_space<vmem>>
      %dma_wait3A_412 = tpu.memref_squeeze %dma_wait3A_411 : memref<1x8x512xf32, #tpu.memory_space<vmem>> -> memref<8x512xf32, #tpu.memory_space<vmem>>
      %dma_wait3A_413 = tpu.memref_slice %arg8[%mul3A_406] : memref<512xi32, #tpu.memory_space<vmem>> -> memref<8xi32, #tpu.memory_space<vmem>>
      %dma_wait3A_414 = arith.constant 0 : i32
      %dma_wait3A_415 = arith.constant 0 : i32
      %dma_wait3A_416 = tpu.memref_slice %arg3[%dma_wait3A_414, %dma_wait3A_415] : memref<16384x512xf32, #tpu.memory_space<hbm>> -> memref<16384x512xf32, #tpu.memory_space<hbm>>
      %dma_wait3A_417 = tpu.memref_slice %arg11[%dma_wait3A_408] : memref<4x!tpu.dma_semaphore, #tpu.memory_space<semaphore_mem>> -> memref<1x!tpu.dma_semaphore, #tpu.memory_space<semaphore_mem>>
      %dma_wait3A_418 = tpu.memref_squeeze %dma_wait3A_417 : memref<1x!tpu.dma_semaphore, #tpu.memory_space<semaphore_mem>> -> memref<!tpu.dma_semaphore, #tpu.memory_space<semaphore_mem>>
      tpu.wait_indirect_dma semaphore(%dma_wait3A_418 : memref<!tpu.dma_semaphore, #tpu.memory_space<semaphore_mem>>) src(%dma_wait3A_416 : memref<16384x512xf32, #tpu.memory_space<hbm>>) dst(%dma_wait3A_412 : memref<8x512xf32, #tpu.memory_space<vmem>>)
      %mul3A_419 = arith.constant 8 : i32
      %mul3A_420 = arith.muli %add3A_399, %mul3A_419 : i32
      %add3A_421 = arith.addi %mul3A_2, %mul3A_420 : i32
      %dma_start3A_422 = arith.constant 0 : i32
      %dma_start3A_423 = arith.constant 0 : i32
      %dma_start3A_424 = arith.constant 0 : i32
      %dma_start3A_425 = arith.constant 0 : i32
      %dma_start3A_426 = tpu.memref_slice %arg9[%dma_start3A_422, %dma_start3A_424, %dma_start3A_425] : memref<4x8x512xf32, #tpu.memory_space<vmem>> -> memref<1x8x512xf32, #tpu.memory_space<vmem>>
      %dma_start3A_427 = tpu.memref_squeeze %dma_start3A_426 : memref<1x8x512xf32, #tpu.memory_space<vmem>> -> memref<8x512xf32, #tpu.memory_space<vmem>>
      %dma_start3A_428 = arith.constant 0 : i32
      %dma_start3A_429 = tpu.memref_slice %arg4[%add3A_421, %dma_start3A_428] : memref<16384x512xf32, #tpu.memory_space<hbm>> -> memref<8x512xf32, #tpu.memory_space<hbm>>
      %dma_start3A_430 = tpu.memref_slice %arg12[%dma_start3A_423] : memref<4x!tpu.dma_semaphore, #tpu.memory_space<semaphore_mem>> -> memref<1x!tpu.dma_semaphore, #tpu.memory_space<semaphore_mem>>
      %dma_start3A_431 = tpu.memref_squeeze %dma_start3A_430 : memref<1x!tpu.dma_semaphore, #tpu.memory_space<semaphore_mem>> -> memref<!tpu.dma_semaphore, #tpu.memory_space<semaphore_mem>>
      %dma_start3A_432 = arith.constant 0 : i32
      %dma_start3A_433 = tpu.memref_slice %arg4[%add3A_421, %dma_start3A_432] : memref<16384x512xf32, #tpu.memory_space<hbm>> -> memref<8x512xf32, #tpu.memory_space<hbm>>
      %dma_start3A_434 = arith.constant 0 : i32
      %dma_start3A_435 = arith.constant 0 : i32
      %dma_start3A_436 = tpu.memref_slice %arg9[%dma_start3A_422, %dma_start3A_434, %dma_start3A_435] : memref<4x8x512xf32, #tpu.memory_space<vmem>> -> memref<1x8x512xf32, #tpu.memory_space<vmem>>
      %dma_start3A_437 = tpu.memref_squeeze %dma_start3A_436 : memref<1x8x512xf32, #tpu.memory_space<vmem>> -> memref<8x512xf32, #tpu.memory_space<vmem>>
      tpu.enqueue_dma source(%dma_start3A_437 : memref<8x512xf32, #tpu.memory_space<vmem>>) target(%dma_start3A_433 : memref<8x512xf32, #tpu.memory_space<hbm>>) target_semaphore(%dma_start3A_431 : memref<!tpu.dma_semaphore, #tpu.memory_space<semaphore_mem>>)
      %mul3A_438 = arith.constant 4 : i32
      %mul3A_439 = arith.muli %scan3A_395, %mul3A_438 : i32
      %add3A_440 = arith.constant 1 : i32
      %add3A_441 = arith.addi %mul3A_439, %add3A_440 : i32
      %add3A_442 = arith.constant 4 : i32
      %add3A_443 = arith.addi %add3A_441, %add3A_442 : i32
      %sub3A_444 = arith.constant 1 : i32
      %sub3A_445 = arith.subi %add3A_443, %sub3A_444 : i32
      %lt3A_446 = arith.constant 64 : i32
      %lt3A_447 = arith.cmpi slt, %sub3A_445, %lt3A_446 : i32
      %convert_element_type3A_448 = arith.extui %lt3A_447 : i1 to i32
      %cond3A_449 = arith.constant 0 : i32
      %cond3A_450 = arith.cmpi ne, %convert_element_type3A_448, %cond3A_449 : i32
      scf.if %cond3A_450 {
        %ge3A = arith.constant 4 : i32
        %ge3A_576 = arith.cmpi sge, %sub3A_445, %ge3A : i32
        %convert_element_type3A_577 = arith.extui %ge3A_576 : i1 to i32
        %cond3A_578 = arith.constant 0 : i32
        %cond3A_579 = arith.cmpi ne, %convert_element_type3A_577, %cond3A_578 : i32
        scf.if %cond3A_579 {
          %sub3A_594 = arith.constant 4 : i32
          %sub3A_595 = arith.subi %sub3A_445, %sub3A_594 : i32
          %mul3A_596 = arith.constant 8 : i32
          %mul3A_597 = arith.muli %sub3A_595, %mul3A_596 : i32
          %add3A_598 = arith.addi %mul3A_2, %mul3A_597 : i32
          %dma_wait3A_599 = arith.constant 0 : i32
          %dma_wait3A_600 = arith.constant 0 : i32
          %dma_wait3A_601 = arith.constant 0 : i32
          %dma_wait3A_602 = arith.constant 0 : i32
          %dma_wait3A_603 = tpu.memref_slice %arg9[%dma_wait3A_599, %dma_wait3A_601, %dma_wait3A_602] : memref<4x8x512xf32, #tpu.memory_space<vmem>> -> memref<1x8x512xf32, #tpu.memory_space<vmem>>
          %dma_wait3A_604 = tpu.memref_squeeze %dma_wait3A_603 : memref<1x8x512xf32, #tpu.memory_space<vmem>> -> memref<8x512xf32, #tpu.memory_space<vmem>>
          %dma_wait3A_605 = arith.constant 0 : i32
          %dma_wait3A_606 = tpu.memref_slice %arg4[%add3A_598, %dma_wait3A_605] : memref<16384x512xf32, #tpu.memory_space<hbm>> -> memref<8x512xf32, #tpu.memory_space<hbm>>
          %dma_wait3A_607 = tpu.memref_slice %arg12[%dma_wait3A_600] : memref<4x!tpu.dma_semaphore, #tpu.memory_space<semaphore_mem>> -> memref<1x!tpu.dma_semaphore, #tpu.memory_space<semaphore_mem>>
          %dma_wait3A_608 = tpu.memref_squeeze %dma_wait3A_607 : memref<1x!tpu.dma_semaphore, #tpu.memory_space<semaphore_mem>> -> memref<!tpu.dma_semaphore, #tpu.memory_space<semaphore_mem>>
          %dma_wait3A_609 = arith.constant 0 : i32
          %dma_wait3A_610 = tpu.memref_slice %arg4[%add3A_598, %dma_wait3A_609] : memref<16384x512xf32, #tpu.memory_space<hbm>> -> memref<8x512xf32, #tpu.memory_space<hbm>>
          %dma_wait3A_611 = arith.constant 0 : i32
          %dma_wait3A_612 = arith.constant 0 : i32
          %dma_wait3A_613 = tpu.memref_slice %arg9[%dma_wait3A_599, %dma_wait3A_611, %dma_wait3A_612] : memref<4x8x512xf32, #tpu.memory_space<vmem>> -> memref<1x8x512xf32, #tpu.memory_space<vmem>>
          %dma_wait3A_614 = tpu.memref_squeeze %dma_wait3A_613 : memref<1x8x512xf32, #tpu.memory_space<vmem>> -> memref<8x512xf32, #tpu.memory_space<vmem>>
          tpu.wait_dma2 semaphore(%dma_wait3A_608 : memref<!tpu.dma_semaphore, #tpu.memory_space<semaphore_mem>>) src(%dma_wait3A_614 : memref<8x512xf32, #tpu.memory_space<vmem>>) dst(%dma_wait3A_610 : memref<8x512xf32, #tpu.memory_space<hbm>>)
        } else {
        }
        %mul3A_580 = arith.constant 8 : i32
        %mul3A_581 = arith.muli %sub3A_445, %mul3A_580 : i32
        %dma_start3A_582 = arith.constant 0 : i32
        %dma_start3A_583 = arith.constant 0 : i32
        %dma_start3A_584 = arith.constant 0 : i32
        %dma_start3A_585 = arith.constant 0 : i32
        %dma_start3A_586 = tpu.memref_slice %arg9[%dma_start3A_582, %dma_start3A_584, %dma_start3A_585] : memref<4x8x512xf32, #tpu.memory_space<vmem>> -> memref<1x8x512xf32, #tpu.memory_space<vmem>>
        %dma_start3A_587 = tpu.memref_squeeze %dma_start3A_586 : memref<1x8x512xf32, #tpu.memory_space<vmem>> -> memref<8x512xf32, #tpu.memory_space<vmem>>
        %dma_start3A_588 = tpu.memref_slice %arg8[%mul3A_581] : memref<512xi32, #tpu.memory_space<vmem>> -> memref<8xi32, #tpu.memory_space<vmem>>
        %dma_start3A_589 = arith.constant 0 : i32
        %dma_start3A_590 = arith.constant 0 : i32
        %dma_start3A_591 = tpu.memref_slice %arg3[%dma_start3A_589, %dma_start3A_590] : memref<16384x512xf32, #tpu.memory_space<hbm>> -> memref<16384x512xf32, #tpu.memory_space<hbm>>
        %dma_start3A_592 = tpu.memref_slice %arg11[%dma_start3A_583] : memref<4x!tpu.dma_semaphore, #tpu.memory_space<semaphore_mem>> -> memref<1x!tpu.dma_semaphore, #tpu.memory_space<semaphore_mem>>
        %dma_start3A_593 = tpu.memref_squeeze %dma_start3A_592 : memref<1x!tpu.dma_semaphore, #tpu.memory_space<semaphore_mem>> -> memref<!tpu.dma_semaphore, #tpu.memory_space<semaphore_mem>>
        tpu.enqueue_indirect_dma source(%dma_start3A_591 : memref<16384x512xf32, #tpu.memory_space<hbm>>) target(%dma_start3A_587 : memref<8x512xf32, #tpu.memory_space<vmem>>) offsets(%dma_start3A_588 : memref<8xi32, #tpu.memory_space<vmem>>) semaphore(%dma_start3A_593 : memref<!tpu.dma_semaphore, #tpu.memory_space<semaphore_mem>>)
      } else {
      }
      %mul3A_451 = arith.constant 8 : i32
      %mul3A_452 = arith.muli %add3A_441, %mul3A_451 : i32
      %dma_wait3A_453 = arith.constant 1 : i32
      %dma_wait3A_454 = arith.constant 1 : i32
      %dma_wait3A_455 = arith.constant 0 : i32
      %dma_wait3A_456 = arith.constant 0 : i32
      %dma_wait3A_457 = tpu.memref_slice %arg9[%dma_wait3A_453, %dma_wait3A_455, %dma_wait3A_456] : memref<4x8x512xf32, #tpu.memory_space<vmem>> -> memref<1x8x512xf32, #tpu.memory_space<vmem>>
      %dma_wait3A_458 = tpu.memref_squeeze %dma_wait3A_457 : memref<1x8x512xf32, #tpu.memory_space<vmem>> -> memref<8x512xf32, #tpu.memory_space<vmem>>
      %dma_wait3A_459 = tpu.memref_slice %arg8[%mul3A_452] : memref<512xi32, #tpu.memory_space<vmem>> -> memref<8xi32, #tpu.memory_space<vmem>>
      %dma_wait3A_460 = arith.constant 0 : i32
      %dma_wait3A_461 = arith.constant 0 : i32
      %dma_wait3A_462 = tpu.memref_slice %arg3[%dma_wait3A_460, %dma_wait3A_461] : memref<16384x512xf32, #tpu.memory_space<hbm>> -> memref<16384x512xf32, #tpu.memory_space<hbm>>
      %dma_wait3A_463 = tpu.memref_slice %arg11[%dma_wait3A_454] : memref<4x!tpu.dma_semaphore, #tpu.memory_space<semaphore_mem>> -> memref<1x!tpu.dma_semaphore, #tpu.memory_space<semaphore_mem>>
      %dma_wait3A_464 = tpu.memref_squeeze %dma_wait3A_463 : memref<1x!tpu.dma_semaphore, #tpu.memory_space<semaphore_mem>> -> memref<!tpu.dma_semaphore, #tpu.memory_space<semaphore_mem>>
      tpu.wait_indirect_dma semaphore(%dma_wait3A_464 : memref<!tpu.dma_semaphore, #tpu.memory_space<semaphore_mem>>) src(%dma_wait3A_462 : memref<16384x512xf32, #tpu.memory_space<hbm>>) dst(%dma_wait3A_458 : memref<8x512xf32, #tpu.memory_space<vmem>>)
      %mul3A_465 = arith.constant 8 : i32
      %mul3A_466 = arith.muli %add3A_441, %mul3A_465 : i32
      %add3A_467 = arith.addi %mul3A_2, %mul3A_466 : i32
      %dma_start3A_468 = arith.constant 1 : i32
      %dma_start3A_469 = arith.constant 1 : i32
      %dma_start3A_470 = arith.constant 0 : i32
      %dma_start3A_471 = arith.constant 0 : i32
      %dma_start3A_472 = tpu.memref_slice %arg9[%dma_start3A_468, %dma_start3A_470, %dma_start3A_471] : memref<4x8x512xf32, #tpu.memory_space<vmem>> -> memref<1x8x512xf32, #tpu.memory_space<vmem>>
      %dma_start3A_473 = tpu.memref_squeeze %dma_start3A_472 : memref<1x8x512xf32, #tpu.memory_space<vmem>> -> memref<8x512xf32, #tpu.memory_space<vmem>>
      %dma_start3A_474 = arith.constant 0 : i32
      %dma_start3A_475 = tpu.memref_slice %arg4[%add3A_467, %dma_start3A_474] : memref<16384x512xf32, #tpu.memory_space<hbm>> -> memref<8x512xf32, #tpu.memory_space<hbm>>
      %dma_start3A_476 = tpu.memref_slice %arg12[%dma_start3A_469] : memref<4x!tpu.dma_semaphore, #tpu.memory_space<semaphore_mem>> -> memref<1x!tpu.dma_semaphore, #tpu.memory_space<semaphore_mem>>
      %dma_start3A_477 = tpu.memref_squeeze %dma_start3A_476 : memref<1x!tpu.dma_semaphore, #tpu.memory_space<semaphore_mem>> -> memref<!tpu.dma_semaphore, #tpu.memory_space<semaphore_mem>>
      %dma_start3A_478 = arith.constant 0 : i32
      %dma_start3A_479 = tpu.memref_slice %arg4[%add3A_467, %dma_start3A_478] : memref<16384x512xf32, #tpu.memory_space<hbm>> -> memref<8x512xf32, #tpu.memory_space<hbm>>
      %dma_start3A_480 = arith.constant 0 : i32
      %dma_start3A_481 = arith.constant 0 : i32
      %dma_start3A_482 = tpu.memref_slice %arg9[%dma_start3A_468, %dma_start3A_480, %dma_start3A_481] : memref<4x8x512xf32, #tpu.memory_space<vmem>> -> memref<1x8x512xf32, #tpu.memory_space<vmem>>
      %dma_start3A_483 = tpu.memref_squeeze %dma_start3A_482 : memref<1x8x512xf32, #tpu.memory_space<vmem>> -> memref<8x512xf32, #tpu.memory_space<vmem>>
      tpu.enqueue_dma source(%dma_start3A_483 : memref<8x512xf32, #tpu.memory_space<vmem>>) target(%dma_start3A_479 : memref<8x512xf32, #tpu.memory_space<hbm>>) target_semaphore(%dma_start3A_477 : memref<!tpu.dma_semaphore, #tpu.memory_space<semaphore_mem>>)
      %mul3A_484 = arith.constant 4 : i32
      %mul3A_485 = arith.muli %scan3A_395, %mul3A_484 : i32
      %add3A_486 = arith.constant 2 : i32
      %add3A_487 = arith.addi %mul3A_485, %add3A_486 : i32
      %add3A_488 = arith.constant 4 : i32
      %add3A_489 = arith.addi %add3A_487, %add3A_488 : i32
      %sub3A_490 = arith.constant 1 : i32
      %sub3A_491 = arith.subi %add3A_489, %sub3A_490 : i32
      %lt3A_492 = arith.constant 64 : i32
      %lt3A_493 = arith.cmpi slt, %sub3A_491, %lt3A_492 : i32
      %convert_element_type3A_494 = arith.extui %lt3A_493 : i1 to i32
      %cond3A_495 = arith.constant 0 : i32
      %cond3A_496 = arith.cmpi ne, %convert_element_type3A_494, %cond3A_495 : i32
      scf.if %cond3A_496 {
        %ge3A = arith.constant 4 : i32
        %ge3A_576 = arith.cmpi sge, %sub3A_491, %ge3A : i32
        %convert_element_type3A_577 = arith.extui %ge3A_576 : i1 to i32
        %cond3A_578 = arith.constant 0 : i32
        %cond3A_579 = arith.cmpi ne, %convert_element_type3A_577, %cond3A_578 : i32
        scf.if %cond3A_579 {
          %sub3A_594 = arith.constant 4 : i32
          %sub3A_595 = arith.subi %sub3A_491, %sub3A_594 : i32
          %mul3A_596 = arith.constant 8 : i32
          %mul3A_597 = arith.muli %sub3A_595, %mul3A_596 : i32
          %add3A_598 = arith.addi %mul3A_2, %mul3A_597 : i32
          %dma_wait3A_599 = arith.constant 1 : i32
          %dma_wait3A_600 = arith.constant 1 : i32
          %dma_wait3A_601 = arith.constant 0 : i32
          %dma_wait3A_602 = arith.constant 0 : i32
          %dma_wait3A_603 = tpu.memref_slice %arg9[%dma_wait3A_599, %dma_wait3A_601, %dma_wait3A_602] : memref<4x8x512xf32, #tpu.memory_space<vmem>> -> memref<1x8x512xf32, #tpu.memory_space<vmem>>
          %dma_wait3A_604 = tpu.memref_squeeze %dma_wait3A_603 : memref<1x8x512xf32, #tpu.memory_space<vmem>> -> memref<8x512xf32, #tpu.memory_space<vmem>>
          %dma_wait3A_605 = arith.constant 0 : i32
          %dma_wait3A_606 = tpu.memref_slice %arg4[%add3A_598, %dma_wait3A_605] : memref<16384x512xf32, #tpu.memory_space<hbm>> -> memref<8x512xf32, #tpu.memory_space<hbm>>
          %dma_wait3A_607 = tpu.memref_slice %arg12[%dma_wait3A_600] : memref<4x!tpu.dma_semaphore, #tpu.memory_space<semaphore_mem>> -> memref<1x!tpu.dma_semaphore, #tpu.memory_space<semaphore_mem>>
          %dma_wait3A_608 = tpu.memref_squeeze %dma_wait3A_607 : memref<1x!tpu.dma_semaphore, #tpu.memory_space<semaphore_mem>> -> memref<!tpu.dma_semaphore, #tpu.memory_space<semaphore_mem>>
          %dma_wait3A_609 = arith.constant 0 : i32
          %dma_wait3A_610 = tpu.memref_slice %arg4[%add3A_598, %dma_wait3A_609] : memref<16384x512xf32, #tpu.memory_space<hbm>> -> memref<8x512xf32, #tpu.memory_space<hbm>>
          %dma_wait3A_611 = arith.constant 0 : i32
          %dma_wait3A_612 = arith.constant 0 : i32
          %dma_wait3A_613 = tpu.memref_slice %arg9[%dma_wait3A_599, %dma_wait3A_611, %dma_wait3A_612] : memref<4x8x512xf32, #tpu.memory_space<vmem>> -> memref<1x8x512xf32, #tpu.memory_space<vmem>>
          %dma_wait3A_614 = tpu.memref_squeeze %dma_wait3A_613 : memref<1x8x512xf32, #tpu.memory_space<vmem>> -> memref<8x512xf32, #tpu.memory_space<vmem>>
          tpu.wait_dma2 semaphore(%dma_wait3A_608 : memref<!tpu.dma_semaphore, #tpu.memory_space<semaphore_mem>>) src(%dma_wait3A_614 : memref<8x512xf32, #tpu.memory_space<vmem>>) dst(%dma_wait3A_610 : memref<8x512xf32, #tpu.memory_space<hbm>>)
        } else {
        }
        %mul3A_580 = arith.constant 8 : i32
        %mul3A_581 = arith.muli %sub3A_491, %mul3A_580 : i32
        %dma_start3A_582 = arith.constant 1 : i32
        %dma_start3A_583 = arith.constant 1 : i32
        %dma_start3A_584 = arith.constant 0 : i32
        %dma_start3A_585 = arith.constant 0 : i32
        %dma_start3A_586 = tpu.memref_slice %arg9[%dma_start3A_582, %dma_start3A_584, %dma_start3A_585] : memref<4x8x512xf32, #tpu.memory_space<vmem>> -> memref<1x8x512xf32, #tpu.memory_space<vmem>>
        %dma_start3A_587 = tpu.memref_squeeze %dma_start3A_586 : memref<1x8x512xf32, #tpu.memory_space<vmem>> -> memref<8x512xf32, #tpu.memory_space<vmem>>
        %dma_start3A_588 = tpu.memref_slice %arg8[%mul3A_581] : memref<512xi32, #tpu.memory_space<vmem>> -> memref<8xi32, #tpu.memory_space<vmem>>
        %dma_start3A_589 = arith.constant 0 : i32
        %dma_start3A_590 = arith.constant 0 : i32
        %dma_start3A_591 = tpu.memref_slice %arg3[%dma_start3A_589, %dma_start3A_590] : memref<16384x512xf32, #tpu.memory_space<hbm>> -> memref<16384x512xf32, #tpu.memory_space<hbm>>
        %dma_start3A_592 = tpu.memref_slice %arg11[%dma_start3A_583] : memref<4x!tpu.dma_semaphore, #tpu.memory_space<semaphore_mem>> -> memref<1x!tpu.dma_semaphore, #tpu.memory_space<semaphore_mem>>
        %dma_start3A_593 = tpu.memref_squeeze %dma_start3A_592 : memref<1x!tpu.dma_semaphore, #tpu.memory_space<semaphore_mem>> -> memref<!tpu.dma_semaphore, #tpu.memory_space<semaphore_mem>>
        tpu.enqueue_indirect_dma source(%dma_start3A_591 : memref<16384x512xf32, #tpu.memory_space<hbm>>) target(%dma_start3A_587 : memref<8x512xf32, #tpu.memory_space<vmem>>) offsets(%dma_start3A_588 : memref<8xi32, #tpu.memory_space<vmem>>) semaphore(%dma_start3A_593 : memref<!tpu.dma_semaphore, #tpu.memory_space<semaphore_mem>>)
      } else {
      }
      %mul3A_497 = arith.constant 8 : i32
      %mul3A_498 = arith.muli %add3A_487, %mul3A_497 : i32
      %dma_wait3A_499 = arith.constant 2 : i32
      %dma_wait3A_500 = arith.constant 2 : i32
      %dma_wait3A_501 = arith.constant 0 : i32
      %dma_wait3A_502 = arith.constant 0 : i32
      %dma_wait3A_503 = tpu.memref_slice %arg9[%dma_wait3A_499, %dma_wait3A_501, %dma_wait3A_502] : memref<4x8x512xf32, #tpu.memory_space<vmem>> -> memref<1x8x512xf32, #tpu.memory_space<vmem>>
      %dma_wait3A_504 = tpu.memref_squeeze %dma_wait3A_503 : memref<1x8x512xf32, #tpu.memory_space<vmem>> -> memref<8x512xf32, #tpu.memory_space<vmem>>
      %dma_wait3A_505 = tpu.memref_slice %arg8[%mul3A_498] : memref<512xi32, #tpu.memory_space<vmem>> -> memref<8xi32, #tpu.memory_space<vmem>>
      %dma_wait3A_506 = arith.constant 0 : i32
      %dma_wait3A_507 = arith.constant 0 : i32
      %dma_wait3A_508 = tpu.memref_slice %arg3[%dma_wait3A_506, %dma_wait3A_507] : memref<16384x512xf32, #tpu.memory_space<hbm>> -> memref<16384x512xf32, #tpu.memory_space<hbm>>
      %dma_wait3A_509 = tpu.memref_slice %arg11[%dma_wait3A_500] : memref<4x!tpu.dma_semaphore, #tpu.memory_space<semaphore_mem>> -> memref<1x!tpu.dma_semaphore, #tpu.memory_space<semaphore_mem>>
      %dma_wait3A_510 = tpu.memref_squeeze %dma_wait3A_509 : memref<1x!tpu.dma_semaphore, #tpu.memory_space<semaphore_mem>> -> memref<!tpu.dma_semaphore, #tpu.memory_space<semaphore_mem>>
      tpu.wait_indirect_dma semaphore(%dma_wait3A_510 : memref<!tpu.dma_semaphore, #tpu.memory_space<semaphore_mem>>) src(%dma_wait3A_508 : memref<16384x512xf32, #tpu.memory_space<hbm>>) dst(%dma_wait3A_504 : memref<8x512xf32, #tpu.memory_space<vmem>>)
      %mul3A_511 = arith.constant 8 : i32
      %mul3A_512 = arith.muli %add3A_487, %mul3A_511 : i32
      %add3A_513 = arith.addi %mul3A_2, %mul3A_512 : i32
      %dma_start3A_514 = arith.constant 2 : i32
      %dma_start3A_515 = arith.constant 2 : i32
      %dma_start3A_516 = arith.constant 0 : i32
      %dma_start3A_517 = arith.constant 0 : i32
      %dma_start3A_518 = tpu.memref_slice %arg9[%dma_start3A_514, %dma_start3A_516, %dma_start3A_517] : memref<4x8x512xf32, #tpu.memory_space<vmem>> -> memref<1x8x512xf32, #tpu.memory_space<vmem>>
      %dma_start3A_519 = tpu.memref_squeeze %dma_start3A_518 : memref<1x8x512xf32, #tpu.memory_space<vmem>> -> memref<8x512xf32, #tpu.memory_space<vmem>>
      %dma_start3A_520 = arith.constant 0 : i32
      %dma_start3A_521 = tpu.memref_slice %arg4[%add3A_513, %dma_start3A_520] : memref<16384x512xf32, #tpu.memory_space<hbm>> -> memref<8x512xf32, #tpu.memory_space<hbm>>
      %dma_start3A_522 = tpu.memref_slice %arg12[%dma_start3A_515] : memref<4x!tpu.dma_semaphore, #tpu.memory_space<semaphore_mem>> -> memref<1x!tpu.dma_semaphore, #tpu.memory_space<semaphore_mem>>
      %dma_start3A_523 = tpu.memref_squeeze %dma_start3A_522 : memref<1x!tpu.dma_semaphore, #tpu.memory_space<semaphore_mem>> -> memref<!tpu.dma_semaphore, #tpu.memory_space<semaphore_mem>>
      %dma_start3A_524 = arith.constant 0 : i32
      %dma_start3A_525 = tpu.memref_slice %arg4[%add3A_513, %dma_start3A_524] : memref<16384x512xf32, #tpu.memory_space<hbm>> -> memref<8x512xf32, #tpu.memory_space<hbm>>
      %dma_start3A_526 = arith.constant 0 : i32
      %dma_start3A_527 = arith.constant 0 : i32
      %dma_start3A_528 = tpu.memref_slice %arg9[%dma_start3A_514, %dma_start3A_526, %dma_start3A_527] : memref<4x8x512xf32, #tpu.memory_space<vmem>> -> memref<1x8x512xf32, #tpu.memory_space<vmem>>
      %dma_start3A_529 = tpu.memref_squeeze %dma_start3A_528 : memref<1x8x512xf32, #tpu.memory_space<vmem>> -> memref<8x512xf32, #tpu.memory_space<vmem>>
      tpu.enqueue_dma source(%dma_start3A_529 : memref<8x512xf32, #tpu.memory_space<vmem>>) target(%dma_start3A_525 : memref<8x512xf32, #tpu.memory_space<hbm>>) target_semaphore(%dma_start3A_523 : memref<!tpu.dma_semaphore, #tpu.memory_space<semaphore_mem>>)
      %mul3A_530 = arith.constant 4 : i32
      %mul3A_531 = arith.muli %scan3A_395, %mul3A_530 : i32
      %add3A_532 = arith.constant 3 : i32
      %add3A_533 = arith.addi %mul3A_531, %add3A_532 : i32
      %add3A_534 = arith.constant 4 : i32
      %add3A_535 = arith.addi %add3A_533, %add3A_534 : i32
      %sub3A_536 = arith.constant 1 : i32
      %sub3A_537 = arith.subi %add3A_535, %sub3A_536 : i32
      %lt3A_538 = arith.constant 64 : i32
      %lt3A_539 = arith.cmpi slt, %sub3A_537, %lt3A_538 : i32
      %convert_element_type3A_540 = arith.extui %lt3A_539 : i1 to i32
      %cond3A_541 = arith.constant 0 : i32
      %cond3A_542 = arith.cmpi ne, %convert_element_type3A_540, %cond3A_541 : i32
      scf.if %cond3A_542 {
        %ge3A = arith.constant 4 : i32
        %ge3A_576 = arith.cmpi sge, %sub3A_537, %ge3A : i32
        %convert_element_type3A_577 = arith.extui %ge3A_576 : i1 to i32
        %cond3A_578 = arith.constant 0 : i32
        %cond3A_579 = arith.cmpi ne, %convert_element_type3A_577, %cond3A_578 : i32
        scf.if %cond3A_579 {
          %sub3A_594 = arith.constant 4 : i32
          %sub3A_595 = arith.subi %sub3A_537, %sub3A_594 : i32
          %mul3A_596 = arith.constant 8 : i32
          %mul3A_597 = arith.muli %sub3A_595, %mul3A_596 : i32
          %add3A_598 = arith.addi %mul3A_2, %mul3A_597 : i32
          %dma_wait3A_599 = arith.constant 2 : i32
          %dma_wait3A_600 = arith.constant 2 : i32
          %dma_wait3A_601 = arith.constant 0 : i32
          %dma_wait3A_602 = arith.constant 0 : i32
          %dma_wait3A_603 = tpu.memref_slice %arg9[%dma_wait3A_599, %dma_wait3A_601, %dma_wait3A_602] : memref<4x8x512xf32, #tpu.memory_space<vmem>> -> memref<1x8x512xf32, #tpu.memory_space<vmem>>
          %dma_wait3A_604 = tpu.memref_squeeze %dma_wait3A_603 : memref<1x8x512xf32, #tpu.memory_space<vmem>> -> memref<8x512xf32, #tpu.memory_space<vmem>>
          %dma_wait3A_605 = arith.constant 0 : i32
          %dma_wait3A_606 = tpu.memref_slice %arg4[%add3A_598, %dma_wait3A_605] : memref<16384x512xf32, #tpu.memory_space<hbm>> -> memref<8x512xf32, #tpu.memory_space<hbm>>
          %dma_wait3A_607 = tpu.memref_slice %arg12[%dma_wait3A_600] : memref<4x!tpu.dma_semaphore, #tpu.memory_space<semaphore_mem>> -> memref<1x!tpu.dma_semaphore, #tpu.memory_space<semaphore_mem>>
          %dma_wait3A_608 = tpu.memref_squeeze %dma_wait3A_607 : memref<1x!tpu.dma_semaphore, #tpu.memory_space<semaphore_mem>> -> memref<!tpu.dma_semaphore, #tpu.memory_space<semaphore_mem>>
          %dma_wait3A_609 = arith.constant 0 : i32
          %dma_wait3A_610 = tpu.memref_slice %arg4[%add3A_598, %dma_wait3A_609] : memref<16384x512xf32, #tpu.memory_space<hbm>> -> memref<8x512xf32, #tpu.memory_space<hbm>>
          %dma_wait3A_611 = arith.constant 0 : i32
          %dma_wait3A_612 = arith.constant 0 : i32
          %dma_wait3A_613 = tpu.memref_slice %arg9[%dma_wait3A_599, %dma_wait3A_611, %dma_wait3A_612] : memref<4x8x512xf32, #tpu.memory_space<vmem>> -> memref<1x8x512xf32, #tpu.memory_space<vmem>>
          %dma_wait3A_614 = tpu.memref_squeeze %dma_wait3A_613 : memref<1x8x512xf32, #tpu.memory_space<vmem>> -> memref<8x512xf32, #tpu.memory_space<vmem>>
          tpu.wait_dma2 semaphore(%dma_wait3A_608 : memref<!tpu.dma_semaphore, #tpu.memory_space<semaphore_mem>>) src(%dma_wait3A_614 : memref<8x512xf32, #tpu.memory_space<vmem>>) dst(%dma_wait3A_610 : memref<8x512xf32, #tpu.memory_space<hbm>>)
        } else {
        }
        %mul3A_580 = arith.constant 8 : i32
        %mul3A_581 = arith.muli %sub3A_537, %mul3A_580 : i32
        %dma_start3A_582 = arith.constant 2 : i32
        %dma_start3A_583 = arith.constant 2 : i32
        %dma_start3A_584 = arith.constant 0 : i32
        %dma_start3A_585 = arith.constant 0 : i32
        %dma_start3A_586 = tpu.memref_slice %arg9[%dma_start3A_582, %dma_start3A_584, %dma_start3A_585] : memref<4x8x512xf32, #tpu.memory_space<vmem>> -> memref<1x8x512xf32, #tpu.memory_space<vmem>>
        %dma_start3A_587 = tpu.memref_squeeze %dma_start3A_586 : memref<1x8x512xf32, #tpu.memory_space<vmem>> -> memref<8x512xf32, #tpu.memory_space<vmem>>
        %dma_start3A_588 = tpu.memref_slice %arg8[%mul3A_581] : memref<512xi32, #tpu.memory_space<vmem>> -> memref<8xi32, #tpu.memory_space<vmem>>
        %dma_start3A_589 = arith.constant 0 : i32
        %dma_start3A_590 = arith.constant 0 : i32
        %dma_start3A_591 = tpu.memref_slice %arg3[%dma_start3A_589, %dma_start3A_590] : memref<16384x512xf32, #tpu.memory_space<hbm>> -> memref<16384x512xf32, #tpu.memory_space<hbm>>
        %dma_start3A_592 = tpu.memref_slice %arg11[%dma_start3A_583] : memref<4x!tpu.dma_semaphore, #tpu.memory_space<semaphore_mem>> -> memref<1x!tpu.dma_semaphore, #tpu.memory_space<semaphore_mem>>
        %dma_start3A_593 = tpu.memref_squeeze %dma_start3A_592 : memref<1x!tpu.dma_semaphore, #tpu.memory_space<semaphore_mem>> -> memref<!tpu.dma_semaphore, #tpu.memory_space<semaphore_mem>>
        tpu.enqueue_indirect_dma source(%dma_start3A_591 : memref<16384x512xf32, #tpu.memory_space<hbm>>) target(%dma_start3A_587 : memref<8x512xf32, #tpu.memory_space<vmem>>) offsets(%dma_start3A_588 : memref<8xi32, #tpu.memory_space<vmem>>) semaphore(%dma_start3A_593 : memref<!tpu.dma_semaphore, #tpu.memory_space<semaphore_mem>>)
      } else {
      }
      %mul3A_543 = arith.constant 8 : i32
      %mul3A_544 = arith.muli %add3A_533, %mul3A_543 : i32
      %dma_wait3A_545 = arith.constant 3 : i32
      %dma_wait3A_546 = arith.constant 3 : i32
      %dma_wait3A_547 = arith.constant 0 : i32
      %dma_wait3A_548 = arith.constant 0 : i32
      %dma_wait3A_549 = tpu.memref_slice %arg9[%dma_wait3A_545, %dma_wait3A_547, %dma_wait3A_548] : memref<4x8x512xf32, #tpu.memory_space<vmem>> -> memref<1x8x512xf32, #tpu.memory_space<vmem>>
      %dma_wait3A_550 = tpu.memref_squeeze %dma_wait3A_549 : memref<1x8x512xf32, #tpu.memory_space<vmem>> -> memref<8x512xf32, #tpu.memory_space<vmem>>
      %dma_wait3A_551 = tpu.memref_slice %arg8[%mul3A_544] : memref<512xi32, #tpu.memory_space<vmem>> -> memref<8xi32, #tpu.memory_space<vmem>>
      %dma_wait3A_552 = arith.constant 0 : i32
      %dma_wait3A_553 = arith.constant 0 : i32
      %dma_wait3A_554 = tpu.memref_slice %arg3[%dma_wait3A_552, %dma_wait3A_553] : memref<16384x512xf32, #tpu.memory_space<hbm>> -> memref<16384x512xf32, #tpu.memory_space<hbm>>
      %dma_wait3A_555 = tpu.memref_slice %arg11[%dma_wait3A_546] : memref<4x!tpu.dma_semaphore, #tpu.memory_space<semaphore_mem>> -> memref<1x!tpu.dma_semaphore, #tpu.memory_space<semaphore_mem>>
      %dma_wait3A_556 = tpu.memref_squeeze %dma_wait3A_555 : memref<1x!tpu.dma_semaphore, #tpu.memory_space<semaphore_mem>> -> memref<!tpu.dma_semaphore, #tpu.memory_space<semaphore_mem>>
      tpu.wait_indirect_dma semaphore(%dma_wait3A_556 : memref<!tpu.dma_semaphore, #tpu.memory_space<semaphore_mem>>) src(%dma_wait3A_554 : memref<16384x512xf32, #tpu.memory_space<hbm>>) dst(%dma_wait3A_550 : memref<8x512xf32, #tpu.memory_space<vmem>>)
      %mul3A_557 = arith.constant 8 : i32
      %mul3A_558 = arith.muli %add3A_533, %mul3A_557 : i32
      %add3A_559 = arith.addi %mul3A_2, %mul3A_558 : i32
      %dma_start3A_560 = arith.constant 3 : i32
      %dma_start3A_561 = arith.constant 3 : i32
      %dma_start3A_562 = arith.constant 0 : i32
      %dma_start3A_563 = arith.constant 0 : i32
      %dma_start3A_564 = tpu.memref_slice %arg9[%dma_start3A_560, %dma_start3A_562, %dma_start3A_563] : memref<4x8x512xf32, #tpu.memory_space<vmem>> -> memref<1x8x512xf32, #tpu.memory_space<vmem>>
      %dma_start3A_565 = tpu.memref_squeeze %dma_start3A_564 : memref<1x8x512xf32, #tpu.memory_space<vmem>> -> memref<8x512xf32, #tpu.memory_space<vmem>>
      %dma_start3A_566 = arith.constant 0 : i32
      %dma_start3A_567 = tpu.memref_slice %arg4[%add3A_559, %dma_start3A_566] : memref<16384x512xf32, #tpu.memory_space<hbm>> -> memref<8x512xf32, #tpu.memory_space<hbm>>
      %dma_start3A_568 = tpu.memref_slice %arg12[%dma_start3A_561] : memref<4x!tpu.dma_semaphore, #tpu.memory_space<semaphore_mem>> -> memref<1x!tpu.dma_semaphore, #tpu.memory_space<semaphore_mem>>
      %dma_start3A_569 = tpu.memref_squeeze %dma_start3A_568 : memref<1x!tpu.dma_semaphore, #tpu.memory_space<semaphore_mem>> -> memref<!tpu.dma_semaphore, #tpu.memory_space<semaphore_mem>>
      %dma_start3A_570 = arith.constant 0 : i32
      %dma_start3A_571 = tpu.memref_slice %arg4[%add3A_559, %dma_start3A_570] : memref<16384x512xf32, #tpu.memory_space<hbm>> -> memref<8x512xf32, #tpu.memory_space<hbm>>
      %dma_start3A_572 = arith.constant 0 : i32
      %dma_start3A_573 = arith.constant 0 : i32
      %dma_start3A_574 = tpu.memref_slice %arg9[%dma_start3A_560, %dma_start3A_572, %dma_start3A_573] : memref<4x8x512xf32, #tpu.memory_space<vmem>> -> memref<1x8x512xf32, #tpu.memory_space<vmem>>
      %dma_start3A_575 = tpu.memref_squeeze %dma_start3A_574 : memref<1x8x512xf32, #tpu.memory_space<vmem>> -> memref<8x512xf32, #tpu.memory_space<vmem>>
      tpu.enqueue_dma source(%dma_start3A_575 : memref<8x512xf32, #tpu.memory_space<vmem>>) target(%dma_start3A_571 : memref<8x512xf32, #tpu.memory_space<hbm>>) target_semaphore(%dma_start3A_569 : memref<!tpu.dma_semaphore, #tpu.memory_space<semaphore_mem>>)
    }
    %scan3A_322 = arith.constant 16 : i32
    %add3A_323 = arith.constant 480 : i32
    %add3A_324 = arith.addi %mul3A_2, %add3A_323 : i32
    %dma_wait3A_325 = arith.constant 0 : i32
    %dma_wait3A_326 = arith.constant 0 : i32
    %dma_wait3A_327 = arith.constant 0 : i32
    %dma_wait3A_328 = arith.constant 0 : i32
    %dma_wait3A_329 = tpu.memref_slice %arg9[%dma_wait3A_325, %dma_wait3A_327, %dma_wait3A_328] : memref<4x8x512xf32, #tpu.memory_space<vmem>> -> memref<1x8x512xf32, #tpu.memory_space<vmem>>
    %dma_wait3A_330 = tpu.memref_squeeze %dma_wait3A_329 : memref<1x8x512xf32, #tpu.memory_space<vmem>> -> memref<8x512xf32, #tpu.memory_space<vmem>>
    %dma_wait3A_331 = arith.constant 0 : i32
    %dma_wait3A_332 = tpu.memref_slice %arg4[%add3A_324, %dma_wait3A_331] : memref<16384x512xf32, #tpu.memory_space<hbm>> -> memref<8x512xf32, #tpu.memory_space<hbm>>
    %dma_wait3A_333 = tpu.memref_slice %arg12[%dma_wait3A_326] : memref<4x!tpu.dma_semaphore, #tpu.memory_space<semaphore_mem>> -> memref<1x!tpu.dma_semaphore, #tpu.memory_space<semaphore_mem>>
    %dma_wait3A_334 = tpu.memref_squeeze %dma_wait3A_333 : memref<1x!tpu.dma_semaphore, #tpu.memory_space<semaphore_mem>> -> memref<!tpu.dma_semaphore, #tpu.memory_space<semaphore_mem>>
    %dma_wait3A_335 = arith.constant 0 : i32
    %dma_wait3A_336 = tpu.memref_slice %arg4[%add3A_324, %dma_wait3A_335] : memref<16384x512xf32, #tpu.memory_space<hbm>> -> memref<8x512xf32, #tpu.memory_space<hbm>>
    %dma_wait3A_337 = arith.constant 0 : i32
    %dma_wait3A_338 = arith.constant 0 : i32
    %dma_wait3A_339 = tpu.memref_slice %arg9[%dma_wait3A_325, %dma_wait3A_337, %dma_wait3A_338] : memref<4x8x512xf32, #tpu.memory_space<vmem>> -> memref<1x8x512xf32, #tpu.memory_space<vmem>>
    %dma_wait3A_340 = tpu.memref_squeeze %dma_wait3A_339 : memref<1x8x512xf32, #tpu.memory_space<vmem>> -> memref<8x512xf32, #tpu.memory_space<vmem>>
    tpu.wait_dma2 semaphore(%dma_wait3A_334 : memref<!tpu.dma_semaphore, #tpu.memory_space<semaphore_mem>>) src(%dma_wait3A_340 : memref<8x512xf32, #tpu.memory_space<vmem>>) dst(%dma_wait3A_336 : memref<8x512xf32, #tpu.memory_space<hbm>>)
    %add3A_341 = arith.constant 488 : i32
    %add3A_342 = arith.addi %mul3A_2, %add3A_341 : i32
    %dma_wait3A_343 = arith.constant 1 : i32
    %dma_wait3A_344 = arith.constant 1 : i32
    %dma_wait3A_345 = arith.constant 0 : i32
    %dma_wait3A_346 = arith.constant 0 : i32
    %dma_wait3A_347 = tpu.memref_slice %arg9[%dma_wait3A_343, %dma_wait3A_345, %dma_wait3A_346] : memref<4x8x512xf32, #tpu.memory_space<vmem>> -> memref<1x8x512xf32, #tpu.memory_space<vmem>>
    %dma_wait3A_348 = tpu.memref_squeeze %dma_wait3A_347 : memref<1x8x512xf32, #tpu.memory_space<vmem>> -> memref<8x512xf32, #tpu.memory_space<vmem>>
    %dma_wait3A_349 = arith.constant 0 : i32
    %dma_wait3A_350 = tpu.memref_slice %arg4[%add3A_342, %dma_wait3A_349] : memref<16384x512xf32, #tpu.memory_space<hbm>> -> memref<8x512xf32, #tpu.memory_space<hbm>>
    %dma_wait3A_351 = tpu.memref_slice %arg12[%dma_wait3A_344] : memref<4x!tpu.dma_semaphore, #tpu.memory_space<semaphore_mem>> -> memref<1x!tpu.dma_semaphore, #tpu.memory_space<semaphore_mem>>
    %dma_wait3A_352 = tpu.memref_squeeze %dma_wait3A_351 : memref<1x!tpu.dma_semaphore, #tpu.memory_space<semaphore_mem>> -> memref<!tpu.dma_semaphore, #tpu.memory_space<semaphore_mem>>
    %dma_wait3A_353 = arith.constant 0 : i32
    %dma_wait3A_354 = tpu.memref_slice %arg4[%add3A_342, %dma_wait3A_353] : memref<16384x512xf32, #tpu.memory_space<hbm>> -> memref<8x512xf32, #tpu.memory_space<hbm>>
    %dma_wait3A_355 = arith.constant 0 : i32
    %dma_wait3A_356 = arith.constant 0 : i32
    %dma_wait3A_357 = tpu.memref_slice %arg9[%dma_wait3A_343, %dma_wait3A_355, %dma_wait3A_356] : memref<4x8x512xf32, #tpu.memory_space<vmem>> -> memref<1x8x512xf32, #tpu.memory_space<vmem>>
    %dma_wait3A_358 = tpu.memref_squeeze %dma_wait3A_357 : memref<1x8x512xf32, #tpu.memory_space<vmem>> -> memref<8x512xf32, #tpu.memory_space<vmem>>
    tpu.wait_dma2 semaphore(%dma_wait3A_352 : memref<!tpu.dma_semaphore, #tpu.memory_space<semaphore_mem>>) src(%dma_wait3A_358 : memref<8x512xf32, #tpu.memory_space<vmem>>) dst(%dma_wait3A_354 : memref<8x512xf32, #tpu.memory_space<hbm>>)
    %add3A_359 = arith.constant 496 : i32
    %add3A_360 = arith.addi %mul3A_2, %add3A_359 : i32
    %dma_wait3A_361 = arith.constant 2 : i32
    %dma_wait3A_362 = arith.constant 2 : i32
    %dma_wait3A_363 = arith.constant 0 : i32
    %dma_wait3A_364 = arith.constant 0 : i32
    %dma_wait3A_365 = tpu.memref_slice %arg9[%dma_wait3A_361, %dma_wait3A_363, %dma_wait3A_364] : memref<4x8x512xf32, #tpu.memory_space<vmem>> -> memref<1x8x512xf32, #tpu.memory_space<vmem>>
    %dma_wait3A_366 = tpu.memref_squeeze %dma_wait3A_365 : memref<1x8x512xf32, #tpu.memory_space<vmem>> -> memref<8x512xf32, #tpu.memory_space<vmem>>
    %dma_wait3A_367 = arith.constant 0 : i32
    %dma_wait3A_368 = tpu.memref_slice %arg4[%add3A_360, %dma_wait3A_367] : memref<16384x512xf32, #tpu.memory_space<hbm>> -> memref<8x512xf32, #tpu.memory_space<hbm>>
    %dma_wait3A_369 = tpu.memref_slice %arg12[%dma_wait3A_362] : memref<4x!tpu.dma_semaphore, #tpu.memory_space<semaphore_mem>> -> memref<1x!tpu.dma_semaphore, #tpu.memory_space<semaphore_mem>>
    %dma_wait3A_370 = tpu.memref_squeeze %dma_wait3A_369 : memref<1x!tpu.dma_semaphore, #tpu.memory_space<semaphore_mem>> -> memref<!tpu.dma_semaphore, #tpu.memory_space<semaphore_mem>>
    %dma_wait3A_371 = arith.constant 0 : i32
    %dma_wait3A_372 = tpu.memref_slice %arg4[%add3A_360, %dma_wait3A_371] : memref<16384x512xf32, #tpu.memory_space<hbm>> -> memref<8x512xf32, #tpu.memory_space<hbm>>
    %dma_wait3A_373 = arith.constant 0 : i32
    %dma_wait3A_374 = arith.constant 0 : i32
    %dma_wait3A_375 = tpu.memref_slice %arg9[%dma_wait3A_361, %dma_wait3A_373, %dma_wait3A_374] : memref<4x8x512xf32, #tpu.memory_space<vmem>> -> memref<1x8x512xf32, #tpu.memory_space<vmem>>
    %dma_wait3A_376 = tpu.memref_squeeze %dma_wait3A_375 : memref<1x8x512xf32, #tpu.memory_space<vmem>> -> memref<8x512xf32, #tpu.memory_space<vmem>>
    tpu.wait_dma2 semaphore(%dma_wait3A_370 : memref<!tpu.dma_semaphore, #tpu.memory_space<semaphore_mem>>) src(%dma_wait3A_376 : memref<8x512xf32, #tpu.memory_space<vmem>>) dst(%dma_wait3A_372 : memref<8x512xf32, #tpu.memory_space<hbm>>)
    %add3A_377 = arith.constant 504 : i32
    %add3A_378 = arith.addi %mul3A_2, %add3A_377 : i32
    %dma_wait3A_379 = arith.constant 3 : i32
    %dma_wait3A_380 = arith.constant 3 : i32
    %dma_wait3A_381 = arith.constant 0 : i32
    %dma_wait3A_382 = arith.constant 0 : i32
    %dma_wait3A_383 = tpu.memref_slice %arg9[%dma_wait3A_379, %dma_wait3A_381, %dma_wait3A_382] : memref<4x8x512xf32, #tpu.memory_space<vmem>> -> memref<1x8x512xf32, #tpu.memory_space<vmem>>
    %dma_wait3A_384 = tpu.memref_squeeze %dma_wait3A_383 : memref<1x8x512xf32, #tpu.memory_space<vmem>> -> memref<8x512xf32, #tpu.memory_space<vmem>>
    %dma_wait3A_385 = arith.constant 0 : i32
    %dma_wait3A_386 = tpu.memref_slice %arg4[%add3A_378, %dma_wait3A_385] : memref<16384x512xf32, #tpu.memory_space<hbm>> -> memref<8x512xf32, #tpu.memory_space<hbm>>
    %dma_wait3A_387 = tpu.memref_slice %arg12[%dma_wait3A_380] : memref<4x!tpu.dma_semaphore, #tpu.memory_space<semaphore_mem>> -> memref<1x!tpu.dma_semaphore, #tpu.memory_space<semaphore_mem>>
    %dma_wait3A_388 = tpu.memref_squeeze %dma_wait3A_387 : memref<1x!tpu.dma_semaphore, #tpu.memory_space<semaphore_mem>> -> memref<!tpu.dma_semaphore, #tpu.memory_space<semaphore_mem>>
    %dma_wait3A_389 = arith.constant 0 : i32
    %dma_wait3A_390 = tpu.memref_slice %arg4[%add3A_378, %dma_wait3A_389] : memref<16384x512xf32, #tpu.memory_space<hbm>> -> memref<8x512xf32, #tpu.memory_space<hbm>>
    %dma_wait3A_391 = arith.constant 0 : i32
    %dma_wait3A_392 = arith.constant 0 : i32
    %dma_wait3A_393 = tpu.memref_slice %arg9[%dma_wait3A_379, %dma_wait3A_391, %dma_wait3A_392] : memref<4x8x512xf32, #tpu.memory_space<vmem>> -> memref<1x8x512xf32, #tpu.memory_space<vmem>>
    %dma_wait3A_394 = tpu.memref_squeeze %dma_wait3A_393 : memref<1x8x512xf32, #tpu.memory_space<vmem>> -> memref<8x512xf32, #tpu.memory_space<vmem>>
    tpu.wait_dma2 semaphore(%dma_wait3A_388 : memref<!tpu.dma_semaphore, #tpu.memory_space<semaphore_mem>>) src(%dma_wait3A_394 : memref<8x512xf32, #tpu.memory_space<vmem>>) dst(%dma_wait3A_390 : memref<8x512xf32, #tpu.memory_space<hbm>>)
    return
  }
}

</mosaic_0001>

<sc_bundles>
// kernel: kernel.3.cloned.1.call-start
scs
__scs_entry_jumppad:
0x0: {  	(pc) =	sbr.rel $0x88, $3  }
0x1: {  	(tag) =	ssettag $0x0;
	lr =	simm.s32 $0x1  }
0x2: {  	[smem:$0x3F9F] =	sst lr;
	_ =	strace $0xD0000000  }
0x3: {  	_ = 	snop  }
0x4: {  	_ = 	snop  }
0x5: {  	_ = 	snop  }
0x6: {  	_ = 	snop  }
0x7: {  	_ = 	snop  }
__scs_overlays_trampoline_lowered:
0x8: {  	[smem:$0x3FAE] =	sst s0  }
0x9: {  	[smem:$0x3FAF] =	sst s1  }
0xa: {  	[smem:$0x3FB0] =	sst s2  }
0xb: {  	[smem:$0x3FB1] =	sst s3  }
0xc: {  	[smem:$0x3FB2] =	sst s4  }
0xd: {  	[smem:$0x3FB3] =	sst s5  }
0xe: {  	[smem:$0x3FB4] =	sst s6  }
0xf: {  	[smem:$0x3FB5] =	sst s7  }
0x10: {  	[smem:$0x3FB6] =	sst s8  }
0x11: {  	[smem:$0x3FB7] =	sst s9;
	s0 =	simm.s32 @!p0 $0x0  }
0x12: {  	s1 =	sld [smem:$0x3F9D];
	s0 =	simm.s32 @p0 $0x1  }
0x13: {  	[smem:$0x3FB8] =	sst s0;
	s0 =	simm.s32 @!p1 $0x0  }
0x14: {  	s2 =	sld [smem:$0x3F9C];
	s0 =	simm.s32 @p1 $0x1  }
0x15: {  	[smem:$0x3FB9] =	sst s0;
	s0 =	simm.s32 @!p2 $0x0  }
0x16: {  	s3 =	sld [smem:$0x3FDB];
	s0 =	simm.s32 @p2 $0x1  }
0x17: {  	s4 =	simm.s32 $0x1BF5;
	[smem:$0x3FBB] =	sst s0  }
0x18: {  	s0 =	sld [smem:$0x3F9E];
	_ =	swait.ge [sflag:s4], $0x0  }
0x19: {  	s7 =	sld [smem:$0x3F9F]  }
0x1a: {  	s8 =	sadd.s32 $0xFFFFE003, lr  }
0x1b: {  	s9 =	sadd.s32 $0xFFFFFEF7, lr;
	s5 =	simm.s32 $0xFFFFFFFF;
	p2 =	slt.u32 s8, $0xFFFFF086  }
0x1c: {  	p1 =	slt.u32 s9, $0xF7A;
	s5 =	simm.s32 @!p2 $0x0  }
0x1d: {  	s5 =	simm.s32 @p1 $0x1;
	p0 =	seq.s32 s7, s2  }
0x1e: {  	s7 =	smul.u32 @!p0 $0xF7A, s2;
	p2 =	seq.s32 @!p0 s5, $0x0  }
0x1f: {  	s9 =	smul.u32 $0xF7A, s1;
	s8 =	simm.s32 @!p0 $0x1BF5;
	p2 =	por !p2, p0  }
0x20: {  	[sflag:s8] =	ssyncset.s32 @!p0 $0xFFFFF086;
	s6 =	sadd.s32 @!p0 s3, s7;
	s7 =	simm.s32 @!p0 $0x108  }
0x21: {  	s3 =	sadd.s32 s3, s9;
	s6 =	sadd.s32 @!p0 $0x88, s6;
	s7 =	simm.s32 @p2 $0x1082  }
0x22: {  	[simem:s7], [sflag:s8] =	dma.local @!p0 [hbm:s6], $0xF7A  }
0x23: {  	s9 =	sor.u32 $0xD0000000, s2;
	s6 =	simm.s32 $0x108;
	_ =	swait.ge @!p0 [sflag:s8], $0x0  }
0x24: {  	s3 =	sadd.s32 $0x88, s3;
	s6 =	simm.s32 @!p1 $0x1082;
	[sflag:s4] =	ssyncset.s32 $0xFFFFF086  }
0x25: {  	[simem:s6], [sflag:s4] =	dma.local [hbm:s3], $0xF7A  }
0x26: {  	[smem:$0x3F9F] =	sst s1;
	(tag) =	ssettag s2;
	_ =	strace s9  }
0x27: {  	s1 =	sld [smem:$0x3FAF]  }
0x28: {  	s2 =	sld [smem:$0x3FB0]  }
0x29: {  	s4 =	sld [smem:$0x3FB2]  }
0x2a: {  	p0 =	seq.s32 s5, $0x0;
	s5 =	sld [smem:$0x3FB3]  }
0x2b: {  	s6 =	sld [smem:$0x3FB4]  }
0x2c: {  	s7 =	sld [smem:$0x3FB5]  }
0x2d: {  	s3 =	simm.s32 $0x108;
	s8 =	sld [smem:$0x3FB6]  }
0x2e: {  	s3 =	simm.s32 @!p0 $0x1082;
	s9 =	sld [smem:$0x3FB7]  }
0x2f: {  	lr =	sadd.s32 s0, s3;
	s0 =	sld [smem:$0x3FAE]  }
0x30: {  	s3 =	sld [smem:$0x3FB1]  }
0x31: {  	[smem:$0x3FBA] =	sst s10  }
0x32: {  	s10 =	sld [smem:$0x3FB8];
	_ =	sdelay $0x3  }
0x33: {  	p0 =	seq.s32 s10, $0x1;
	s10 =	sld [smem:$0x3FBA];
	_ =	sdelay $0x3  }
0x34: {  	[smem:$0x3FBA] =	sst s10  }
0x35: {  	s10 =	sld [smem:$0x3FB9];
	_ =	sdelay $0x3  }
0x36: {  	p1 =	seq.s32 s10, $0x1;
	s10 =	sld [smem:$0x3FBA];
	_ =	sdelay $0x3  }
0x37: {  	[smem:$0x3FBA] =	sst s10  }
0x38: {  	s10 =	sld [smem:$0x3FBB]  }
0x39: {  	_ = 	snop;
	(pc) =	sbr.ind lr, $3  }
0x3a: {  	_ = 	snop  }
0x3b: {  	_ = 	snop  }
0x3c: {  	p2 =	seq.s32 s10, $0x1;
	s10 =	sld [smem:$0x3FBA]  }
0x3d: {  	_ =	shalt  }
0x3e: {  	_ =	shalt  }
0x3f: {  	_ =	shalt  }
0x40: {  	_ =	shalt  }
0x41: {  	_ =	shalt  }
0x42: {  	_ =	shalt  }
0x43: {  	_ =	shalt  }
0x44: {  	_ =	shalt  }
0x45: {  	_ =	shalt  }
0x46: {  	_ =	shalt  }
0x47: {  	_ =	shalt  }
0x48: {  	_ =	shalt  }
0x49: {  	_ =	shalt  }
0x4a: {  	_ =	shalt  }
0x4b: {  	_ =	shalt  }
0x4c: {  	_ =	shalt  }
0x4d: {  	_ =	shalt  }
0x4e: {  	_ =	shalt  }
0x4f: {  	_ =	shalt  }
0x50: {  	_ =	shalt  }
0x51: {  	_ =	shalt  }
0x52: {  	_ =	shalt  }
0x53: {  	_ =	shalt  }
0x54: {  	_ =	shalt  }
0x55: {  	_ =	shalt  }
0x56: {  	_ =	shalt  }
0x57: {  	_ =	shalt  }
0x58: {  	_ =	shalt  }
0x59: {  	_ =	shalt  }
0x5a: {  	_ =	shalt  }
0x5b: {  	_ =	shalt  }
0x5c: {  	_ =	shalt  }
0x5d: {  	_ =	shalt  }
0x5e: {  	_ =	shalt  }
0x5f: {  	_ =	shalt  }
0x60: {  	_ =	shalt  }
0x61: {  	_ =	shalt  }
0x62: {  	_ =	shalt  }
0x63: {  	_ =	shalt  }
0x64: {  	_ =	shalt  }
0x65: {  	_ =	shalt  }
0x66: {  	_ =	shalt  }
0x67: {  	_ =	shalt  }
0x68: {  	_ =	shalt  }
0x69: {  	_ =	shalt  }
0x6a: {  	_ =	shalt  }
0x6b: {  	_ =	shalt  }
0x6c: {  	_ =	shalt  }
0x6d: {  	_ =	shalt  }
0x6e: {  	_ =	shalt  }
0x6f: {  	_ =	shalt  }
0x70: {  	_ =	shalt  }
0x71: {  	_ =	shalt  }
0x72: {  	_ =	shalt  }
0x73: {  	_ =	shalt  }
0x74: {  	_ =	shalt  }
0x75: {  	_ =	shalt  }
0x76: {  	_ =	shalt  }
0x77: {  	_ =	shalt  }
0x78: {  	_ =	shalt  }
0x79: {  	_ =	shalt  }
0x7a: {  	_ =	shalt  }
0x7b: {  	_ =	shalt  }
0x7c: {  	_ =	shalt  }
0x7d: {  	_ =	shalt  }
0x7e: {  	_ =	shalt  }
0x7f: {  	_ =	shalt  }
0x80: {  	_ =	shalt  }
0x81: {  	_ =	shalt  }
0x82: {  	_ =	shalt  }
0x83: {  	_ =	shalt  }
0x84: {  	_ =	shalt  }
0x85: {  	_ =	shalt  }
0x86: {  	_ =	shalt  }
0x87: {  	_ =	shalt  }
.Lfunc_end0:
.L_simem_size_0:
called_computation_lowered:
.L_overlay_start_0:
0x88: {  	s2 =	sld [smem:$0x3FD9]  }
0x89: {  	s3 =	sld [smem:$0x3FFE];
	_ =	sdelay $0x1  }
0x8a: {  	s1 =	srdreg.scid  }
0x8b: {  	s0 =	sand.u32 $0x1, s1  }
0x8c: {  	s18 =	sshll.u32 s0, $0xA;
	s2 =	sadd.s32 s3, s2  }
0x8d: {  	s2 =	sadd.s32 s2, s18  }
0x8e: {  	[smem:$0x3FC6] =	sst s2  }
0x8f: {  	_ = 	snop  }
0x90: {  	s2 =	sld [smem:$0x3FC9]  }
0x91: {  	s19 =	sld [smem:$0x3FC8]  }
0x92: {  	s4 =	sld [smem:$0x3FD0];
	(tm) =	ssettm $0x1  }
0x93: {  	s5 =	sld [smem:$0x3FFB];
	_ =	sdelay $0x3  }
0x94: {  	_ =	strace s5  }
0x95: {  	s5 =	sld [smem:$0x3FFC];
	_ =	sdelay $0x3  }
0x96: {  	_ =	strace s5  }
0x97: {  	s5 =	sld [smem:$0x3FFD];
	_ =	sdelay $0x3  }
0x98: {  	_ =	strace s5  }
0x99: {  	_ =	strace $0x8FFFFFFF  }
0x9a: {  	s20 =	sld [smem:$0x3FDB];
	_ =	sdelay $0x1  }
0x9b: {  	s6 =	simm.s32 $_scs_section_size  }
0x9c: {  	s7 =	simm.s32 $_size__tile_overlayer_lowered;
	s8 =	simm.s32 $_tile_overlayer_lowered  }
0x9d: {  	s23 =	simm.s32 $0x1BFF;
	s22 =	sshll.u32 s8, $0x1;
	s5 =	sadd.s32 s6, s20  }
0x9e: {  	s9 =	simm.s32 $0x0;
	s21 =	sshll.u32 s7, $0x1;
	s7 =	sadd.s32 s22, s5  }
0x9f: {  	[timem:s9], [sflag:s23] =	dma.local [hbm:s7], s21  }
0xa0: {  	_ =	swait.ge [sflag:s23], s21  }
0xa1: {  	s6 =	ssub.s32 $0x0, s21;
	[sflag:s23] =	ssyncset.done $0x0  }
0xa2: {  	[sflag:s23] =	ssyncadd.s32 s6;
	_ =	sdelay $0x1  }
0xa3: {  	s24 =	simm.s32 $0x1B8B  }
0xa4: {  	_ =	swait.ge [sflag:s24], $0x1  }
0xa5: {  	[sflag:s24] =	ssyncset.done $0x0  }
0xa6: {  	s25 =	simm.s32 $0x1B8E;
	[sflag:s24] =	ssyncadd.s32 $0xFFFFFFFF  }
0xa7: {  	s26 =	simm.s32 $execute0_lowered;
	[smem:$0x3FD2] =	sst s25  }
0xa8: {  	s6 =	sshll.u32 s26, $0x1;
	_ =	strace $0x80000046;
	[dreg:$0x1] =	wrdreg $0xFFFFFFFF  }
0xa9: {  	s28 =	simm.s32 $_size_execute0_lowered;
	s5 =	sadd.s32 s5, s6;
	[dreg:$0x0] =	wrdreg $0x0  }
0xaa: {  	s6 =	sshll.u32 s28, $0x1;
	[dreg:$0x2] =	wrdreg s5  }
0xab: {  	[dreg:$0x3] =	wrdreg s6  }
0xac: {  	[dreg:$0x4] =	wrdreg $0xC0  }
0xad: {  	_ =	task [dreg:s9], $0x5FFFF  }
0xae: {  	[dreg:$0x1] =	wrdreg $0xFFFFFFFF  }
0xaf: {  	[dreg:$0x0] =	wrdreg $0x60  }
0xb0: {  	[dreg:$0x2] =	wrdreg s2  }
0xb1: {  	[dreg:$0x3] =	wrdreg s19  }
0xb2: {  	[dreg:$0x4] =	wrdreg s4  }
0xb3: {  	[dreg:$0x5] =	wrdreg $0x9  }
0xb4: {  	_ =	task.clear_ibuf [dreg:s9], $0x6FFFF;
	_ =	strace $0x90000046  }
0xb5: {  	s29 =	simm.s32 $0x9;
	_ =	strace $0x80000048  }
0xb6: {  	_ =	swait.ge [sflag:s29], $0x1  }
0xb7: {  	[sflag:s29] =	ssyncadd.s32 $0xFFFFFFFF  }
0xb8: {  	_ =	strace $0x90000048  }
0xb9: {  	_ =	sfence  }
0xba: {  	s30 =	sld [smem:$0x0];
	_ =	sdelay $0x2  }
0xbb: {  	s31 =	sshll.u32 s1, $0xD;
	s1 =	sshrl.u32 s1, $0x2  }
0xbc: {  	s3 =	sand.u32 $0x4000, s31;
	s1 =	sadd.s32 s1, s30  }
0xbd: {  	s0 =	sor.u32 s3, s0;
	s1 =	sshll.u32 s1, $0x11  }
0xbe: {  	s0 =	sor.u32 s1, s0  }
0xbf: {  	s0 =	sadd.s32 $0x8F2B, s0  }
0xc0: {  	[sflag:s0] =	ssyncadd.remote.s32 $0x1  }
0xc1: {  	_ =	sfence.sel $0xFFFF  }
0xc2: {  	[dreg:$0x0] =	wrdreg $0xFFFFFFFF;
	(pc) =	sbr.abs _section_cstart, $3  }
0xc3: {  	[dreg:$0x1] =	wrdreg $0xFFFFFFFF  }
0xc4: {  	_ =	task.clear_ibuf [dreg:s9], $0x2FFFF;
	_ =	strace $0x9FFFFFFF  }
0xc5: {  	(tm) =	ssettm $0x7FFFFFFF  }
tec
execute0_lowered:
.L_overlay_start_1:
0x0: {  	(tag) =	ssettag $0x1  }
0x1: {  	s12 =	rddreg [dreg:$0x0]  }
0x2: {  	s2 =	rddreg [dreg:$0x1]  }
0x3: {  	s0 =	rddreg [dreg:$0x2];
	s3 =	simm.s32 $0x0  }
0x4: {  	[smem:$0x7FF] =	sst s3;
	s16 =	sadd.s32 $0x100, s12  }
0x5: {  	s17 =	sadd.s32 $0x10, s12;
	_ =	strace $0x80000047;
	[dreg:$0x4] =	wrdreg s16  }
0x6: {  	s18 =	sadd.s32 $0x20, s12;
	[dreg:$0x7] =	wrdreg s17  }
0x7: {  	s19 =	sadd.s32 $0x30, s12;
	[dreg:$0x8] =	wrdreg s18  }
0x8: {  	s20 =	sadd.s32 $0x40, s12;
	[dreg:$0x9] =	wrdreg s19  }
0x9: {  	s21 =	sadd.s32 $0x50, s12;
	[dreg:$0xa] =	wrdreg s20  }
0xa: {  	s22 =	sadd.s32 $0x60, s12;
	[dreg:$0xb] =	wrdreg s21  }
0xb: {  	s23 =	sadd.s32 $0x70, s12;
	[dreg:$0xc] =	wrdreg s22  }
0xc: {  	s24 =	sadd.s32 $0x80, s12;
	[dreg:$0xd] =	wrdreg s23  }
0xd: {  	s1 =	srdreg.scid;
	s26 =	sadd.s32 $0x90, s12;
	[dreg:$0xe] =	wrdreg s24  }
0xe: {  	s14 =	stileid.u32;
	s29 =	sadd.s32 $0xA0, s12;
	[dreg:$0xf] =	wrdreg s26  }
0xf: {  	s28 =	simm.s32 $0x0;
	s30 =	sadd.s32 $0xB0, s12;
	[dreg:$0x10] =	wrdreg s29  }
0x10: {  	s15 =	sshll.u32 s14, $0xA;
	s31 =	sadd.s32 $0xC0, s12;
	[dreg:$0x11] =	wrdreg s30  }
0x11: {  	s25 =	sshll.u32 s14, $0x10;
	s14 =	sadd.s32 $0x110, s12;
	[dreg:$0x12] =	wrdreg s31  }
0x12: {  	s1 =	sand.u32 $0x1, s1;
	[dreg:$0x16] =	wrdreg s14;
	s16 =	sadd.s32 $0x130, s12  }
0x13: {  	s7 =	sadd.s32 $0x300, s12;
	s17 =	sadd.s32 $0x140, s12;
	[dreg:$0x18] =	wrdreg s16  }
0x14: {  	s8 =	sadd.s32 $0x400, s12;
	s18 =	sadd.s32 $0x150, s12;
	[dreg:$0x19] =	wrdreg s17  }
0x15: {  	s9 =	sadd.s32 $0x500, s12;
	s19 =	sadd.s32 $0x160, s12;
	[dreg:$0x1a] =	wrdreg s18  }
0x16: {  	s10 =	sadd.s32 $0x600, s12;
	s20 =	sadd.s32 $0x170, s12;
	[dreg:$0x1b] =	wrdreg s19  }
0x17: {  	s11 =	sadd.s32 $0x700, s12;
	s21 =	sadd.s32 $0x180, s12;
	[dreg:$0x1c] =	wrdreg s20  }
0x18: {  	s13 =	sadd.s32 $0x100, s2;
	s22 =	sadd.s32 $0x190, s12;
	[dreg:$0x1d] =	wrdreg s21  }
0x19: {  	s4 =	ssub.s32 $0x2, s1;
	s23 =	sadd.s32 $0x1A0, s12;
	[dreg:$0x1e] =	wrdreg s22  }
0x1a: {  	s0 =	sadd.s32 s25, s0;
	s25 =	sadd.s32 $0x1B0, s12;
	[dreg:$0x1f] =	wrdreg s23  }
0x1b: {  	s6 =	sshll.u32 s1, $0x9;
	s26 =	sadd.s32 $0x1C0, s12;
	[smem:$0x7F9] =	sst s25  }
0x1c: {  	s1 =	sshll.u32 s1, $0xF;
	s29 =	sadd.s32 $0x1D0, s12;
	[smem:$0x7FA] =	sst s26  }
0x1d: {  	s30 =	sadd.s32 $0x1E0, s12;
	s31 =	sadd.s32 $0x1F0, s12;
	[smem:$0x7FB] =	sst s29  }
0x1e: {  	s14 =	simm.s32 $0x19580;
	s5 =	sshrl.u32 s4, $0x1;
	[smem:$0x7FC] =	sst s30  }
0x1f: {  	s24 =	sadd.s32 s1, s0;
	s1 =	sadd.s32 $0xD0, s12;
	[smem:$0x7FD] =	sst s31  }
0x20: {  	s16 =	simm.s32 $0x1;
	s17 =	simm.s32 $0x2;
	s18 =	simm.s32 $0x19B00  }
0x21: {  	s19 =	simm.s32 $0x1AB00;
	s20 =	simm.s32 $0x1BB00;
	s21 =	simm.s32 $0x1CB00  }
0x22: {  	s22 =	simm.s32 $0x1D300;
	s23 =	simm.s32 $0x3;
	s25 =	simm.s32 $0x4  }
0x23: {  	s26 =	simm.s32 $0x6;
	s4 =	ssub.s32 s4, s5;
	s5 =	sor.u32 s6, s15  }
0x24: {  	s6 =	sadd.s32 $0x200, s12;
	[dreg:$0x13] =	wrdreg s1;
	s15 =	sadd.s32 $0x120, s12  }
0x25: {  	s5 =	sshrl.u32 s5, $0x3;
	s4 =	smax.u32 s4, $0x1;
	[dreg:$0x17] =	wrdreg s15  }
0x26: {  	s1 =	simm.s32 $0x5;
	s5 =	sadd.s32 s12, s5;
	[dreg:$0x6] =	wrdreg s4  }
0x27: {  	v0 =	vlaneseq.u32;
	s15 =	simm.s32 $0x19680;
	s4 =	sadd.s32 $0xE0, s12;
	[dreg:$0x5] =	wrdreg s5  }
0x28: {  	v2 =	vshrl.u32 v0, $0x3;
	[dreg:$0x14] =	wrdreg s4;
	s5 =	sadd.s32 $0xF0, s12;
	s4 =	simm.s32 $0x18700  }
0x29: {  	vm0 =	vmmov $0xffff;
	v1 =	vand.u32 $0x7, v0;
	v2 =	vmul.u32 $0x8, v2;
	s12 =	simm.s32 $0x19480;
	[dreg:$0x15] =	wrdreg s5;
	s5 =	simm.s32 $0x19380  }
.LBB2_1:
0x2a: {  	s0 =	rddreg [dreg:$0x0]  }
0x2b: {  	[tilespmem:s4], [sflag:$0x1] =	stream.linear.gather [hbm4b:s0+s3], $0x80, $0x38;
	[tilespmem:$0x1DB00] =	vst v63  }
0x2c: {  	s0 =	rddreg [dreg:$0x7];
	s4 =	simm.s32 $0x18800  }
0x2d: {  	[tilespmem:s4], [sflag:$0x1] =	stream.linear.gather [hbm4b:s0+s3], $0x80, $0x38;
	[tilespmem:$0x1DB00] =	vst v63  }
0x2e: {  	s0 =	rddreg [dreg:$0x8];
	s4 =	simm.s32 $0x18900  }
0x2f: {  	[tilespmem:s4], [sflag:$0x1] =	stream.linear.gather [hbm4b:s0+s3], $0x80, $0x38;
	[tilespmem:$0x1DB00] =	vst v63  }
0x30: {  	s0 =	rddreg [dreg:$0x9];
	s4 =	simm.s32 $0x18A00  }
0x31: {  	[tilespmem:s4], [sflag:$0x1] =	stream.linear.gather [hbm4b:s0+s3], $0x80, $0x38;
	[tilespmem:$0x1DB00] =	vst v63  }
0x32: {  	s0 =	rddreg [dreg:$0xa];
	s4 =	simm.s32 $0x18B00  }
0x33: {  	[tilespmem:s4], [sflag:$0x1] =	stream.linear.gather [hbm4b:s0+s3], $0x80, $0x38;
	[tilespmem:$0x1DB00] =	vst v63  }
0x34: {  	s0 =	rddreg [dreg:$0xb];
	s4 =	simm.s32 $0x18C00  }
0x35: {  	[tilespmem:s4], [sflag:$0x1] =	stream.linear.gather [hbm4b:s0+s3], $0x80, $0x38;
	[tilespmem:$0x1DB00] =	vst v63  }
0x36: {  	s0 =	rddreg [dreg:$0xc];
	s4 =	simm.s32 $0x18D00  }
0x37: {  	[tilespmem:s4], [sflag:$0x1] =	stream.linear.gather [hbm4b:s0+s3], $0x80, $0x38;
	[tilespmem:$0x1DB00] =	vst v63  }
0x38: {  	s0 =	rddreg [dreg:$0xd];
	s4 =	simm.s32 $0x18E00  }
0x39: {  	[tilespmem:s4], [sflag:$0x1] =	stream.linear.gather [hbm4b:s0+s3], $0x80, $0x38;
	[tilespmem:$0x1DB00] =	vst v63  }
0x3a: {  	s0 =	rddreg [dreg:$0xe];
	s4 =	simm.s32 $0x18F00  }
0x3b: {  	[tilespmem:s4], [sflag:$0x1] =	stream.linear.gather [hbm4b:s0+s3], $0x80, $0x38;
	[tilespmem:$0x1DB00] =	vst v63  }
0x3c: {  	s0 =	rddreg [dreg:$0xf];
	s4 =	simm.s32 $0x19000  }
0x3d: {  	[tilespmem:s4], [sflag:$0x1] =	stream.linear.gather [hbm4b:s0+s3], $0x80, $0x38;
	[tilespmem:$0x1DB00] =	vst v63  }
0x3e: {  	s0 =	rddreg [dreg:$0x10];
	s4 =	simm.s32 $0x19100  }
0x3f: {  	[tilespmem:s4], [sflag:$0x1] =	stream.linear.gather [hbm4b:s0+s3], $0x80, $0x38;
	[tilespmem:$0x1DB00] =	vst v63  }
0x40: {  	s0 =	rddreg [dreg:$0x11];
	s4 =	simm.s32 $0x19200  }
0x41: {  	[tilespmem:s4], [sflag:$0x1] =	stream.linear.gather [hbm4b:s0+s3], $0x80, $0x38;
	[tilespmem:$0x1DB00] =	vst v63  }
0x42: {  	s0 =	rddreg [dreg:$0x12];
	s4 =	simm.s32 $0x19300  }
0x43: {  	[tilespmem:s4], [sflag:$0x1] =	stream.linear.gather [hbm4b:s0+s3], $0x80, $0x38;
	[tilespmem:$0x1DB00] =	vst v63  }
0x44: {  	s0 =	rddreg [dreg:$0x13];
	s4 =	simm.s32 $0x19400  }
0x45: {  	[tilespmem:s4], [sflag:$0x1] =	stream.linear.gather [hbm4b:s0+s3], $0x80, $0x38;
	[tilespmem:$0x1DB00] =	vst v63  }
0x46: {  	s0 =	rddreg [dreg:$0x14];
	s4 =	simm.s32 $0x19500  }
0x47: {  	[tilespmem:s4], [sflag:$0x1] =	stream.linear.gather [hbm4b:s0+s3], $0x80, $0x38;
	[tilespmem:$0x1DB00] =	vst v63  }
0x48: {  	s0 =	rddreg [dreg:$0x15];
	s4 =	simm.s32 $0x19600  }
0x49: {  	[tilespmem:s4], [sflag:$0x1] =	stream.linear.gather [hbm4b:s0+s3], $0x80, $0x38;
	[tilespmem:$0x1DB00] =	vst v63  }
0x4a: {  	s0 =	rddreg [dreg:$0x4];
	s4 =	simm.s32 $0x18780  }
0x4b: {  	[tilespmem:s4], [sflag:$0x2] =	stream.linear.gather [hbm4b:s0+s3], $0x80, $0x38;
	[tilespmem:$0x1DB00] =	vst v63  }
0x4c: {  	s0 =	rddreg [dreg:$0x16];
	s4 =	simm.s32 $0x18880  }
0x4d: {  	[tilespmem:s4], [sflag:$0x2] =	stream.linear.gather [hbm4b:s0+s3], $0x80, $0x38;
	[tilespmem:$0x1DB00] =	vst v63  }
0x4e: {  	s0 =	rddreg [dreg:$0x17];
	s4 =	simm.s32 $0x18980  }
0x4f: {  	[tilespmem:s4], [sflag:$0x2] =	stream.linear.gather [hbm4b:s0+s3], $0x80, $0x38;
	[tilespmem:$0x1DB00] =	vst v63  }
0x50: {  	s0 =	rddreg [dreg:$0x18];
	s4 =	simm.s32 $0x18A80  }
0x51: {  	[tilespmem:s4], [sflag:$0x2] =	stream.linear.gather [hbm4b:s0+s3], $0x80, $0x38;
	[tilespmem:$0x1DB00] =	vst v63  }
0x52: {  	s0 =	rddreg [dreg:$0x19];
	s4 =	simm.s32 $0x18B80  }
0x53: {  	[tilespmem:s4], [sflag:$0x2] =	stream.linear.gather [hbm4b:s0+s3], $0x80, $0x38;
	[tilespmem:$0x1DB00] =	vst v63  }
0x54: {  	s0 =	rddreg [dreg:$0x1a];
	s4 =	simm.s32 $0x18C80  }
0x55: {  	[tilespmem:s4], [sflag:$0x2] =	stream.linear.gather [hbm4b:s0+s3], $0x80, $0x38;
	[tilespmem:$0x1DB00] =	vst v63  }
0x56: {  	s0 =	rddreg [dreg:$0x1b];
	s4 =	simm.s32 $0x18D80  }
0x57: {  	[tilespmem:s4], [sflag:$0x2] =	stream.linear.gather [hbm4b:s0+s3], $0x80, $0x38;
	[tilespmem:$0x1DB00] =	vst v63  }
0x58: {  	s0 =	rddreg [dreg:$0x1c];
	s4 =	simm.s32 $0x18E80  }
0x59: {  	[tilespmem:s4], [sflag:$0x2] =	stream.linear.gather [hbm4b:s0+s3], $0x80, $0x38;
	[tilespmem:$0x1DB00] =	vst v63  }
0x5a: {  	s0 =	rddreg [dreg:$0x1d];
	s4 =	simm.s32 $0x18F80  }
0x5b: {  	[tilespmem:s4], [sflag:$0x2] =	stream.linear.gather [hbm4b:s0+s3], $0x80, $0x38;
	[tilespmem:$0x1DB00] =	vst v63  }
0x5c: {  	s0 =	rddreg [dreg:$0x1e];
	s4 =	simm.s32 $0x19080  }
0x5d: {  	[tilespmem:s4], [sflag:$0x2] =	stream.linear.gather [hbm4b:s0+s3], $0x80, $0x38;
	[tilespmem:$0x1DB00] =	vst v63  }
0x5e: {  	s0 =	rddreg [dreg:$0x1f];
	s4 =	simm.s32 $0x19180  }
0x5f: {  	[tilespmem:s4], [sflag:$0x2] =	stream.linear.gather [hbm4b:s0+s3], $0x80, $0x38;
	[tilespmem:$0x1DB00] =	vst v63  }
0x60: {  	s0 =	sld [smem:$0x7F9];
	_ =	sdelay $0x1  }
0x61: {  	s4 =	simm.s32 $0x19280  }
0x62: {  	[tilespmem:s4], [sflag:$0x2] =	stream.linear.gather [hbm4b:s0+s3], $0x80, $0x38;
	[tilespmem:$0x1DB00] =	vst v63  }
0x63: {  	s4 =	sld [smem:$0x7FA];
	_ =	sdelay $0x2  }
0x64: {  	[tilespmem:s5], [sflag:$0x2] =	stream.linear.gather [hbm4b:s4+s3], $0x80, $0x38;
	[tilespmem:$0x1DB00] =	vst v63  }
0x65: {  	s4 =	sld [smem:$0x7FB];
	_ =	sdelay $0x2  }
0x66: {  	[tilespmem:s12], [sflag:$0x2] =	stream.linear.gather [hbm4b:s4+s3], $0x80, $0x38;
	[tilespmem:$0x1DB00] =	vst v63  }
0x67: {  	s4 =	sld [smem:$0x7FC];
	_ =	sdelay $0x2  }
0x68: {  	[tilespmem:s14], [sflag:$0x2] =	stream.linear.gather [hbm4b:s4+s3], $0x80, $0x38;
	[tilespmem:$0x1DB00] =	vst v63  }
0x69: {  	s4 =	sld [smem:$0x7FD];
	_ =	sdelay $0x2  }
0x6a: {  	[tilespmem:s15], [sflag:$0x2] =	stream.linear.gather [hbm4b:s4+s3], $0x80, $0x38;
	[tilespmem:$0x1DB00] =	vst v63  }
0x6b: {  	_ =	swait.ge [sflag:s16], $0x800  }
0x6c: {  	s29 =	simm.s32 $0xFFFFFFFE;
	[sflag:s16] =	ssyncset.done $0x0  }
0x6d: {  	s30 =	simm.s32 $0x18740;
	s31 =	simm.s32 $0x0;
	[sflag:s16] =	ssyncadd.s32 $0xFFFFF800  }
.LBB2_2:
0x6e: {  	v3 =	vld [tilespmem:s30+$0xFFFFFFC0]  }
0x6f: {  	v4 =	vld [tilespmem:s30+$0xFFFFFFD0]  }
0x70: {  	v5 =	vld [tilespmem:s30+$0xFFFFFFE0]  }
0x71: {  	v6 =	vld [tilespmem:s30+$0xFFFFFFF0];
	_ =	sdelay $0x3  }
0x72: {  	s0 =	sadd.s32 $0x10, s31;
	v7 =	vor.u32 s31, v0  }
0x73: {  	s4 =	sadd.s32 $0x20, s31;
	[tilespmem:v3+s3+$0x0] =	vst.idx.msk $0xffff, v7;
	v3 =	vor.u32 s0, v0  }
0x74: {  	s0 =	sadd.s32 $0x30, s31;
	[tilespmem:v4+s3+$0x0] =	vst.idx.msk $0xffff, v3;
	v3 =	vor.u32 s4, v0  }
0x75: {  	[tilespmem:v5+s3+$0x0] =	vst.idx.msk $0xffff, v3;
	v3 =	vor.u32 s0, v0  }
0x76: {  	[tilespmem:v6+s3+$0x0] =	vst.idx.msk $0xffff, v3  }
0x77: {  	v3 =	vld [tilespmem:s30+$0x0]  }
0x78: {  	v4 =	vld [tilespmem:s30+$0x10]  }
0x79: {  	v5 =	vld [tilespmem:s30+$0x20]  }
0x7a: {  	v6 =	vld [tilespmem:s30+$0x30];
	_ =	sdelay $0x1  }
0x7b: {  	s29 =	sadd.s32 $0x2, s29  }
0x7c: {  	p0 =	slt.u32 s29, $0x1E;
	s0 =	sadd.s32 $0x40, s31  }
.Ltmp0:
0x7d: {  	s4 =	sadd.s32 $0x50, s31;
	v63 =	vor.u32 s0, v0;
	(pc) =	sbr.rel @p0 .LBB2_2-.Ltmp0, $4  }
0x7e: {  	s0 =	sadd.s32 $0x60, s31;
	[tilespmem:v3+s3+$0x0] =	vst.idx.msk $0xffff, v63;
	v3 =	vor.u32 s4, v0  }
0x7f: {  	s4 =	sadd.s32 $0x70, s31;
	[tilespmem:v4+s3+$0x0] =	vst.idx.msk $0xffff, v3;
	v3 =	vor.u32 s0, v0  }
0x80: {  	[tilespmem:v5+s3+$0x0] =	vst.idx.msk $0xffff, v3;
	v3 =	vor.u32 s4, v0  }
0x81: {  	s30 =	sadd.s32 $0x100, s30;
	s31 =	sadd.s32 $0x80, s31;
	[tilespmem:v6+s3+$0x0] =	vst.idx.msk $0xffff, v3  }
0x82: {  	s4 =	simm.s32 $0x18700  }
0x83: {  	[tilespmem:s4], [sflag:$0x1] =	stream.linear.gather [hbm4b:s6+s3], $0x80, $0x38;
	[tilespmem:$0x1DB00] =	vst v63  }
0x84: {  	s0 =	sadd.s32 $0x10, s6;
	s29 =	simm.s32 $0x18800  }
0x85: {  	[tilespmem:s29], [sflag:$0x1] =	stream.linear.gather [hbm4b:s0+s3], $0x80, $0x38;
	[tilespmem:$0x1DB00] =	vst v63  }
0x86: {  	s0 =	sadd.s32 $0x20, s6;
	s29 =	simm.s32 $0x18900  }
0x87: {  	[tilespmem:s29], [sflag:$0x1] =	stream.linear.gather [hbm4b:s0+s3], $0x80, $0x38;
	[tilespmem:$0x1DB00] =	vst v63  }
0x88: {  	s0 =	sadd.s32 $0x30, s6;
	s29 =	simm.s32 $0x18A00  }
0x89: {  	[tilespmem:s29], [sflag:$0x1] =	stream.linear.gather [hbm4b:s0+s3], $0x80, $0x38;
	[tilespmem:$0x1DB00] =	vst v63  }
0x8a: {  	s0 =	sadd.s32 $0x40, s6;
	s29 =	simm.s32 $0x18B00  }
0x8b: {  	[tilespmem:s29], [sflag:$0x1] =	stream.linear.gather [hbm4b:s0+s3], $0x80, $0x38;
	[tilespmem:$0x1DB00] =	vst v63  }
0x8c: {  	s0 =	sadd.s32 $0x50, s6;
	s29 =	simm.s32 $0x18C00  }
0x8d: {  	[tilespmem:s29], [sflag:$0x1] =	stream.linear.gather [hbm4b:s0+s3], $0x80, $0x38;
	[tilespmem:$0x1DB00] =	vst v63  }
0x8e: {  	s0 =	sadd.s32 $0x60, s6;
	s29 =	simm.s32 $0x18D00  }
0x8f: {  	[tilespmem:s29], [sflag:$0x1] =	stream.linear.gather [hbm4b:s0+s3], $0x80, $0x38;
	[tilespmem:$0x1DB00] =	vst v63  }
0x90: {  	s0 =	sadd.s32 $0x70, s6;
	s29 =	simm.s32 $0x18E00  }
0x91: {  	[tilespmem:s29], [sflag:$0x1] =	stream.linear.gather [hbm4b:s0+s3], $0x80, $0x38;
	[tilespmem:$0x1DB00] =	vst v63  }
0x92: {  	s0 =	sadd.s32 $0x80, s6;
	s29 =	simm.s32 $0x18F00  }
0x93: {  	[tilespmem:s29], [sflag:$0x1] =	stream.linear.gather [hbm4b:s0+s3], $0x80, $0x38;
	[tilespmem:$0x1DB00] =	vst v63  }
0x94: {  	s0 =	sadd.s32 $0x90, s6;
	s29 =	simm.s32 $0x19000  }
0x95: {  	[tilespmem:s29], [sflag:$0x1] =	stream.linear.gather [hbm4b:s0+s3], $0x80, $0x38;
	[tilespmem:$0x1DB00] =	vst v63  }
0x96: {  	s0 =	sadd.s32 $0xA0, s6;
	s29 =	simm.s32 $0x19100  }
0x97: {  	[tilespmem:s29], [sflag:$0x1] =	stream.linear.gather [hbm4b:s0+s3], $0x80, $0x38;
	[tilespmem:$0x1DB00] =	vst v63  }
0x98: {  	s0 =	sadd.s32 $0xB0, s6;
	s29 =	simm.s32 $0x19200  }
0x99: {  	[tilespmem:s29], [sflag:$0x1] =	stream.linear.gather [hbm4b:s0+s3], $0x80, $0x38;
	[tilespmem:$0x1DB00] =	vst v63  }
0x9a: {  	s0 =	sadd.s32 $0xC0, s6;
	s29 =	simm.s32 $0x19300  }
0x9b: {  	[tilespmem:s29], [sflag:$0x1] =	stream.linear.gather [hbm4b:s0+s3], $0x80, $0x38;
	[tilespmem:$0x1DB00] =	vst v63  }
0x9c: {  	s0 =	sadd.s32 $0xD0, s6;
	s29 =	simm.s32 $0x19400  }
0x9d: {  	[tilespmem:s29], [sflag:$0x1] =	stream.linear.gather [hbm4b:s0+s3], $0x80, $0x38;
	[tilespmem:$0x1DB00] =	vst v63  }
0x9e: {  	s0 =	sadd.s32 $0xE0, s6;
	s29 =	simm.s32 $0x19500  }
0x9f: {  	[tilespmem:s29], [sflag:$0x1] =	stream.linear.gather [hbm4b:s0+s3], $0x80, $0x38;
	[tilespmem:$0x1DB00] =	vst v63  }
0xa0: {  	s0 =	sadd.s32 $0xF0, s6;
	s29 =	simm.s32 $0x19600  }
0xa1: {  	[tilespmem:s29], [sflag:$0x1] =	stream.linear.gather [hbm4b:s0+s3], $0x80, $0x38;
	[tilespmem:$0x1DB00] =	vst v63  }
0xa2: {  	_ =	swait.ge [sflag:s17], $0x800  }
0xa3: {  	s30 =	simm.s32 $0x800;
	[sflag:s17] =	ssyncset.done $0x0  }
0xa4: {  	s31 =	simm.s32 $0x187F0;
	s29 =	simm.s32 $0xFFFFFFFE;
	[sflag:s17] =	ssyncadd.s32 $0xFFFFF800  }
.LBB2_4:
0xa5: {  	v3 =	vld [tilespmem:s31+$0xFFFFFF90]  }
0xa6: {  	v4 =	vld [tilespmem:s31+$0xFFFFFFA0]  }
0xa7: {  	v5 =	vld [tilespmem:s31+$0xFFFFFFB0]  }
0xa8: {  	v6 =	vld [tilespmem:s31+$0xFFFFFFC0];
	_ =	sdelay $0x3  }
0xa9: {  	v7 =	vor.u32 s30, v0;
	s0 =	sadd.s32 $0x10, s30  }
0xaa: {  	[tilespmem:v3+s3+$0x0] =	vst.idx.msk $0xffff, v7;
	v3 =	vor.u32 s0, v0;
	s0 =	sadd.s32 $0x20, s30  }
0xab: {  	[tilespmem:v4+s3+$0x0] =	vst.idx.msk $0xffff, v3;
	v3 =	vor.u32 s0, v0;
	s0 =	sadd.s32 $0x30, s30  }
0xac: {  	[tilespmem:v5+s3+$0x0] =	vst.idx.msk $0xffff, v3;
	v3 =	vor.u32 s0, v0  }
0xad: {  	[tilespmem:v6+s3+$0x0] =	vst.idx.msk $0xffff, v3  }
0xae: {  	v3 =	vld [tilespmem:s31+$0xFFFFFFD0]  }
0xaf: {  	v4 =	vld [tilespmem:s31+$0xFFFFFFE0]  }
0xb0: {  	v5 =	vld [tilespmem:s31+$0xFFFFFFF0]  }
0xb1: {  	v6 =	vld [tilespmem:s31+$0x0];
	_ =	sdelay $0x1  }
0xb2: {  	s29 =	sadd.s32 $0x2, s29  }
0xb3: {  	p0 =	slt.u32 s29, $0x1E;
	s0 =	sadd.s32 $0x40, s30  }
.Ltmp1:
0xb4: {  	v63 =	vor.u32 s0, v0;
	s0 =	sadd.s32 $0x50, s30;
	(pc) =	sbr.rel @p0 .LBB2_4-.Ltmp1, $4  }
0xb5: {  	[tilespmem:v3+s3+$0x0] =	vst.idx.msk $0xffff, v63;
	v3 =	vor.u32 s0, v0;
	s0 =	sadd.s32 $0x60, s30  }
0xb6: {  	[tilespmem:v4+s3+$0x0] =	vst.idx.msk $0xffff, v3;
	v3 =	vor.u32 s0, v0;
	s0 =	sadd.s32 $0x70, s30  }
0xb7: {  	[tilespmem:v5+s3+$0x0] =	vst.idx.msk $0xffff, v3;
	v3 =	vor.u32 s0, v0  }
0xb8: {  	s31 =	sadd.s32 $0x100, s31;
	s30 =	sadd.s32 $0x80, s30;
	[tilespmem:v6+s3+$0x0] =	vst.idx.msk $0xffff, v3  }
0xb9: {  	s0 =	simm.s32 $0x18780  }
0xba: {  	[tilespmem:s0], [sflag:$0x2] =	stream.linear.gather [hbm4b:s7+s3], $0x80, $0x38;
	[tilespmem:$0x1DB00] =	vst v63  }
0xbb: {  	s29 =	simm.s32 $0x18880;
	s0 =	sadd.s32 $0x10, s7  }
0xbc: {  	[tilespmem:s29], [sflag:$0x2] =	stream.linear.gather [hbm4b:s0+s3], $0x80, $0x38;
	[tilespmem:$0x1DB00] =	vst v63  }
0xbd: {  	s0 =	sadd.s32 $0x20, s7;
	s29 =	simm.s32 $0x18980  }
0xbe: {  	[tilespmem:s29], [sflag:$0x2] =	stream.linear.gather [hbm4b:s0+s3], $0x80, $0x38;
	[tilespmem:$0x1DB00] =	vst v63  }
0xbf: {  	s0 =	sadd.s32 $0x30, s7;
	s29 =	simm.s32 $0x18A80  }
0xc0: {  	[tilespmem:s29], [sflag:$0x2] =	stream.linear.gather [hbm4b:s0+s3], $0x80, $0x38;
	[tilespmem:$0x1DB00] =	vst v63  }
0xc1: {  	s0 =	sadd.s32 $0x40, s7;
	s29 =	simm.s32 $0x18B80  }
0xc2: {  	[tilespmem:s29], [sflag:$0x2] =	stream.linear.gather [hbm4b:s0+s3], $0x80, $0x38;
	[tilespmem:$0x1DB00] =	vst v63  }
0xc3: {  	s0 =	sadd.s32 $0x50, s7;
	s29 =	simm.s32 $0x18C80  }
0xc4: {  	[tilespmem:s29], [sflag:$0x2] =	stream.linear.gather [hbm4b:s0+s3], $0x80, $0x38;
	[tilespmem:$0x1DB00] =	vst v63  }
0xc5: {  	s0 =	sadd.s32 $0x60, s7;
	s29 =	simm.s32 $0x18D80  }
0xc6: {  	[tilespmem:s29], [sflag:$0x2] =	stream.linear.gather [hbm4b:s0+s3], $0x80, $0x38;
	[tilespmem:$0x1DB00] =	vst v63  }
0xc7: {  	s0 =	sadd.s32 $0x70, s7;
	s29 =	simm.s32 $0x18E80  }
0xc8: {  	[tilespmem:s29], [sflag:$0x2] =	stream.linear.gather [hbm4b:s0+s3], $0x80, $0x38;
	[tilespmem:$0x1DB00] =	vst v63  }
0xc9: {  	s0 =	sadd.s32 $0x80, s7;
	s29 =	simm.s32 $0x18F80  }
0xca: {  	[tilespmem:s29], [sflag:$0x2] =	stream.linear.gather [hbm4b:s0+s3], $0x80, $0x38;
	[tilespmem:$0x1DB00] =	vst v63  }
0xcb: {  	s0 =	sadd.s32 $0x90, s7;
	s29 =	simm.s32 $0x19080  }
0xcc: {  	[tilespmem:s29], [sflag:$0x2] =	stream.linear.gather [hbm4b:s0+s3], $0x80, $0x38;
	[tilespmem:$0x1DB00] =	vst v63  }
0xcd: {  	s0 =	sadd.s32 $0xA0, s7;
	s29 =	simm.s32 $0x19180  }
0xce: {  	[tilespmem:s29], [sflag:$0x2] =	stream.linear.gather [hbm4b:s0+s3], $0x80, $0x38;
	[tilespmem:$0x1DB00] =	vst v63  }
0xcf: {  	s0 =	sadd.s32 $0xB0, s7;
	s29 =	simm.s32 $0x19280  }
0xd0: {  	[tilespmem:s29], [sflag:$0x2] =	stream.linear.gather [hbm4b:s0+s3], $0x80, $0x38;
	[tilespmem:$0x1DB00] =	vst v63  }
0xd1: {  	s0 =	sadd.s32 $0xC0, s7  }
0xd2: {  	[tilespmem:s5], [sflag:$0x2] =	stream.linear.gather [hbm4b:s0+s3], $0x80, $0x38;
	[tilespmem:$0x1DB00] =	vst v63  }
0xd3: {  	s0 =	sadd.s32 $0xD0, s7  }
0xd4: {  	[tilespmem:s12], [sflag:$0x2] =	stream.linear.gather [hbm4b:s0+s3], $0x80, $0x38;
	[tilespmem:$0x1DB00] =	vst v63  }
0xd5: {  	s0 =	sadd.s32 $0xE0, s7  }
0xd6: {  	[tilespmem:s14], [sflag:$0x2] =	stream.linear.gather [hbm4b:s0+s3], $0x80, $0x38;
	[tilespmem:$0x1DB00] =	vst v63  }
0xd7: {  	s0 =	sadd.s32 $0xF0, s7  }
0xd8: {  	[tilespmem:s15], [sflag:$0x2] =	stream.linear.gather [hbm4b:s0+s3], $0x80, $0x38;
	[tilespmem:$0x1DB00] =	vst v63  }
0xd9: {  	_ =	swait.ge [sflag:s16], $0x800  }
0xda: {  	s30 =	simm.s32 $0x1000;
	[sflag:s16] =	ssyncset.done $0x0  }
0xdb: {  	s31 =	simm.s32 $0x18740;
	s29 =	simm.s32 $0xFFFFFFFE;
	[sflag:s16] =	ssyncadd.s32 $0xFFFFF800  }
.LBB2_6:
0xdc: {  	v3 =	vld [tilespmem:s31+$0xFFFFFFC0]  }
0xdd: {  	v4 =	vld [tilespmem:s31+$0xFFFFFFD0]  }
0xde: {  	v5 =	vld [tilespmem:s31+$0xFFFFFFE0]  }
0xdf: {  	v6 =	vld [tilespmem:s31+$0xFFFFFFF0];
	_ =	sdelay $0x3  }
0xe0: {  	v7 =	vor.u32 s30, v0;
	s0 =	sadd.s32 $0x10, s30  }
0xe1: {  	[tilespmem:v3+s3+$0x0] =	vst.idx.msk $0xffff, v7;
	v3 =	vor.u32 s0, v0;
	s0 =	sadd.s32 $0x20, s30  }
0xe2: {  	[tilespmem:v4+s3+$0x0] =	vst.idx.msk $0xffff, v3;
	v3 =	vor.u32 s0, v0;
	s0 =	sadd.s32 $0x30, s30  }
0xe3: {  	[tilespmem:v5+s3+$0x0] =	vst.idx.msk $0xffff, v3;
	v3 =	vor.u32 s0, v0  }
0xe4: {  	[tilespmem:v6+s3+$0x0] =	vst.idx.msk $0xffff, v3  }
0xe5: {  	v3 =	vld [tilespmem:s31+$0x0]  }
0xe6: {  	v4 =	vld [tilespmem:s31+$0x10]  }
0xe7: {  	v5 =	vld [tilespmem:s31+$0x20]  }
0xe8: {  	v6 =	vld [tilespmem:s31+$0x30];
	_ =	sdelay $0x1  }
0xe9: {  	s29 =	sadd.s32 $0x2, s29  }
0xea: {  	p0 =	slt.u32 s29, $0x1E;
	s0 =	sadd.s32 $0x40, s30  }
.Ltmp2:
0xeb: {  	v63 =	vor.u32 s0, v0;
	s0 =	sadd.s32 $0x50, s30;
	(pc) =	sbr.rel @p0 .LBB2_6-.Ltmp2, $4  }
0xec: {  	[tilespmem:v3+s3+$0x0] =	vst.idx.msk $0xffff, v63;
	v3 =	vor.u32 s0, v0;
	s0 =	sadd.s32 $0x60, s30  }
0xed: {  	[tilespmem:v4+s3+$0x0] =	vst.idx.msk $0xffff, v3;
	v3 =	vor.u32 s0, v0;
	s0 =	sadd.s32 $0x70, s30  }
0xee: {  	[tilespmem:v5+s3+$0x0] =	vst.idx.msk $0xffff, v3;
	v3 =	vor.u32 s0, v0  }
0xef: {  	s31 =	sadd.s32 $0x100, s31;
	s30 =	sadd.s32 $0x80, s30;
	[tilespmem:v6+s3+$0x0] =	vst.idx.msk $0xffff, v3  }
0xf0: {  	[tilespmem:s4], [sflag:$0x1] =	stream.linear.gather [hbm4b:s8+s3], $0x80, $0x38;
	[tilespmem:$0x1DB00] =	vst v63  }
0xf1: {  	s0 =	sadd.s32 $0x10, s8;
	s29 =	simm.s32 $0x18800  }
0xf2: {  	[tilespmem:s29], [sflag:$0x1] =	stream.linear.gather [hbm4b:s0+s3], $0x80, $0x38;
	[tilespmem:$0x1DB00] =	vst v63  }
0xf3: {  	s0 =	sadd.s32 $0x20, s8;
	s29 =	simm.s32 $0x18900  }
0xf4: {  	[tilespmem:s29], [sflag:$0x1] =	stream.linear.gather [hbm4b:s0+s3], $0x80, $0x38;
	[tilespmem:$0x1DB00] =	vst v63  }
0xf5: {  	s0 =	sadd.s32 $0x30, s8;
	s29 =	simm.s32 $0x18A00  }
0xf6: {  	[tilespmem:s29], [sflag:$0x1] =	stream.linear.gather [hbm4b:s0+s3], $0x80, $0x38;
	[tilespmem:$0x1DB00] =	vst v63  }
0xf7: {  	s0 =	sadd.s32 $0x40, s8;
	s29 =	simm.s32 $0x18B00  }
0xf8: {  	[tilespmem:s29], [sflag:$0x1] =	stream.linear.gather [hbm4b:s0+s3], $0x80, $0x38;
	[tilespmem:$0x1DB00] =	vst v63  }
0xf9: {  	s0 =	sadd.s32 $0x50, s8;
	s29 =	simm.s32 $0x18C00  }
0xfa: {  	[tilespmem:s29], [sflag:$0x1] =	stream.linear.gather [hbm4b:s0+s3], $0x80, $0x38;
	[tilespmem:$0x1DB00] =	vst v63  }
0xfb: {  	s0 =	sadd.s32 $0x60, s8;
	s29 =	simm.s32 $0x18D00  }
0xfc: {  	[tilespmem:s29], [sflag:$0x1] =	stream.linear.gather [hbm4b:s0+s3], $0x80, $0x38;
	[tilespmem:$0x1DB00] =	vst v63  }
0xfd: {  	s0 =	sadd.s32 $0x70, s8;
	s29 =	simm.s32 $0x18E00  }
0xfe: {  	[tilespmem:s29], [sflag:$0x1] =	stream.linear.gather [hbm4b:s0+s3], $0x80, $0x38;
	[tilespmem:$0x1DB00] =	vst v63  }
0xff: {  	s0 =	sadd.s32 $0x80, s8;
	s29 =	simm.s32 $0x18F00  }
0x100: {  	[tilespmem:s29], [sflag:$0x1] =	stream.linear.gather [hbm4b:s0+s3], $0x80, $0x38;
	[tilespmem:$0x1DB00] =	vst v63  }
0x101: {  	s0 =	sadd.s32 $0x90, s8;
	s29 =	simm.s32 $0x19000  }
0x102: {  	[tilespmem:s29], [sflag:$0x1] =	stream.linear.gather [hbm4b:s0+s3], $0x80, $0x38;
	[tilespmem:$0x1DB00] =	vst v63  }
0x103: {  	s0 =	sadd.s32 $0xA0, s8;
	s29 =	simm.s32 $0x19100  }
0x104: {  	[tilespmem:s29], [sflag:$0x1] =	stream.linear.gather [hbm4b:s0+s3], $0x80, $0x38;
	[tilespmem:$0x1DB00] =	vst v63  }
0x105: {  	s0 =	sadd.s32 $0xB0, s8;
	s29 =	simm.s32 $0x19200  }
0x106: {  	[tilespmem:s29], [sflag:$0x1] =	stream.linear.gather [hbm4b:s0+s3], $0x80, $0x38;
	[tilespmem:$0x1DB00] =	vst v63  }
0x107: {  	s0 =	sadd.s32 $0xC0, s8;
	s29 =	simm.s32 $0x19300  }
0x108: {  	[tilespmem:s29], [sflag:$0x1] =	stream.linear.gather [hbm4b:s0+s3], $0x80, $0x38;
	[tilespmem:$0x1DB00] =	vst v63  }
0x109: {  	s0 =	sadd.s32 $0xD0, s8;
	s29 =	simm.s32 $0x19400  }
0x10a: {  	[tilespmem:s29], [sflag:$0x1] =	stream.linear.gather [hbm4b:s0+s3], $0x80, $0x38;
	[tilespmem:$0x1DB00] =	vst v63  }
0x10b: {  	s0 =	sadd.s32 $0xE0, s8;
	s29 =	simm.s32 $0x19500  }
0x10c: {  	[tilespmem:s29], [sflag:$0x1] =	stream.linear.gather [hbm4b:s0+s3], $0x80, $0x38;
	[tilespmem:$0x1DB00] =	vst v63  }
0x10d: {  	s0 =	sadd.s32 $0xF0, s8;
	s29 =	simm.s32 $0x19600  }
0x10e: {  	[tilespmem:s29], [sflag:$0x1] =	stream.linear.gather [hbm4b:s0+s3], $0x80, $0x38;
	[tilespmem:$0x1DB00] =	vst v63  }
0x10f: {  	_ =	swait.ge [sflag:s17], $0x800  }
0x110: {  	s30 =	simm.s32 $0x1800;
	[sflag:s17] =	ssyncset.done $0x0  }
0x111: {  	s31 =	simm.s32 $0x187F0;
	s29 =	simm.s32 $0xFFFFFFFE;
	[sflag:s17] =	ssyncadd.s32 $0xFFFFF800  }
.LBB2_8:
0x112: {  	v3 =	vld [tilespmem:s31+$0xFFFFFF90]  }
0x113: {  	v4 =	vld [tilespmem:s31+$0xFFFFFFA0]  }
0x114: {  	v5 =	vld [tilespmem:s31+$0xFFFFFFB0]  }
0x115: {  	v6 =	vld [tilespmem:s31+$0xFFFFFFC0];
	_ =	sdelay $0x3  }
0x116: {  	v7 =	vor.u32 s30, v0;
	s0 =	sadd.s32 $0x10, s30  }
0x117: {  	[tilespmem:v3+s3+$0x0] =	vst.idx.msk $0xffff, v7;
	v3 =	vor.u32 s0, v0;
	s0 =	sadd.s32 $0x20, s30  }
0x118: {  	[tilespmem:v4+s3+$0x0] =	vst.idx.msk $0xffff, v3;
	v3 =	vor.u32 s0, v0;
	s0 =	sadd.s32 $0x30, s30  }
0x119: {  	[tilespmem:v5+s3+$0x0] =	vst.idx.msk $0xffff, v3;
	v3 =	vor.u32 s0, v0  }
0x11a: {  	[tilespmem:v6+s3+$0x0] =	vst.idx.msk $0xffff, v3  }
0x11b: {  	v3 =	vld [tilespmem:s31+$0xFFFFFFD0]  }
0x11c: {  	v4 =	vld [tilespmem:s31+$0xFFFFFFE0]  }
0x11d: {  	v5 =	vld [tilespmem:s31+$0xFFFFFFF0]  }
0x11e: {  	v6 =	vld [tilespmem:s31+$0x0];
	_ =	sdelay $0x1  }
0x11f: {  	s29 =	sadd.s32 $0x2, s29  }
0x120: {  	p0 =	slt.u32 s29, $0x1E;
	s0 =	sadd.s32 $0x40, s30  }
.Ltmp3:
0x121: {  	v63 =	vor.u32 s0, v0;
	s0 =	sadd.s32 $0x50, s30;
	(pc) =	sbr.rel @p0 .LBB2_8-.Ltmp3, $4  }
0x122: {  	[tilespmem:v3+s3+$0x0] =	vst.idx.msk $0xffff, v63;
	v3 =	vor.u32 s0, v0;
	s0 =	sadd.s32 $0x60, s30  }
0x123: {  	[tilespmem:v4+s3+$0x0] =	vst.idx.msk $0xffff, v3;
	v3 =	vor.u32 s0, v0;
	s0 =	sadd.s32 $0x70, s30  }
0x124: {  	[tilespmem:v5+s3+$0x0] =	vst.idx.msk $0xffff, v3;
	v3 =	vor.u32 s0, v0  }
0x125: {  	s31 =	sadd.s32 $0x100, s31;
	s30 =	sadd.s32 $0x80, s30;
	[tilespmem:v6+s3+$0x0] =	vst.idx.msk $0xffff, v3  }
0x126: {  	s0 =	simm.s32 $0x18780  }
0x127: {  	[tilespmem:s0], [sflag:$0x2] =	stream.linear.gather [hbm4b:s9+s3], $0x80, $0x38;
	[tilespmem:$0x1DB00] =	vst v63  }
0x128: {  	s29 =	simm.s32 $0x18880;
	s0 =	sadd.s32 $0x10, s9  }
0x129: {  	[tilespmem:s29], [sflag:$0x2] =	stream.linear.gather [hbm4b:s0+s3], $0x80, $0x38;
	[tilespmem:$0x1DB00] =	vst v63  }
0x12a: {  	s0 =	sadd.s32 $0x20, s9;
	s29 =	simm.s32 $0x18980  }
0x12b: {  	[tilespmem:s29], [sflag:$0x2] =	stream.linear.gather [hbm4b:s0+s3], $0x80, $0x38;
	[tilespmem:$0x1DB00] =	vst v63  }
0x12c: {  	s0 =	sadd.s32 $0x30, s9;
	s29 =	simm.s32 $0x18A80  }
0x12d: {  	[tilespmem:s29], [sflag:$0x2] =	stream.linear.gather [hbm4b:s0+s3], $0x80, $0x38;
	[tilespmem:$0x1DB00] =	vst v63  }
0x12e: {  	s0 =	sadd.s32 $0x40, s9;
	s29 =	simm.s32 $0x18B80  }
0x12f: {  	[tilespmem:s29], [sflag:$0x2] =	stream.linear.gather [hbm4b:s0+s3], $0x80, $0x38;
	[tilespmem:$0x1DB00] =	vst v63  }
0x130: {  	s0 =	sadd.s32 $0x50, s9;
	s29 =	simm.s32 $0x18C80  }
0x131: {  	[tilespmem:s29], [sflag:$0x2] =	stream.linear.gather [hbm4b:s0+s3], $0x80, $0x38;
	[tilespmem:$0x1DB00] =	vst v63  }
0x132: {  	s0 =	sadd.s32 $0x60, s9;
	s29 =	simm.s32 $0x18D80  }
0x133: {  	[tilespmem:s29], [sflag:$0x2] =	stream.linear.gather [hbm4b:s0+s3], $0x80, $0x38;
	[tilespmem:$0x1DB00] =	vst v63  }
0x134: {  	s0 =	sadd.s32 $0x70, s9;
	s29 =	simm.s32 $0x18E80  }
0x135: {  	[tilespmem:s29], [sflag:$0x2] =	stream.linear.gather [hbm4b:s0+s3], $0x80, $0x38;
	[tilespmem:$0x1DB00] =	vst v63  }
0x136: {  	s0 =	sadd.s32 $0x80, s9;
	s29 =	simm.s32 $0x18F80  }
0x137: {  	[tilespmem:s29], [sflag:$0x2] =	stream.linear.gather [hbm4b:s0+s3], $0x80, $0x38;
	[tilespmem:$0x1DB00] =	vst v63  }
0x138: {  	s0 =	sadd.s32 $0x90, s9;
	s29 =	simm.s32 $0x19080  }
0x139: {  	[tilespmem:s29], [sflag:$0x2] =	stream.linear.gather [hbm4b:s0+s3], $0x80, $0x38;
	[tilespmem:$0x1DB00] =	vst v63  }
0x13a: {  	s0 =	sadd.s32 $0xA0, s9;
	s29 =	simm.s32 $0x19180  }
0x13b: {  	[tilespmem:s29], [sflag:$0x2] =	stream.linear.gather [hbm4b:s0+s3], $0x80, $0x38;
	[tilespmem:$0x1DB00] =	vst v63  }
0x13c: {  	s0 =	sadd.s32 $0xB0, s9;
	s29 =	simm.s32 $0x19280  }
0x13d: {  	[tilespmem:s29], [sflag:$0x2] =	stream.linear.gather [hbm4b:s0+s3], $0x80, $0x38;
	[tilespmem:$0x1DB00] =	vst v63  }
0x13e: {  	s0 =	sadd.s32 $0xC0, s9  }
0x13f: {  	[tilespmem:s5], [sflag:$0x2] =	stream.linear.gather [hbm4b:s0+s3], $0x80, $0x38;
	[tilespmem:$0x1DB00] =	vst v63  }
0x140: {  	s0 =	sadd.s32 $0xD0, s9  }
0x141: {  	[tilespmem:s12], [sflag:$0x2] =	stream.linear.gather [hbm4b:s0+s3], $0x80, $0x38;
	[tilespmem:$0x1DB00] =	vst v63  }
0x142: {  	s0 =	sadd.s32 $0xE0, s9  }
0x143: {  	[tilespmem:s14], [sflag:$0x2] =	stream.linear.gather [hbm4b:s0+s3], $0x80, $0x38;
	[tilespmem:$0x1DB00] =	vst v63  }
0x144: {  	s0 =	sadd.s32 $0xF0, s9  }
0x145: {  	[tilespmem:s15], [sflag:$0x2] =	stream.linear.gather [hbm4b:s0+s3], $0x80, $0x38;
	[tilespmem:$0x1DB00] =	vst v63  }
0x146: {  	_ =	swait.ge [sflag:s16], $0x800  }
0x147: {  	s30 =	simm.s32 $0x2000;
	[sflag:s16] =	ssyncset.done $0x0  }
0x148: {  	s31 =	simm.s32 $0x18740;
	s29 =	simm.s32 $0xFFFFFFFE;
	[sflag:s16] =	ssyncadd.s32 $0xFFFFF800  }
.LBB2_10:
0x149: {  	v3 =	vld [tilespmem:s31+$0xFFFFFFC0]  }
0x14a: {  	v4 =	vld [tilespmem:s31+$0xFFFFFFD0]  }
0x14b: {  	v5 =	vld [tilespmem:s31+$0xFFFFFFE0]  }
0x14c: {  	v6 =	vld [tilespmem:s31+$0xFFFFFFF0];
	_ =	sdelay $0x3  }
0x14d: {  	v7 =	vor.u32 s30, v0;
	s0 =	sadd.s32 $0x10, s30  }
0x14e: {  	[tilespmem:v3+s3+$0x0] =	vst.idx.msk $0xffff, v7;
	v3 =	vor.u32 s0, v0;
	s0 =	sadd.s32 $0x20, s30  }
0x14f: {  	[tilespmem:v4+s3+$0x0] =	vst.idx.msk $0xffff, v3;
	v3 =	vor.u32 s0, v0;
	s0 =	sadd.s32 $0x30, s30  }
0x150: {  	[tilespmem:v5+s3+$0x0] =	vst.idx.msk $0xffff, v3;
	v3 =	vor.u32 s0, v0  }
0x151: {  	[tilespmem:v6+s3+$0x0] =	vst.idx.msk $0xffff, v3  }
0x152: {  	v3 =	vld [tilespmem:s31+$0x0]  }
0x153: {  	v4 =	vld [tilespmem:s31+$0x10]  }
0x154: {  	v5 =	vld [tilespmem:s31+$0x20]  }
0x155: {  	v6 =	vld [tilespmem:s31+$0x30];
	_ =	sdelay $0x1  }
0x156: {  	s29 =	sadd.s32 $0x2, s29  }
0x157: {  	p0 =	slt.u32 s29, $0x1E;
	s0 =	sadd.s32 $0x40, s30  }
.Ltmp4:
0x158: {  	v63 =	vor.u32 s0, v0;
	s0 =	sadd.s32 $0x50, s30;
	(pc) =	sbr.rel @p0 .LBB2_10-.Ltmp4, $4  }
0x159: {  	[tilespmem:v3+s3+$0x0] =	vst.idx.msk $0xffff, v63;
	v3 =	vor.u32 s0, v0;
	s0 =	sadd.s32 $0x60, s30  }
0x15a: {  	[tilespmem:v4+s3+$0x0] =	vst.idx.msk $0xffff, v3;
	v3 =	vor.u32 s0, v0;
	s0 =	sadd.s32 $0x70, s30  }
0x15b: {  	[tilespmem:v5+s3+$0x0] =	vst.idx.msk $0xffff, v3;
	v3 =	vor.u32 s0, v0  }
0x15c: {  	s31 =	sadd.s32 $0x100, s31;
	s30 =	sadd.s32 $0x80, s30;
	[tilespmem:v6+s3+$0x0] =	vst.idx.msk $0xffff, v3  }
0x15d: {  	[tilespmem:s4], [sflag:$0x1] =	stream.linear.gather [hbm4b:s10+s3], $0x80, $0x38;
	[tilespmem:$0x1DB00] =	vst v63  }
0x15e: {  	s0 =	sadd.s32 $0x10, s10;
	s4 =	simm.s32 $0x18800  }
0x15f: {  	[tilespmem:s4], [sflag:$0x1] =	stream.linear.gather [hbm4b:s0+s3], $0x80, $0x38;
	[tilespmem:$0x1DB00] =	vst v63  }
0x160: {  	s0 =	sadd.s32 $0x20, s10;
	s4 =	simm.s32 $0x18900  }
0x161: {  	[tilespmem:s4], [sflag:$0x1] =	stream.linear.gather [hbm4b:s0+s3], $0x80, $0x38;
	[tilespmem:$0x1DB00] =	vst v63  }
0x162: {  	s0 =	sadd.s32 $0x30, s10;
	s4 =	simm.s32 $0x18A00  }
0x163: {  	[tilespmem:s4], [sflag:$0x1] =	stream.linear.gather [hbm4b:s0+s3], $0x80, $0x38;
	[tilespmem:$0x1DB00] =	vst v63  }
0x164: {  	s0 =	sadd.s32 $0x40, s10;
	s4 =	simm.s32 $0x18B00  }
0x165: {  	[tilespmem:s4], [sflag:$0x1] =	stream.linear.gather [hbm4b:s0+s3], $0x80, $0x38;
	[tilespmem:$0x1DB00] =	vst v63  }
0x166: {  	s0 =	sadd.s32 $0x50, s10;
	s4 =	simm.s32 $0x18C00  }
0x167: {  	[tilespmem:s4], [sflag:$0x1] =	stream.linear.gather [hbm4b:s0+s3], $0x80, $0x38;
	[tilespmem:$0x1DB00] =	vst v63  }
0x168: {  	s0 =	sadd.s32 $0x60, s10;
	s4 =	simm.s32 $0x18D00  }
0x169: {  	[tilespmem:s4], [sflag:$0x1] =	stream.linear.gather [hbm4b:s0+s3], $0x80, $0x38;
	[tilespmem:$0x1DB00] =	vst v63  }
0x16a: {  	s0 =	sadd.s32 $0x70, s10;
	s4 =	simm.s32 $0x18E00  }
0x16b: {  	[tilespmem:s4], [sflag:$0x1] =	stream.linear.gather [hbm4b:s0+s3], $0x80, $0x38;
	[tilespmem:$0x1DB00] =	vst v63  }
0x16c: {  	s0 =	sadd.s32 $0x80, s10;
	s4 =	simm.s32 $0x18F00  }
0x16d: {  	[tilespmem:s4], [sflag:$0x1] =	stream.linear.gather [hbm4b:s0+s3], $0x80, $0x38;
	[tilespmem:$0x1DB00] =	vst v63  }
0x16e: {  	s0 =	sadd.s32 $0x90, s10;
	s4 =	simm.s32 $0x19000  }
0x16f: {  	[tilespmem:s4], [sflag:$0x1] =	stream.linear.gather [hbm4b:s0+s3], $0x80, $0x38;
	[tilespmem:$0x1DB00] =	vst v63  }
0x170: {  	s0 =	sadd.s32 $0xA0, s10;
	s4 =	simm.s32 $0x19100  }
0x171: {  	[tilespmem:s4], [sflag:$0x1] =	stream.linear.gather [hbm4b:s0+s3], $0x80, $0x38;
	[tilespmem:$0x1DB00] =	vst v63  }
0x172: {  	s0 =	sadd.s32 $0xB0, s10;
	s4 =	simm.s32 $0x19200  }
0x173: {  	[tilespmem:s4], [sflag:$0x1] =	stream.linear.gather [hbm4b:s0+s3], $0x80, $0x38;
	[tilespmem:$0x1DB00] =	vst v63  }
0x174: {  	s0 =	sadd.s32 $0xC0, s10;
	s4 =	simm.s32 $0x19300  }
0x175: {  	[tilespmem:s4], [sflag:$0x1] =	stream.linear.gather [hbm4b:s0+s3], $0x80, $0x38;
	[tilespmem:$0x1DB00] =	vst v63  }
0x176: {  	s0 =	sadd.s32 $0xD0, s10;
	s4 =	simm.s32 $0x19400  }
0x177: {  	[tilespmem:s4], [sflag:$0x1] =	stream.linear.gather [hbm4b:s0+s3], $0x80, $0x38;
	[tilespmem:$0x1DB00] =	vst v63  }
0x178: {  	s0 =	sadd.s32 $0xE0, s10;
	s4 =	simm.s32 $0x19500  }
0x179: {  	[tilespmem:s4], [sflag:$0x1] =	stream.linear.gather [hbm4b:s0+s3], $0x80, $0x38;
	[tilespmem:$0x1DB00] =	vst v63  }
0x17a: {  	s0 =	sadd.s32 $0xF0, s10;
	s4 =	simm.s32 $0x19600  }
0x17b: {  	[tilespmem:s4], [sflag:$0x1] =	stream.linear.gather [hbm4b:s0+s3], $0x80, $0x38;
	[tilespmem:$0x1DB00] =	vst v63  }
0x17c: {  	_ =	swait.ge [sflag:s17], $0x800  }
0x17d: {  	s29 =	simm.s32 $0xFFFFFFFE;
	[sflag:s17] =	ssyncset.done $0x0  }
0x17e: {  	s30 =	simm.s32 $0x2800;
	s31 =	simm.s32 $0x187F0;
	[sflag:s17] =	ssyncadd.s32 $0xFFFFF800  }
.LBB2_12:
0x17f: {  	v3 =	vld [tilespmem:s31+$0xFFFFFF90]  }
0x180: {  	v4 =	vld [tilespmem:s31+$0xFFFFFFA0]  }
0x181: {  	v5 =	vld [tilespmem:s31+$0xFFFFFFB0]  }
0x182: {  	v6 =	vld [tilespmem:s31+$0xFFFFFFC0];
	_ =	sdelay $0x3  }
0x183: {  	v7 =	vor.u32 s30, v0;
	s0 =	sadd.s32 $0x10, s30  }
0x184: {  	s4 =	sadd.s32 $0x20, s30;
	[tilespmem:v3+s3+$0x0] =	vst.idx.msk $0xffff, v7;
	v3 =	vor.u32 s0, v0  }
0x185: {  	[tilespmem:v4+s3+$0x0] =	vst.idx.msk $0xffff, v3;
	v3 =	vor.u32 s4, v0;
	s4 =	sadd.s32 $0x30, s30  }
0x186: {  	[tilespmem:v5+s3+$0x0] =	vst.idx.msk $0xffff, v3;
	v3 =	vor.u32 s4, v0  }
0x187: {  	[tilespmem:v6+s3+$0x0] =	vst.idx.msk $0xffff, v3  }
0x188: {  	v3 =	vld [tilespmem:s31+$0xFFFFFFD0]  }
0x189: {  	v4 =	vld [tilespmem:s31+$0xFFFFFFE0]  }
0x18a: {  	v5 =	vld [tilespmem:s31+$0xFFFFFFF0]  }
0x18b: {  	v6 =	vld [tilespmem:s31+$0x0];
	_ =	sdelay $0x1  }
0x18c: {  	s29 =	sadd.s32 $0x2, s29  }
0x18d: {  	p0 =	slt.u32 s29, $0x1E;
	s4 =	sadd.s32 $0x40, s30  }
.Ltmp5:
0x18e: {  	v63 =	vor.u32 s4, v0;
	s4 =	sadd.s32 $0x50, s30;
	(pc) =	sbr.rel @p0 .LBB2_12-.Ltmp5, $4  }
0x18f: {  	[tilespmem:v3+s3+$0x0] =	vst.idx.msk $0xffff, v63;
	v3 =	vor.u32 s4, v0;
	s4 =	sadd.s32 $0x60, s30  }
0x190: {  	[tilespmem:v4+s3+$0x0] =	vst.idx.msk $0xffff, v3;
	v3 =	vor.u32 s4, v0;
	s4 =	sadd.s32 $0x70, s30  }
0x191: {  	[tilespmem:v5+s3+$0x0] =	vst.idx.msk $0xffff, v3;
	v3 =	vor.u32 s4, v0  }
0x192: {  	s31 =	sadd.s32 $0x100, s31;
	s30 =	sadd.s32 $0x80, s30;
	[tilespmem:v6+s3+$0x0] =	vst.idx.msk $0xffff, v3  }
0x193: {  	s0 =	simm.s32 $0x18780  }
0x194: {  	[tilespmem:s0], [sflag:$0x2] =	stream.linear.gather [hbm4b:s11+s3], $0x80, $0x38;
	[tilespmem:$0x1DB00] =	vst v63  }
0x195: {  	s4 =	simm.s32 $0x18880;
	s0 =	sadd.s32 $0x10, s11  }
0x196: {  	[tilespmem:s4], [sflag:$0x2] =	stream.linear.gather [hbm4b:s0+s3], $0x80, $0x38;
	[tilespmem:$0x1DB00] =	vst v63  }
0x197: {  	s0 =	sadd.s32 $0x20, s11;
	s4 =	simm.s32 $0x18980  }
0x198: {  	[tilespmem:s4], [sflag:$0x2] =	stream.linear.gather [hbm4b:s0+s3], $0x80, $0x38;
	[tilespmem:$0x1DB00] =	vst v63  }
0x199: {  	s0 =	sadd.s32 $0x30, s11;
	s4 =	simm.s32 $0x18A80  }
0x19a: {  	[tilespmem:s4], [sflag:$0x2] =	stream.linear.gather [hbm4b:s0+s3], $0x80, $0x38;
	[tilespmem:$0x1DB00] =	vst v63  }
0x19b: {  	s0 =	sadd.s32 $0x40, s11;
	s4 =	simm.s32 $0x18B80  }
0x19c: {  	[tilespmem:s4], [sflag:$0x2] =	stream.linear.gather [hbm4b:s0+s3], $0x80, $0x38;
	[tilespmem:$0x1DB00] =	vst v63  }
0x19d: {  	s0 =	sadd.s32 $0x50, s11;
	s4 =	simm.s32 $0x18C80  }
0x19e: {  	[tilespmem:s4], [sflag:$0x2] =	stream.linear.gather [hbm4b:s0+s3], $0x80, $0x38;
	[tilespmem:$0x1DB00] =	vst v63  }
0x19f: {  	s0 =	sadd.s32 $0x60, s11;
	s4 =	simm.s32 $0x18D80  }
0x1a0: {  	[tilespmem:s4], [sflag:$0x2] =	stream.linear.gather [hbm4b:s0+s3], $0x80, $0x38;
	[tilespmem:$0x1DB00] =	vst v63  }
0x1a1: {  	s0 =	sadd.s32 $0x70, s11;
	s4 =	simm.s32 $0x18E80  }
0x1a2: {  	[tilespmem:s4], [sflag:$0x2] =	stream.linear.gather [hbm4b:s0+s3], $0x80, $0x38;
	[tilespmem:$0x1DB00] =	vst v63  }
0x1a3: {  	s0 =	sadd.s32 $0x80, s11;
	s4 =	simm.s32 $0x18F80  }
0x1a4: {  	[tilespmem:s4], [sflag:$0x2] =	stream.linear.gather [hbm4b:s0+s3], $0x80, $0x38;
	[tilespmem:$0x1DB00] =	vst v63  }
0x1a5: {  	s0 =	sadd.s32 $0x90, s11;
	s4 =	simm.s32 $0x19080  }
0x1a6: {  	[tilespmem:s4], [sflag:$0x2] =	stream.linear.gather [hbm4b:s0+s3], $0x80, $0x38;
	[tilespmem:$0x1DB00] =	vst v63  }
0x1a7: {  	s0 =	sadd.s32 $0xA0, s11;
	s4 =	simm.s32 $0x19180  }
0x1a8: {  	[tilespmem:s4], [sflag:$0x2] =	stream.linear.gather [hbm4b:s0+s3], $0x80, $0x38;
	[tilespmem:$0x1DB00] =	vst v63  }
0x1a9: {  	s0 =	sadd.s32 $0xB0, s11;
	s4 =	simm.s32 $0x19280  }
0x1aa: {  	[tilespmem:s4], [sflag:$0x2] =	stream.linear.gather [hbm4b:s0+s3], $0x80, $0x38;
	[tilespmem:$0x1DB00] =	vst v63  }
0x1ab: {  	s4 =	sadd.s32 $0xC0, s11  }
0x1ac: {  	[tilespmem:s5], [sflag:$0x2] =	stream.linear.gather [hbm4b:s4+s3], $0x80, $0x38;
	[tilespmem:$0x1DB00] =	vst v63  }
0x1ad: {  	s4 =	sadd.s32 $0xD0, s11  }
0x1ae: {  	[tilespmem:s12], [sflag:$0x2] =	stream.linear.gather [hbm4b:s4+s3], $0x80, $0x38;
	[tilespmem:$0x1DB00] =	vst v63  }
0x1af: {  	s4 =	sadd.s32 $0xE0, s11  }
0x1b0: {  	[tilespmem:s14], [sflag:$0x2] =	stream.linear.gather [hbm4b:s4+s3], $0x80, $0x38;
	[tilespmem:$0x1DB00] =	vst v63  }
0x1b1: {  	s4 =	sadd.s32 $0xF0, s11  }
0x1b2: {  	[tilespmem:s15], [sflag:$0x2] =	stream.linear.gather [hbm4b:s4+s3], $0x80, $0x38;
	[tilespmem:$0x1DB00] =	vst v63  }
0x1b3: {  	_ =	swait.ge [sflag:s16], $0x800  }
0x1b4: {  	s29 =	simm.s32 $0xFFFFFFFE;
	[sflag:s16] =	ssyncset.done $0x0  }
0x1b5: {  	s30 =	simm.s32 $0x3000;
	s31 =	simm.s32 $0x18740;
	[sflag:s16] =	ssyncadd.s32 $0xFFFFF800  }
.LBB2_14:
0x1b6: {  	v3 =	vld [tilespmem:s31+$0xFFFFFFC0]  }
0x1b7: {  	v4 =	vld [tilespmem:s31+$0xFFFFFFD0]  }
0x1b8: {  	v5 =	vld [tilespmem:s31+$0xFFFFFFE0]  }
0x1b9: {  	v6 =	vld [tilespmem:s31+$0xFFFFFFF0];
	_ =	sdelay $0x3  }
0x1ba: {  	v7 =	vor.u32 s30, v0;
	s0 =	sadd.s32 $0x10, s30  }
0x1bb: {  	s4 =	sadd.s32 $0x20, s30;
	[tilespmem:v3+s3+$0x0] =	vst.idx.msk $0xffff, v7;
	v3 =	vor.u32 s0, v0  }
0x1bc: {  	[tilespmem:v4+s3+$0x0] =	vst.idx.msk $0xffff, v3;
	v3 =	vor.u32 s4, v0;
	s4 =	sadd.s32 $0x30, s30  }
0x1bd: {  	[tilespmem:v5+s3+$0x0] =	vst.idx.msk $0xffff, v3;
	v3 =	vor.u32 s4, v0  }
0x1be: {  	[tilespmem:v6+s3+$0x0] =	vst.idx.msk $0xffff, v3  }
0x1bf: {  	v3 =	vld [tilespmem:s31+$0x0]  }
0x1c0: {  	v4 =	vld [tilespmem:s31+$0x10]  }
0x1c1: {  	v5 =	vld [tilespmem:s31+$0x20]  }
0x1c2: {  	v6 =	vld [tilespmem:s31+$0x30];
	_ =	sdelay $0x1  }
0x1c3: {  	s29 =	sadd.s32 $0x2, s29  }
0x1c4: {  	p0 =	slt.u32 s29, $0x1E;
	s4 =	sadd.s32 $0x40, s30  }
.Ltmp6:
0x1c5: {  	v63 =	vor.u32 s4, v0;
	s4 =	sadd.s32 $0x50, s30;
	(pc) =	sbr.rel @p0 .LBB2_14-.Ltmp6, $4  }
0x1c6: {  	[tilespmem:v3+s3+$0x0] =	vst.idx.msk $0xffff, v63;
	v3 =	vor.u32 s4, v0;
	s4 =	sadd.s32 $0x60, s30  }
0x1c7: {  	[tilespmem:v4+s3+$0x0] =	vst.idx.msk $0xffff, v3;
	v3 =	vor.u32 s4, v0;
	s4 =	sadd.s32 $0x70, s30  }
0x1c8: {  	[tilespmem:v5+s3+$0x0] =	vst.idx.msk $0xffff, v3;
	v3 =	vor.u32 s4, v0  }
0x1c9: {  	s31 =	sadd.s32 $0x100, s31;
	s30 =	sadd.s32 $0x80, s30;
	[tilespmem:v6+s3+$0x0] =	vst.idx.msk $0xffff, v3  }
0x1ca: {  	_ =	swait.ge [sflag:s17], $0x800  }
0x1cb: {  	s29 =	simm.s32 $0xFFFFFFFE;
	[sflag:s17] =	ssyncset.done $0x0  }
0x1cc: {  	s30 =	simm.s32 $0x3800;
	s31 =	simm.s32 $0x187F0;
	[sflag:s17] =	ssyncadd.s32 $0xFFFFF800  }
.LBB2_16:
0x1cd: {  	v3 =	vld [tilespmem:s31+$0xFFFFFF90]  }
0x1ce: {  	v4 =	vld [tilespmem:s31+$0xFFFFFFA0]  }
0x1cf: {  	v5 =	vld [tilespmem:s31+$0xFFFFFFB0]  }
0x1d0: {  	v6 =	vld [tilespmem:s31+$0xFFFFFFC0];
	_ =	sdelay $0x3  }
0x1d1: {  	v7 =	vor.u32 s30, v0;
	s0 =	sadd.s32 $0x10, s30  }
0x1d2: {  	s4 =	sadd.s32 $0x20, s30;
	[tilespmem:v3+s3+$0x0] =	vst.idx.msk $0xffff, v7;
	v3 =	vor.u32 s0, v0  }
0x1d3: {  	[tilespmem:v4+s3+$0x0] =	vst.idx.msk $0xffff, v3;
	v3 =	vor.u32 s4, v0;
	s4 =	sadd.s32 $0x30, s30  }
0x1d4: {  	[tilespmem:v5+s3+$0x0] =	vst.idx.msk $0xffff, v3;
	v3 =	vor.u32 s4, v0  }
0x1d5: {  	[tilespmem:v6+s3+$0x0] =	vst.idx.msk $0xffff, v3  }
0x1d6: {  	v3 =	vld [tilespmem:s31+$0xFFFFFFD0]  }
0x1d7: {  	v4 =	vld [tilespmem:s31+$0xFFFFFFE0]  }
0x1d8: {  	v5 =	vld [tilespmem:s31+$0xFFFFFFF0]  }
0x1d9: {  	v6 =	vld [tilespmem:s31+$0x0];
	_ =	sdelay $0x1  }
0x1da: {  	s29 =	sadd.s32 $0x2, s29  }
0x1db: {  	p0 =	slt.u32 s29, $0x1E;
	s4 =	sadd.s32 $0x40, s30  }
.Ltmp7:
0x1dc: {  	v63 =	vor.u32 s4, v0;
	s4 =	sadd.s32 $0x50, s30;
	(pc) =	sbr.rel @p0 .LBB2_16-.Ltmp7, $4  }
0x1dd: {  	[tilespmem:v3+s3+$0x0] =	vst.idx.msk $0xffff, v63;
	v3 =	vor.u32 s4, v0;
	s4 =	sadd.s32 $0x60, s30  }
0x1de: {  	[tilespmem:v4+s3+$0x0] =	vst.idx.msk $0xffff, v3;
	v3 =	vor.u32 s4, v0;
	s4 =	sadd.s32 $0x70, s30  }
0x1df: {  	[tilespmem:v5+s3+$0x0] =	vst.idx.msk $0xffff, v3;
	v3 =	vor.u32 s4, v0  }
0x1e0: {  	s31 =	sadd.s32 $0x100, s31;
	s30 =	sadd.s32 $0x80, s30;
	[tilespmem:v6+s3+$0x0] =	vst.idx.msk $0xffff, v3  }
0x1e1: {  	s29 =	simm.s32 $0x0;
	s0 =	rddreg [dreg:$0x5];
	s4 =	simm.s32 $0x19700  }
0x1e2: {  	[tilespmem:s4], [sflag:$0xB] =	stream.linear.gather [hbm4b:s0+s29], $0x200, $0x38;
	[tilespmem:$0x1DB00] =	vst v63  }
0x1e3: {  	s4 =	simm.s32 $0xB  }
0x1e4: {  	_ =	swait.ge [sflag:s4], $0x200  }
0x1e5: {  	[sflag:s4] =	ssyncset.done $0x0  }
0x1e6: {  	[sflag:s4] =	ssyncadd.s32 $0xFFFFFE00  }
0x1e7: {  	v3 =	vld [tilespmem:$0x19700]  }
0x1e8: {  	v4 =	vld [tilespmem:$0x19710]  }
0x1e9: {  	v5 =	vld [tilespmem:$0x19720]  }
0x1ea: {  	v6 =	vld [tilespmem:$0x19730];
	_ =	sdelay $0x1  }
0x1eb: {  	v7 =	vld [tilespmem:$0x19740]  }
0x1ec: {  	v8 =	vld [tilespmem:$0x19750]  }
0x1ed: {  	v9 =	vld [tilespmem:$0x19760]  }
0x1ee: {  	v3 =	vld.idx.msk [tilespmem:v3+s29+$0x0], $0xffff  }
0x1ef: {  	v4 =	vld.idx.msk [tilespmem:v4+s29+$0x0], $0xffff  }
0x1f0: {  	v5 =	vld.idx.msk [tilespmem:v5+s29+$0x0], $0xffff  }
0x1f1: {  	v6 =	vld.idx.msk [tilespmem:v6+s29+$0x0], $0xffff  }
0x1f2: {  	v10 =	vld [tilespmem:$0x19770]  }
0x1f3: {  	[tilespmem:$0x19900] =	vst v3  }
0x1f4: {  	v35 =	vld [tilespmem:$0x19780];
	[tilespmem:$0x19910] =	vst v4  }
0x1f5: {  	v36 =	vld [tilespmem:$0x19790];
	[tilespmem:$0x19920] =	vst v5  }
0x1f6: {  	v37 =	vld [tilespmem:$0x197A0];
	[tilespmem:$0x19930] =	vst v6  }
0x1f7: {  	v3 =	vld.idx.msk [tilespmem:v7+s29+$0x0], $0xffff  }
0x1f8: {  	v4 =	vld.idx.msk [tilespmem:v8+s29+$0x0], $0xffff  }
0x1f9: {  	v5 =	vld.idx.msk [tilespmem:v9+s29+$0x0], $0xffff  }
0x1fa: {  	v6 =	vld.idx.msk [tilespmem:v10+s29+$0x0], $0xffff  }
0x1fb: {  	v38 =	vld [tilespmem:$0x197B0]  }
0x1fc: {  	[tilespmem:$0x19940] =	vst v3  }
0x1fd: {  	v39 =	vld [tilespmem:$0x197C0];
	[tilespmem:$0x19950] =	vst v4  }
0x1fe: {  	v40 =	vld [tilespmem:$0x197D0];
	[tilespmem:$0x19960] =	vst v5  }
0x1ff: {  	v41 =	vld [tilespmem:$0x197E0];
	[tilespmem:$0x19970] =	vst v6  }
0x200: {  	v3 =	vld.idx.msk [tilespmem:v35+s29+$0x0], $0xffff  }
0x201: {  	v4 =	vld.idx.msk [tilespmem:v36+s29+$0x0], $0xffff  }
0x202: {  	v5 =	vld.idx.msk [tilespmem:v37+s29+$0x0], $0xffff  }
0x203: {  	v6 =	vld.idx.msk [tilespmem:v38+s29+$0x0], $0xffff  }
0x204: {  	v42 =	vld [tilespmem:$0x197F0]  }
0x205: {  	[tilespmem:$0x19980] =	vst v3  }
0x206: {  	v43 =	vld [tilespmem:$0x19800];
	[tilespmem:$0x19990] =	vst v4  }
0x207: {  	v44 =	vld [tilespmem:$0x19810];
	[tilespmem:$0x199A0] =	vst v5  }
0x208: {  	v45 =	vld [tilespmem:$0x19820];
	[tilespmem:$0x199B0] =	vst v6  }
0x209: {  	v3 =	vld.idx.msk [tilespmem:v39+s29+$0x0], $0xffff  }
0x20a: {  	v4 =	vld.idx.msk [tilespmem:v40+s29+$0x0], $0xffff  }
0x20b: {  	v5 =	vld.idx.msk [tilespmem:v41+s29+$0x0], $0xffff  }
0x20c: {  	v6 =	vld.idx.msk [tilespmem:v42+s29+$0x0], $0xffff  }
0x20d: {  	v46 =	vld [tilespmem:$0x19830]  }
0x20e: {  	[tilespmem:$0x199C0] =	vst v3  }
0x20f: {  	v47 =	vld [tilespmem:$0x19840];
	[tilespmem:$0x199D0] =	vst v4  }
0x210: {  	v48 =	vld [tilespmem:$0x19850];
	[tilespmem:$0x199E0] =	vst v5  }
0x211: {  	v49 =	vld [tilespmem:$0x19860];
	[tilespmem:$0x199F0] =	vst v6  }
0x212: {  	v3 =	vld.idx.msk [tilespmem:v43+s29+$0x0], $0xffff  }
0x213: {  	v4 =	vld.idx.msk [tilespmem:v44+s29+$0x0], $0xffff  }
0x214: {  	v5 =	vld.idx.msk [tilespmem:v45+s29+$0x0], $0xffff  }
0x215: {  	v6 =	vld.idx.msk [tilespmem:v46+s29+$0x0], $0xffff  }
0x216: {  	v50 =	vld [tilespmem:$0x19870]  }
0x217: {  	[tilespmem:$0x19A00] =	vst v3  }
0x218: {  	v51 =	vld [tilespmem:$0x19880];
	[tilespmem:$0x19A10] =	vst v4  }
0x219: {  	v52 =	vld [tilespmem:$0x19890];
	[tilespmem:$0x19A20] =	vst v5  }
0x21a: {  	v53 =	vld [tilespmem:$0x198A0];
	[tilespmem:$0x19A30] =	vst v6  }
0x21b: {  	v3 =	vld.idx.msk [tilespmem:v47+s29+$0x0], $0xffff  }
0x21c: {  	v4 =	vld.idx.msk [tilespmem:v48+s29+$0x0], $0xffff  }
0x21d: {  	v5 =	vld.idx.msk [tilespmem:v49+s29+$0x0], $0xffff  }
0x21e: {  	v6 =	vld.idx.msk [tilespmem:v50+s29+$0x0], $0xffff  }
0x21f: {  	v54 =	vld [tilespmem:$0x198B0]  }
0x220: {  	v55 =	vld [tilespmem:$0x198C0];
	[tilespmem:$0x19A40] =	vst v3  }
0x221: {  	v56 =	vld [tilespmem:$0x198D0];
	[tilespmem:$0x19A50] =	vst v4  }
0x222: {  	v57 =	vld [tilespmem:$0x198E0];
	[tilespmem:$0x19A60] =	vst v5  }
0x223: {  	v58 =	vld.msk [tilespmem:$0x19900], $0xff;
	[tilespmem:$0x19A70] =	vst v6  }
0x224: {  	v3 =	vld.idx.msk [tilespmem:v51+s29+$0x0], $0xffff  }
0x225: {  	v4 =	vld.idx.msk [tilespmem:v52+s29+$0x0], $0xffff  }
0x226: {  	v5 =	vld.idx.msk [tilespmem:v53+s29+$0x0], $0xffff  }
0x227: {  	v6 =	vld.idx.msk [tilespmem:v54+s29+$0x0], $0xffff  }
0x228: {  	v11 =	vld [tilespmem:$0x198F0]  }
0x229: {  	[tilespmem:$0x19A80] =	vst v3  }
0x22a: {  	[tilespmem:$0x19A90] =	vst v4  }
0x22b: {  	[tilespmem:$0x19AA0] =	vst v5  }
0x22c: {  	[tilespmem:$0x19AB0] =	vst v6;
	v3 =	vshll.u32 v58, $0x2  }
0x22d: {  	v59 =	vand.u32 $0x7, v58;
	v4 =	vld.idx.msk [tilespmem:v55+s29+$0x0], $0xffff;
	v3 =	vand.u32 $0xFFFFFFE0, v3  }
0x22e: {  	v60 =	vld.idx.msk [tilespmem:v56+s29+$0x0], $0xffff;
	v3 =	vor.u32 v59, v3  }
0x22f: {  	v6 =	vld.idx.msk [tilespmem:v57+s29+$0x0], $0xffff;
	v3 =	vperm.xlane v3, v1  }
0x230: {  	v61 =	vld.idx.msk [tilespmem:v11+s29+$0x0], $0xffff  }
0x231: {  	v3 =	vadd.s32 v2, v3  }
0x232: {  	[tilespmem:$0x19AC0] =	vst v4  }
0x233: {  	[tilespmem:$0x19AD0] =	vst v60  }
0x234: {  	[tilespmem:$0x19AE0] =	vst v6  }
0x235: {  	[tilespmem:$0x19AF0] =	vst v61  }
0x236: {  	[tilespmem:s18], [sflag:$0x3] =	stream.indirect_vreg.gather [hbm4b:s2+s29], $0x80, v3, vm0, $0xb8;
	[tilespmem:$0x1DB00] =	vst v63  }
0x237: {  	s31 =	simm.s32 $0x1A300  }
0x238: {  	[tilespmem:s31], [sflag:$0x3] =	stream.indirect_vreg.gather [hbm4b:s13+s29], $0x80, v3, vm0, $0xb8;
	[tilespmem:$0x1DB00] =	vst v63  }
0x239: {  	v3 =	vld.msk [tilespmem:$0x19908], $0xff;
	_ =	sdelay $0x4  }
0x23a: {  	v62 =	vshll.u32 v3, $0x2  }
0x23b: {  	v3 =	vand.u32 $0x7, v3;
	v4 =	vand.u32 $0xFFFFFFE0, v62  }
0x23c: {  	v3 =	vor.u32 v3, v4  }
0x23d: {  	v3 =	vperm.xlane v3, v1;
	_ =	sdelay $0x1  }
0x23e: {  	v3 =	vadd.s32 v2, v3;
	_ =	sdelay $0x4  }
0x23f: {  	[tilespmem:s19], [sflag:$0x4] =	stream.indirect_vreg.gather [hbm4b:s2+s29], $0x80, v3, vm0, $0xb8;
	[tilespmem:$0x1DB00] =	vst v63  }
0x240: {  	s4 =	simm.s32 $0x1B300  }
0x241: {  	[tilespmem:s4], [sflag:$0x4] =	stream.indirect_vreg.gather [hbm4b:s13+s29], $0x80, v3, vm0, $0xb8;
	[tilespmem:$0x1DB00] =	vst v63  }
0x242: {  	v3 =	vld.msk [tilespmem:$0x19910], $0xff;
	_ =	sdelay $0x4  }
0x243: {  	v63 =	vshll.u32 v3, $0x2  }
0x244: {  	v3 =	vand.u32 $0x7, v3;
	v4 =	vand.u32 $0xFFFFFFE0, v63  }
0x245: {  	v3 =	vor.u32 v3, v4  }
0x246: {  	v3 =	vperm.xlane v3, v1;
	_ =	sdelay $0x1  }
0x247: {  	v3 =	vadd.s32 v2, v3;
	_ =	sdelay $0x4  }
0x248: {  	[tilespmem:s20], [sflag:$0x5] =	stream.indirect_vreg.gather [hbm4b:s2+s29], $0x80, v3, vm0, $0xb8;
	[tilespmem:$0x1DB00] =	vst v63  }
0x249: {  	s30 =	simm.s32 $0x19930;
	s31 =	simm.s32 $0x1C300  }
0x24a: {  	[tilespmem:s31], [sflag:$0x5] =	stream.indirect_vreg.gather [hbm4b:s13+s29], $0x80, v3, vm0, $0xb8;
	[tilespmem:$0x1DB00] =	vst v63  }
.LBB2_18:
0x24b: {  	p0 =	seq.s32 s29, $0x0  }
0x24c: {  	s0 =	simm.s32 @!p0 $0xA  }
0x24d: {  	_ =	swait.ge @!p0 [sflag:s0], $0x1000  }
0x24e: {  	[sflag:s0] =	ssyncset.done @!p0 $0x0  }
0x24f: {  	[sflag:s0] =	ssyncadd.s32 @!p0 $0xFFFFF000  }
0x250: {  	v3 =	vld.msk [tilespmem:s30+$0xFFFFFFE8], $0xff;
	_ =	sdelay $0x4  }
0x251: {  	v4 =	vshll.u32 v3, $0x2  }
0x252: {  	v3 =	vand.u32 $0x7, v3;
	v4 =	vand.u32 $0xFFFFFFE0, v4  }
0x253: {  	v3 =	vor.u32 v3, v4  }
0x254: {  	v3 =	vperm.xlane v3, v1;
	_ =	sdelay $0x1  }
0x255: {  	v3 =	vadd.s32 v2, v3;
	_ =	sdelay $0x4  }
0x256: {  	[tilespmem:s21], [sflag:$0x6] =	stream.indirect_vreg.gather [hbm4b:s2+s3], $0x80, v3, vm0, $0xb8;
	[tilespmem:$0x1DB00] =	vst v63  }
0x257: {  	_ = 	snop  }
0x258: {  	[tilespmem:s22], [sflag:$0x6] =	stream.indirect_vreg.gather [hbm4b:s13+s3], $0x80, v3, vm0, $0xb8;
	[tilespmem:$0x1DB00] =	vst v63  }
0x259: {  	_ =	swait.ge [sflag:s23], $0x1000  }
0x25a: {  	p0 =	seq.s32 s29, $0x7800;
	[sflag:s23] =	ssyncset.done $0x0  }
0x25b: {  	s31 =	sadd.s32 s29, s24;
	s0 =	simm.s32 @!p0 $0x7;
	[sflag:s23] =	ssyncadd.s32 $0xFFFFF000  }
0x25c: {  	[hbm4b:s31+s3] =	stream.linear.scatter [tilespmem:s18], [sflag:$0x7], $0x1000, $0x38;
	[tilespmem:$0x1DB00] =	vst v63  }
0x25d: {  	_ =	swait.ge @!p0 [sflag:s0], $0x1000  }
0x25e: {  	[sflag:s0] =	ssyncset.done @!p0 $0x0  }
0x25f: {  	[sflag:s0] =	ssyncadd.s32 @!p0 $0xFFFFF000  }
0x260: {  	v3 =	vld.msk @!p0 [tilespmem:s30+$0xFFFFFFF0], $0xff;
	_ =	sdelay $0x4  }
0x261: {  	v4 =	vshll.u32 @!p0 v3, $0x2  }
0x262: {  	v5 =	vlaneseq.u32 @!p0;
	v3 =	vand.u32 @!p0 $0x7, v3;
	v4 =	vand.u32 @!p0 $0xFFFFFFE0, v4  }
0x263: {  	v3 =	vor.u32 @!p0 v3, v4;
	v4 =	vand.u32 @!p0 $0x7, v5;
	v5 =	vshrl.u32 @!p0 v5, $0x3  }
0x264: {  	v3 =	vperm.xlane @!p0 v3, v4;
	v5 =	vmul.u32 @!p0 $0x8, v5;
	_ =	sdelay $0x1  }
0x265: {  	v3 =	vadd.s32 @!p0 v5, v3;
	_ =	sdelay $0x3  }
0x266: {  	vm1 =	vmmov @!p0 $0xffff;
	s4 =	simm.s32 @!p0 $0x19B00;
	s0 =	simm.s32 @!p0 $0x0  }
0x267: {  	[tilespmem:s4], [sflag:$0x3] =	stream.indirect_vreg.gather @!p0 [hbm4b:s2+s0], $0x80, v3, vm1, $0xb8;
	[tilespmem:$0x1DB00] =	vst v63  }
0x268: {  	s4 =	simm.s32 @!p0 $0x1A300  }
0x269: {  	[tilespmem:s4], [sflag:$0x3] =	stream.indirect_vreg.gather @!p0 [hbm4b:s13+s0], $0x80, v3, vm1, $0xb8;
	[tilespmem:$0x1DB00] =	vst v63  }
0x26a: {  	_ =	swait.ge [sflag:s25], $0x1000  }
0x26b: {  	[sflag:s25] =	ssyncset.done $0x0  }
0x26c: {  	s4 =	sadd.s32 $0x200, s31;
	[sflag:s25] =	ssyncadd.s32 $0xFFFFF000  }
0x26d: {  	[hbm4b:s4+s3] =	stream.linear.scatter [tilespmem:s19], [sflag:$0x8], $0x1000, $0x38;
	[tilespmem:$0x1DB00] =	vst v63  }
0x26e: {  	s4 =	simm.s32 @!p0 $0x8  }
0x26f: {  	_ =	swait.ge @!p0 [sflag:s4], $0x1000  }
0x270: {  	[sflag:s4] =	ssyncset.done @!p0 $0x0  }
0x271: {  	[sflag:s4] =	ssyncadd.s32 @!p0 $0xFFFFF000  }
0x272: {  	v3 =	vld.msk @!p0 [tilespmem:s30+$0xFFFFFFF8], $0xff;
	_ =	sdelay $0x4  }
0x273: {  	v6 =	vshll.u32 @!p0 v3, $0x2  }
0x274: {  	v3 =	vand.u32 @!p0 $0x7, v3;
	v6 =	vand.u32 @!p0 $0xFFFFFFE0, v6  }
0x275: {  	v3 =	vor.u32 @!p0 v3, v6  }
0x276: {  	v3 =	vperm.xlane @!p0 v3, v4;
	_ =	sdelay $0x1  }
0x277: {  	v3 =	vadd.s32 @!p0 v5, v3;
	_ =	sdelay $0x3  }
0x278: {  	s4 =	simm.s32 @!p0 $0x1AB00  }
0x279: {  	[tilespmem:s4], [sflag:$0x4] =	stream.indirect_vreg.gather @!p0 [hbm4b:s2+s0], $0x80, v3, vm1, $0xb8;
	[tilespmem:$0x1DB00] =	vst v63  }
0x27a: {  	s4 =	simm.s32 @!p0 $0x1B300  }
0x27b: {  	[tilespmem:s4], [sflag:$0x4] =	stream.indirect_vreg.gather @!p0 [hbm4b:s13+s0], $0x80, v3, vm1, $0xb8;
	[tilespmem:$0x1DB00] =	vst v63  }
0x27c: {  	_ =	swait.ge [sflag:s1], $0x1000  }
0x27d: {  	[sflag:s1] =	ssyncset.done $0x0  }
0x27e: {  	s4 =	sadd.s32 $0x400, s31;
	[sflag:s1] =	ssyncadd.s32 $0xFFFFF000  }
0x27f: {  	[hbm4b:s4+s3] =	stream.linear.scatter [tilespmem:s20], [sflag:$0x9], $0x1000, $0x38;
	[tilespmem:$0x1DB00] =	vst v63  }
0x280: {  	s4 =	simm.s32 @!p0 $0x9  }
0x281: {  	_ =	swait.ge @!p0 [sflag:s4], $0x1000  }
0x282: {  	[sflag:s4] =	ssyncset.done @!p0 $0x0  }
0x283: {  	[sflag:s4] =	ssyncadd.s32 @!p0 $0xFFFFF000  }
0x284: {  	v3 =	vld.msk @!p0 [tilespmem:s30+$0x0], $0xff;
	_ =	sdelay $0x4  }
0x285: {  	v6 =	vshll.u32 @!p0 v3, $0x2  }
0x286: {  	v3 =	vand.u32 @!p0 $0x7, v3;
	v6 =	vand.u32 @!p0 $0xFFFFFFE0, v6  }
0x287: {  	v3 =	vor.u32 @!p0 v3, v6  }
0x288: {  	v3 =	vperm.xlane @!p0 v3, v4;
	_ =	sdelay $0x1  }
0x289: {  	v3 =	vadd.s32 @!p0 v5, v3;
	_ =	sdelay $0x3  }
0x28a: {  	s4 =	simm.s32 @!p0 $0x1BB00  }
0x28b: {  	[tilespmem:s4], [sflag:$0x5] =	stream.indirect_vreg.gather @!p0 [hbm4b:s2+s0], $0x80, v3, vm1, $0xb8;
	[tilespmem:$0x1DB00] =	vst v63  }
0x28c: {  	s29 =	sadd.s32 $0x800, s29;
	s4 =	simm.s32 @!p0 $0x1C300  }
0x28d: {  	[tilespmem:s4], [sflag:$0x5] =	stream.indirect_vreg.gather @!p0 [hbm4b:s13+s0], $0x80, v3, vm1, $0xb8;
	[tilespmem:$0x1DB00] =	vst v63  }
0x28e: {  	p0 =	sne.s32 s29, $0x8000  }
.Ltmp8:
0x28f: {  	_ = 	snop;
	(pc) =	sbr.rel @p0 .LBB2_18-.Ltmp8, $4  }
0x290: {  	_ =	swait.ge [sflag:s26], $0x1000  }
0x291: {  	[sflag:s26] =	ssyncset.done $0x0  }
0x292: {  	s31 =	sadd.s32 $0x600, s31;
	s30 =	sadd.s32 $0x20, s30;
	[sflag:s26] =	ssyncadd.s32 $0xFFFFF000  }
0x293: {  	[hbm4b:s31+s3] =	stream.linear.scatter [tilespmem:s21], [sflag:$0xA], $0x1000, $0x38;
	[tilespmem:$0x1DB00] =	vst v63  }
0x294: {  	s0 =	simm.s32 $0x7  }
0x295: {  	_ =	swait.ge [sflag:s0], $0x1000  }
0x296: {  	[sflag:s0] =	ssyncset.done $0x0  }
0x297: {  	s29 =	simm.s32 $0x8;
	[sflag:s0] =	ssyncadd.s32 $0xFFFFF000  }
0x298: {  	_ =	swait.ge [sflag:s29], $0x1000  }
0x299: {  	[sflag:s29] =	ssyncset.done $0x0  }
0x29a: {  	s30 =	simm.s32 $0x9;
	[sflag:s29] =	ssyncadd.s32 $0xFFFFF000  }
0x29b: {  	_ =	swait.ge [sflag:s30], $0x1000  }
0x29c: {  	[sflag:s30] =	ssyncset.done $0x0  }
0x29d: {  	s4 =	simm.s32 $0xA;
	[sflag:s30] =	ssyncadd.s32 $0xFFFFF000  }
0x29e: {  	_ =	swait.ge [sflag:s4], $0x1000  }
0x29f: {  	s28 =	sadd.s32 $0x1, s28;
	s31 =	rddreg [dreg:$0x6]  }
0x2a0: {  	p0 =	sne.s32 s28, s31  }
.Ltmp9:
0x2a1: {  	_ = 	snop;
	(pc) =	sbr.rel @p0 .LBB2_1-.Ltmp9, $3  }
0x2a2: {  	_ =	sdelay $0x1  }
0x2a3: {  	[sflag:s4] =	ssyncset.done $0x0  }
0x2a4: {  	[sflag:s4] =	ssyncadd.s32 $0xFFFFF000;
	s4 =	simm.s32 $0x18700  }
0x2a5: {  	_ =	sfence.sel $0x180000  }
0x2a6: {  	[bflag:$0x0] =	sbarrier.arrive $0xFFFF  }
0x2a7: {  	_ =	strace $0x90000047  }
0x2a8: {  	s0 =	stileid.u32;
	[bflag:$0x2] =	sbarrier.arrive $0xFFFF  }
0x2a9: {  	p0 =	sne.s32 s0, $0x0;
	s0 =	rddreg [dreg:$0x3]  }
0x2aa: {  	s0 =	sadd.s32 @!p0 $0x100000, s0  }
0x2ab: {  	[sflag:s0] =	ssyncadd.tile.s32 @!p0 $0x1;
	_ =	shalt  }
.Lfunc_end2:
_tile_overlayer_lowered:
.L_overlay_start_2:
0x2ac: {  	(tag) =	ssettag $0x2  }
0x2ad: {  	s0 =	rddreg [dreg:$0x0];
	s2 =	stileid.u32  }
0x2ae: {  	s1 =	rddreg [dreg:$0x1];
	p0 =	sne.s32 s2, $0x0  }
0x2af: {  	s3 =	rddreg [dreg:$0x2];
	[bflag:$0x3] =	sbarrier.arrive $0xFFFF;
	s2 =	simm.s32 @!p0 $0x1C0B  }
0x2b0: {  	[timem:s3], [sflag:s2] =	dma.local @!p0 [hbm:s0], s1  }
0x2b1: {  	s0 =	simm.s32 @!p0 $0xB  }
0x2b2: {  	_ =	swait.ge @!p0 [sflag:s0], s1  }
0x2b3: {  	s1 =	ssub.s32 @!p0 $0x0, s1;
	[sflag:s0] =	ssyncset.done @!p0 $0x0  }
0x2b4: {  	[sflag:s0] =	ssyncadd.s32 @!p0 s1  }
0x2b5: {  	[bflag:$0x3] =	sbarrier.arrive $0xFFFF  }
0x2b6: {  	_ =	shalt  }

</sc_bundles>
